<compile_context>
chip_gen: v7x
topology: tpu7x:2x2x1
jax: 0.10.2.dev20260603
libtpu: 0.0.44.dev20260713+nightly
codegen_flags: <defaults>
</compile_context>

<pallas_src>
import functools

import jax
import jax.numpy as jnp
from jax import lax
from jax.experimental import pallas as pl
from jax.experimental.pallas import tpu as pltpu
from jax.experimental.pallas import tpu_sc as plsc

_V = 100000
_E = 128
_H2 = 1024
_B = 64
_S = 50
_M = 32
_VT = 10240
_NV = (_V + _VT - 1) // _VT
_NW = 32


_TF_R1 = (13, 15, 26, 6)
_TF_R2 = (17, 29, 16, 24)
_TF_PARITY = 0x1BD11BDA


def _tf_py(k1, k2, x0, x1):
    msk = 0xFFFFFFFF
    rot = lambda x, r: ((x << r) | (x >> (32 - r))) & msk
    ks = [k1, k2, (k1 ^ k2 ^ _TF_PARITY) & msk]
    x0 = (x0 + ks[0]) & msk
    x1 = (x1 + ks[1]) & msk
    for j, rs in enumerate((_TF_R1, _TF_R2, _TF_R1, _TF_R2, _TF_R1)):
        for r in rs:
            x0 = (x0 + x1) & msk
            x1 = x0 ^ rot(x1, r)
        x0 = (x0 + ks[(j + 1) % 3]) & msk
        x1 = (x1 + ks[(j + 2) % 3] + j + 1) & msk
    return x0, x1


def _fold_in_py(i):
    return _tf_py(0, 42, 0, i)


def _i32c(x):
    x &= 0xFFFFFFFF
    return x - (1 << 32) if x >= (1 << 31) else x


def _tf_bits(k1, k2, p):
    c = lambda v: jnp.int32(_i32c(v))
    ks0, ks1 = k1, k2
    ks2 = k1 ^ k2 ^ _TF_PARITY

    def rot(x, r):
        return lax.shift_left(x, jnp.int32(r)) | lax.shift_right_logical(
            x, jnp.int32(32 - r))

    x0 = jnp.full(p.shape, c(ks0), jnp.int32)
    x1 = p + c(ks1)
    ks = (ks0, ks1, ks2)
    for j, rs in enumerate((_TF_R1, _TF_R2, _TF_R1, _TF_R2, _TF_R1)):
        for r in rs:
            x0 = x0 + x1
            x1 = x0 ^ rot(x1, r)
        x0 = x0 + c(ks[(j + 1) % 3])
        x1 = x1 + c(ks[(j + 2) % 3] + j + 1)
    return x0 ^ x1


_K0 = _fold_in_py(0)
_K1 = _fold_in_py(1)
_F32_TINY = 1.1754943508222875e-38


def _gumbel_tile(key_words, i):
    row = lax.broadcasted_iota(jnp.int32, (_B, _VT), 0)
    col = lax.broadcasted_iota(jnp.int32, (_B, _VT), 1) + i * _VT
    p = row * _V + col
    bits = _tf_bits(key_words[0], key_words[1], p)
    fb = lax.shift_right_logical(bits, jnp.int32(9)) | jnp.int32(0x3F800000)
    f = lax.bitcast_convert_type(fb, jnp.float32) - jnp.float32(1.0)
    u = jnp.maximum(f, jnp.float32(_F32_TINY))
    return -jnp.log(-jnp.log(u))



def _sc_mesh():
    return plsc.VectorSubcoreMesh(core_axis_name="c", subcore_axis_name="s")


def _sc_initial_gather(word_table, qidx_flat, entity_table, mem_flat):

    @functools.partial(
        pl.kernel,
        out_type=(
            jax.ShapeDtypeStruct((_NW * 104, _E), jnp.float32),
            jax.ShapeDtypeStruct((_B * _M, _E), jnp.float32),
        ),
        mesh=_sc_mesh(),
        scratch_types=[
            pltpu.VMEM((104,), jnp.int32),
            pltpu.VMEM((104, _E), jnp.float32),
            pltpu.VMEM((64,), jnp.int32),
            pltpu.VMEM((64, _E), jnp.float32),
            pltpu.SemaphoreType.DMA,
            pltpu.SemaphoreType.DMA,
        ],
    )
    def k(wt, qi, et, mf, qe_out, me_out, qi_v, qrows_v, mi_v, mrows_v, sem, sem2):
        wid = lax.axis_index("s") * 2 + lax.axis_index("c")
        pltpu.sync_copy(mf.at[pl.ds(wid * 64, 64)], mi_v)
        pltpu.async_copy(et.at[mi_v], mrows_v, sem2)
        pltpu.sync_copy(qi.at[pl.ds(wid * 128, 104)], qi_v)
        pltpu.async_copy(wt.at[qi_v], qrows_v, sem).wait()
        pltpu.sync_copy(qrows_v, qe_out.at[pl.ds(wid * 104, 104)])
        pltpu.make_async_copy(et.at[mi_v], mrows_v, sem2).wait()
        pltpu.sync_copy(mrows_v, me_out.at[pl.ds(wid * 64, 64)])

    return k(word_table, qidx_flat, entity_table, mem_flat)


def _sc_walk_gather(entity_table, memory_graph, entities):

    @functools.partial(
        pl.kernel,
        out_type=(
            jax.ShapeDtypeStruct((_B, _E), jnp.float32),
            jax.ShapeDtypeStruct((_B * _M, _E), jnp.float32),
        ),
        mesh=_sc_mesh(),
        scratch_types=[
            pltpu.VMEM((_B + 16,), jnp.int32),
            pltpu.VMEM((8, _M), jnp.int32),
            pltpu.VMEM((8, _M), jnp.int32),
            pltpu.VMEM((64,), jnp.int32),
            pltpu.VMEM((64, _E), jnp.float32),
            pltpu.VMEM((_B, _E), jnp.float32),
            pltpu.SemaphoreType.DMA,
            pltpu.SemaphoreType.DMA,
        ],
    )
    def k(et, mg, ents, eemb_out, memb_out, ents_v, blk0_v, blk1_v, idx_v,
          erows_v, eerows_v, sem, sem2):
        wid = lax.axis_index("s") * 2 + lax.axis_index("c")
        b0 = wid * 2
        pltpu.sync_copy(ents, ents_v.at[pl.ds(0, _B)])

        @pl.when(wid < 8)
        def _():
            pltpu.async_copy(et.at[ents_v.at[pl.ds(0, _B)]], eerows_v, sem2)

        e0 = ents_v[pl.ds(b0, 16)][0]
        e1 = ents_v[pl.ds(b0 + 1, 16)][0]
        ca = pltpu.async_copy(
            mg.at[pl.ds(pl.multiple_of((e0 // 8) * 8, 8), 8)], blk0_v, sem)
        cb = pltpu.async_copy(
            mg.at[pl.ds(pl.multiple_of((e1 // 8) * 8, 8), 8)], blk1_v, sem)
        ca.wait()
        cb.wait()
        for r, (blk, e) in enumerate(((blk0_v, e0), (blk1_v, e1))):
            for c in range(2):
                idx_v[pl.ds((r * 2 + c) * 16, 16)] = blk[e % 8, pl.ds(c * 16, 16)]
        pltpu.async_copy(et.at[idx_v], erows_v, sem).wait()
        pltpu.sync_copy(erows_v, memb_out.at[pl.ds(b0 * _M, 64)])

        @pl.when(wid < 8)
        def _():
            pltpu.make_async_copy(et.at[ents_v.at[pl.ds(0, _B)]], eerows_v,
                                  sem2).wait()
            pltpu.sync_copy(eerows_v.at[pl.ds(wid * 8, 8)],
                            eemb_out.at[pl.ds(wid * 8, 8)])

    return k(entity_table, memory_graph, entities)



def _front(aq, me, watt, wca, wcb, bc, ws):
    t = lax.dot_general(aq, watt, (((1,), (1,)), ((), ())),
                        preferred_element_type=jnp.float32)
    scores = jnp.sum(me * t[:, None, :], axis=2)
    scores = scores - jnp.max(scores, axis=1, keepdims=True)
    ex = jnp.exp(scores)
    w = ex / jnp.sum(ex, axis=1, keepdims=True)
    mv = jnp.sum(w[:, :, None] * me, axis=1)
    comb = jnp.tanh(
        jnp.dot(aq, wca, preferred_element_type=jnp.float32)
        + jnp.dot(mv, wcb, preferred_element_type=jnp.float32)
        + bc)
    s = jnp.dot(comb, ws, preferred_element_type=jnp.float32)
    return comb, s


def _select_tail(i, s_scr, et_ref, key_words, bv, bi, ent_out):
    lg = lax.dot_general(s_scr[...], et_ref[...], (((1,), (1,)), ((), ())),
                         preferred_element_type=jnp.float32) + _gumbel_tile(key_words, i)
    iota_v = lax.broadcasted_iota(jnp.int32, (_B, _VT), 1)
    lg = jnp.where(iota_v + i * _VT < _V, lg, -jnp.inf)
    mval = jnp.max(lg, axis=1, keepdims=True)
    idx = jnp.min(jnp.where(lg == mval, iota_v, _VT), axis=1, keepdims=True)
    gidx = idx + i * _VT
    upd = mval > bv[...]
    bi[...] = jnp.where(upd, gidx, bi[...])
    bv[...] = jnp.where(upd, mval, bv[...])

    @pl.when(i == _NV - 1)
    def _():
        ent_out[...] = bi[...]


def _phase0_call(q_emb3, len_f, W_enc, b_enc2, W_att, W_comb, b_comb2,
                 W_score, mem_emb3, entity_table, key_words):
    def body(q_ref, len_ref, wenc, benc, watt, wc, bc, ws, me, et_ref,
             comb_out, ent_out, s_scr, bv, bi):
        i = pl.program_id(0)

        @pl.when(i == 0)
        def _():
            iota_s = lax.broadcasted_iota(jnp.int32, (_B, _S), 1).astype(jnp.float32)
            mask = (iota_s < len_ref[...]).astype(jnp.float32)
            qp = jnp.sum(q_ref[...] * mask[:, :, None], axis=1) / len_ref[...]
            aq = jnp.tanh(jnp.dot(qp, wenc[...],
                                  preferred_element_type=jnp.float32) + benc[...])
            comb, s = _front(aq, me[...], watt[...], wc[0:_H2, :],
                             wc[_H2:, :], bc[...], ws[...])
            comb_out[...] = comb
            s_scr[...] = s
            bv[...] = jnp.full((_B, 1), -jnp.inf, jnp.float32)
            bi[...] = jnp.zeros((_B, 1), jnp.int32)

        _select_tail(i, s_scr, et_ref, key_words, bv, bi, ent_out)

    full = lambda shape: pl.BlockSpec(shape, lambda i: (0,) * len(shape))
    return pl.pallas_call(
        body,
        grid=(_NV,),
        in_specs=[
            full((_B, _S, _E)),
            full((_B, 1)),
            full((_E, _H2)),
            full((1, _H2)),
            full((_E, _H2)),
            full((_H2 + _E, _H2)),
            full((1, _H2)),
            full((_H2, _E)),
            full((_B, _M, _E)),
            pl.BlockSpec((_VT, _E), lambda i: (i, 0)),
        ],
        out_specs=[full((_B, _H2)), full((_B, 1))],
        out_shape=[
            jax.ShapeDtypeStruct((_B, _H2), jnp.float32),
            jax.ShapeDtypeStruct((_B, 1), jnp.int32),
        ],
        scratch_shapes=[
            pltpu.VMEM((_B, _E), jnp.float32),
            pltpu.VMEM((_B, 1), jnp.float32),
            pltpu.VMEM((_B, 1), jnp.int32),
        ],
        compiler_params=pltpu.CompilerParams(
            dimension_semantics=("arbitrary",)),
    )(q_emb3, len_f, W_enc, b_enc2, W_att, W_comb, b_comb2,
      W_score, mem_emb3, entity_table)


def _phase_walk_call(comb_prev, eemb, W_proj, b_proj2, W_att,
                     W_comb, b_comb2, W_score, mem_emb3,
                     entity_table, key_words):

    def body(cp, ee, wp, bp, watt, wc, bc, ws, me, et_ref,
             comb_out, ent_out, s_scr, bv, bi):
        i = pl.program_id(0)

        @pl.when(i == 0)
        def _():
            aq = jnp.tanh(
                jnp.dot(cp[...], wp[0:_H2, :], preferred_element_type=jnp.float32)
                + jnp.dot(ee[...], wp[_H2:, :], preferred_element_type=jnp.float32)
                + bp[...])
            comb, s = _front(aq, me[...], watt[...], wc[0:_H2, :],
                             wc[_H2:, :], bc[...], ws[...])
            comb_out[...] = comb
            s_scr[...] = s
            bv[...] = jnp.full((_B, 1), -jnp.inf, jnp.float32)
            bi[...] = jnp.zeros((_B, 1), jnp.int32)

        _select_tail(i, s_scr, et_ref, key_words, bv, bi, ent_out)

    full = lambda shape: pl.BlockSpec(shape, lambda i: (0,) * len(shape))
    return pl.pallas_call(
        body,
        grid=(_NV,),
        in_specs=[
            full((_B, _H2)),
            full((_B, _E)),
            full((_H2 + _E, _H2)),
            full((1, _H2)),
            full((_E, _H2)),
            full((_H2 + _E, _H2)),
            full((1, _H2)),
            full((_H2, _E)),
            full((_B, _M, _E)),
            pl.BlockSpec((_VT, _E), lambda i: (i, 0)),
        ],
        out_specs=[full((_B, _H2)), full((_B, 1))],
        out_shape=[
            jax.ShapeDtypeStruct((_B, _H2), jnp.float32),
            jax.ShapeDtypeStruct((_B, 1), jnp.int32),
        ],
        scratch_shapes=[
            pltpu.VMEM((_B, _E), jnp.float32),
            pltpu.VMEM((_B, 1), jnp.float32),
            pltpu.VMEM((_B, 1), jnp.int32),
        ],
        compiler_params=pltpu.CompilerParams(
            dimension_semantics=("arbitrary",)),
    )(comb_prev, eemb, W_proj, b_proj2, W_att, W_comb,
      b_comb2, W_score, mem_emb3, entity_table)


def _phase_final_call(comb_prev, eemb, W_proj, b_proj2, W_att,
                      W_comb, b_comb2, W_score, mem_emb3,
                      entity_table):

    def body(cp, ee, wp, bp, watt, wc, bc, ws, me, et_ref,
             out_ref, s_scr):
        i = pl.program_id(0)

        @pl.when(i == 0)
        def _():
            aq = jnp.tanh(
                jnp.dot(cp[...], wp[0:_H2, :], preferred_element_type=jnp.float32)
                + jnp.dot(ee[...], wp[_H2:, :], preferred_element_type=jnp.float32)
                + bp[...])
            _, s = _front(aq, me[...], watt[...], wc[0:_H2, :],
                          wc[_H2:, :], bc[...], ws[...])
            s_scr[...] = s

        out_ref[...] = lax.dot_general(
            s_scr[...], et_ref[...], (((1,), (1,)), ((), ())),
            preferred_element_type=jnp.float32)

    full = lambda shape: pl.BlockSpec(shape, lambda i: (0,) * len(shape))
    return pl.pallas_call(
        body,
        grid=(_NV,),
        in_specs=[
            full((_B, _H2)),
            full((_B, _E)),
            full((_H2 + _E, _H2)),
            full((1, _H2)),
            full((_E, _H2)),
            full((_H2 + _E, _H2)),
            full((1, _H2)),
            full((_H2, _E)),
            full((_B, _M, _E)),
            pl.BlockSpec((_VT, _E), lambda i: (i, 0)),
        ],
        out_specs=pl.BlockSpec((_B, _VT), lambda i: (0, i)),
        out_shape=jax.ShapeDtypeStruct((_B, _V), jnp.float32),
        scratch_shapes=[pltpu.VMEM((_B, _E), jnp.float32)],
        compiler_params=pltpu.CompilerParams(
            dimension_semantics=("arbitrary",)),
    )(comb_prev, eemb, W_proj, b_proj2, W_att, W_comb,
      b_comb2, W_score, mem_emb3, entity_table)



def kernel(memory, question, question_lengths, memory_graph, entity_table,
           word_table, W_enc, b_enc, W_att, W_comb, b_comb, W_score, W_proj,
           b_proj):
    memory = memory.astype(jnp.int32)
    question = question.astype(jnp.int32)
    memory_graph = memory_graph.astype(jnp.int32)

    len_f = jnp.maximum(question_lengths, 1).astype(jnp.float32).reshape(_B, 1)
    b_enc2 = b_enc.reshape(1, _H2)
    b_comb2 = b_comb.reshape(1, _H2)
    b_proj2 = b_proj.reshape(1, _H2)

    qflat = jnp.pad(question.reshape(_B * _S), (0, _NW * 104 - _B * _S))
    qidx_flat = jnp.pad(qflat.reshape(_NW, 104), ((0, 0), (0, 24))).reshape(_NW * 128)
    mem_flat = memory.reshape(_B * _M)

    q_emb, mem_emb0 = _sc_initial_gather(word_table, qidx_flat, entity_table,
                                         mem_flat)
    comb0, ent0 = _phase0_call(
        q_emb[:_B * _S].reshape(_B, _S, _E), len_f, W_enc, b_enc2, W_att,
        W_comb, b_comb2, W_score, mem_emb0.reshape(_B, _M, _E),
        entity_table, _K0)

    eemb1, mem_emb1 = _sc_walk_gather(entity_table, memory_graph, ent0.reshape(_B))
    comb1, ent1 = _phase_walk_call(
        comb0, eemb1, W_proj, b_proj2, W_att, W_comb,
        b_comb2, W_score, mem_emb1.reshape(_B, _M, _E), entity_table, _K1)

    eemb2, mem_emb2 = _sc_walk_gather(entity_table, memory_graph, ent1.reshape(_B))
    logits = _phase_final_call(
        comb1, eemb2, W_proj, b_proj2, W_att, W_comb,
        b_comb2, W_score, mem_emb2.reshape(_B, _M, _E), entity_table)
    return logits

# --- scband reference (transcript-rebuilt; emitter-appended) ---
"""Pipeline reference for scband-walking-memory-59433757442454 (READ-ONLY COPY).

The authoritative reference and input builder live on the scoring server;
editing this copy changes nothing except your own understanding.
"""

import jax, jax.numpy as jnp
import numpy as np

V = 100000
WV = 100000
E = 128
H = 512
B = 64
S = 50
M = 32


def gumbel_softmax_hard(logits, key, tau=1.0):
    g = jax.random.gumbel(key, logits.shape, dtype=logits.dtype)
    y_soft = jax.nn.softmax((logits + g) / tau, axis=1)
    idx = jnp.argmax(y_soft, axis=1)
    y_hard = jax.nn.one_hot(idx, logits.shape[1], dtype=logits.dtype)
    return y_hard + y_soft - jax.lax.stop_gradient(y_soft)


def setup_inputs(seed: int = 0):
    key = jax.random.key(seed)
    ks = jax.random.split(key, 12)
    sc = 0.02
    inp = {}
    inp['memory'] = jax.random.randint(ks[0], (B, M), 0, V)
    inp['question'] = jax.random.randint(ks[1], (B, S), 0, WV)
    inp['question_lengths'] = jax.random.randint(ks[2], (B,), 1, S + 1)
    inp['memory_graph'] = jax.random.randint(ks[3], (V, M), 0, V)
    inp['entity_table'] = jax.random.normal(ks[4], (V, E), dtype=jnp.float32) * sc
    inp['word_table'] = jax.random.normal(ks[5], (WV, E), dtype=jnp.float32) * sc
    inp['W_enc'] = jax.random.normal(ks[6], (E, 2 * H), dtype=jnp.float32) * sc
    inp['b_enc'] = jnp.zeros((2 * H,), dtype=jnp.float32)
    inp['W_att'] = jax.random.normal(ks[7], (E, 2 * H), dtype=jnp.float32) * sc
    inp['W_comb'] = jax.random.normal(ks[8], (2 * H + E, 2 * H), dtype=jnp.float32) * sc
    inp['b_comb'] = jnp.zeros((2 * H,), dtype=jnp.float32)
    inp['W_score'] = jax.random.normal(ks[9], (2 * H, E), dtype=jnp.float32) * sc
    inp['W_proj'] = jax.random.normal(ks[10], (2 * H + E, 2 * H), dtype=jnp.float32) * sc
    inp['b_proj'] = jnp.zeros((2 * H,), dtype=jnp.float32)
    return inp


def _mem_read(mem_ids, attn_ques, entity_table, W_att, W_comb, b_comb, W_score):
    mem_emb = jnp.take(entity_table, mem_ids, axis=0)
    scores = jnp.einsum('bme,eh,bh->bm', mem_emb, W_att, attn_ques)
    w = jax.nn.softmax(scores, axis=1)
    mem_vec = jnp.einsum('bm,bme->be', w, mem_emb)
    combined = jnp.tanh(jnp.concatenate([attn_ques, mem_vec], axis=1) @ W_comb + b_comb)
    logits = (combined @ W_score) @ entity_table.T
    return logits, combined


def reference(memory, question, question_lengths, memory_graph, entity_table, word_table, W_enc, b_enc, W_att, W_comb, b_comb, W_score, W_proj, b_proj):
    lengths = jnp.maximum(question_lengths, 1)
    q_emb = jnp.take(word_table, question, axis=0)
    mask = (jnp.arange(S)[None, :] < lengths[:, None]).astype(q_emb.dtype)
    q_pooled = jnp.sum(q_emb * mask[:, :, None], axis=1) / lengths[:, None].astype(q_emb.dtype)
    attn_ques = jnp.tanh(q_pooled @ W_enc + b_enc)
    logits, attn_ques = _mem_read(memory, attn_ques, entity_table, W_att, W_comb, b_comb, W_score)
    for i in range(2):
        k = jax.random.fold_in(jax.random.key(42), i)
        dist = gumbel_softmax_hard(logits, k)
        entities = jnp.argmax(dist, axis=1)
        mem_ids = jnp.take(memory_graph, entities, axis=0)
        entity_emb = dist @ entity_table
        attn_ques = jnp.tanh(jnp.concatenate([attn_ques, entity_emb], axis=1) @ W_proj + b_proj)
        logits, attn_ques = _mem_read(mem_ids, attn_ques, entity_table, W_att, W_comb, b_comb, W_score)
    return logits

if __name__ == "__main__":
    import jax
    _d = setup_inputs()
    print(jax.jit(kernel)(*tuple(_d.values())))

</pallas_src>

<mosaic_0001>
#map = affine_map<(d0, d1) -> (0, 0)>
#map1 = affine_map<(d0, d1) -> (0)>
module attributes {stable_mosaic.version = 14 : i64} {
  func.func @k(%arg0: i32, %arg1: i32, %arg2: memref<100000x128xf32, #tpu.memory_space<hbm>>, %arg3: memref<4096xi32, #tpu.memory_space<hbm>>, %arg4: memref<100000x128xf32, #tpu.memory_space<hbm>>, %arg5: memref<2048xi32, #tpu.memory_space<hbm>>, %arg6: memref<3328x128xf32, #tpu.memory_space<hbm>>, %arg7: memref<2048x128xf32, #tpu.memory_space<hbm>>, %arg8: memref<104xi32, #tpu.memory_space<vmem>>, %arg9: memref<104x128xf32, #tpu.memory_space<vmem>>, %arg10: memref<64xi32, #tpu.memory_space<vmem>>, %arg11: memref<64x128xf32, #tpu.memory_space<vmem>>, %arg12: memref<!tpu.dma_semaphore, #tpu.memory_space<semaphore_mem>>, %arg13: memref<!tpu.dma_semaphore, #tpu.memory_space<semaphore_mem>>) attributes {dimension_semantics = [#tpu.dimension_semantics<core_parallel>, #tpu.dimension_semantics<subcore_parallel>], iteration_bounds = array<i64: 2, 16>, scalar_prefetch = 0 : i64, scratch_operands = 6 : i64, tpu.core_type = #tpu.core_type<sc_vector_subcore>, window_params = [{transform_indices = #map}, {transform_indices = #map1}, {transform_indices = #map}, {transform_indices = #map1}, {transform_indices = #map}, {transform_indices = #map}]} {
    %mul3A = arith.constant 2 : i32
    %mul3A_0 = arith.muli %arg1, %mul3A : i32
    %add3A = arith.addi %mul3A_0, %arg0 : i32
    %mul3A_1 = arith.constant 64 : i32
    %mul3A_2 = arith.muli %add3A, %mul3A_1 : i32
    "tpu.region"() ({
      %run_scoped3A = tpu.sem_alloc : memref<!tpu.dma_semaphore, #tpu.memory_space<semaphore_mem>>
      %dma_start3A_19 = tpu.memref_slice %arg5[%mul3A_2] : memref<2048xi32, #tpu.memory_space<hbm>> -> memref<64xi32, #tpu.memory_space<hbm>>
      %dma_start3A_20 = tpu.memref_slice %arg5[%mul3A_2] : memref<2048xi32, #tpu.memory_space<hbm>> -> memref<64xi32, #tpu.memory_space<hbm>>
      tpu.enqueue_dma source(%dma_start3A_20 : memref<64xi32, #tpu.memory_space<hbm>>) target(%arg10 : memref<64xi32, #tpu.memory_space<vmem>>) target_semaphore(%run_scoped3A : memref<!tpu.dma_semaphore, #tpu.memory_space<semaphore_mem>>)
      %dma_wait3A_21 = tpu.memref_slice %arg5[%mul3A_2] : memref<2048xi32, #tpu.memory_space<hbm>> -> memref<64xi32, #tpu.memory_space<hbm>>
      %dma_wait3A_22 = tpu.memref_slice %arg5[%mul3A_2] : memref<2048xi32, #tpu.memory_space<hbm>> -> memref<64xi32, #tpu.memory_space<hbm>>
      tpu.wait_dma2 semaphore(%run_scoped3A : memref<!tpu.dma_semaphore, #tpu.memory_space<semaphore_mem>>) src(%dma_wait3A_22 : memref<64xi32, #tpu.memory_space<hbm>>) dst(%arg10 : memref<64xi32, #tpu.memory_space<vmem>>)
      tpu.yield
    }) : () -> ()
    %dma_start3A = arith.constant 0 : i32
    %dma_start3A_3 = arith.constant 0 : i32
    %dma_start3A_4 = tpu.memref_slice %arg4[%dma_start3A, %dma_start3A_3] : memref<100000x128xf32, #tpu.memory_space<hbm>> -> memref<100000x128xf32, #tpu.memory_space<hbm>>
    tpu.enqueue_indirect_dma source(%dma_start3A_4 : memref<100000x128xf32, #tpu.memory_space<hbm>>) target(%arg11 : memref<64x128xf32, #tpu.memory_space<vmem>>) offsets(%arg10 : memref<64xi32, #tpu.memory_space<vmem>>) semaphore(%arg13 : memref<!tpu.dma_semaphore, #tpu.memory_space<semaphore_mem>>)
    %mul3A_5 = arith.constant 128 : i32
    %mul3A_6 = arith.muli %add3A, %mul3A_5 : i32
    "tpu.region"() ({
      %run_scoped3A = tpu.sem_alloc : memref<!tpu.dma_semaphore, #tpu.memory_space<semaphore_mem>>
      %dma_start3A_19 = tpu.memref_slice %arg3[%mul3A_6] : memref<4096xi32, #tpu.memory_space<hbm>> -> memref<104xi32, #tpu.memory_space<hbm>>
      %dma_start3A_20 = tpu.memref_slice %arg3[%mul3A_6] : memref<4096xi32, #tpu.memory_space<hbm>> -> memref<104xi32, #tpu.memory_space<hbm>>
      tpu.enqueue_dma source(%dma_start3A_20 : memref<104xi32, #tpu.memory_space<hbm>>) target(%arg8 : memref<104xi32, #tpu.memory_space<vmem>>) target_semaphore(%run_scoped3A : memref<!tpu.dma_semaphore, #tpu.memory_space<semaphore_mem>>)
      %dma_wait3A_21 = tpu.memref_slice %arg3[%mul3A_6] : memref<4096xi32, #tpu.memory_space<hbm>> -> memref<104xi32, #tpu.memory_space<hbm>>
      %dma_wait3A_22 = tpu.memref_slice %arg3[%mul3A_6] : memref<4096xi32, #tpu.memory_space<hbm>> -> memref<104xi32, #tpu.memory_space<hbm>>
      tpu.wait_dma2 semaphore(%run_scoped3A : memref<!tpu.dma_semaphore, #tpu.memory_space<semaphore_mem>>) src(%dma_wait3A_22 : memref<104xi32, #tpu.memory_space<hbm>>) dst(%arg8 : memref<104xi32, #tpu.memory_space<vmem>>)
      tpu.yield
    }) : () -> ()
    %dma_start3A_7 = arith.constant 0 : i32
    %dma_start3A_8 = arith.constant 0 : i32
    %dma_start3A_9 = tpu.memref_slice %arg2[%dma_start3A_7, %dma_start3A_8] : memref<100000x128xf32, #tpu.memory_space<hbm>> -> memref<100000x128xf32, #tpu.memory_space<hbm>>
    tpu.enqueue_indirect_dma source(%dma_start3A_9 : memref<100000x128xf32, #tpu.memory_space<hbm>>) target(%arg9 : memref<104x128xf32, #tpu.memory_space<vmem>>) offsets(%arg8 : memref<104xi32, #tpu.memory_space<vmem>>) semaphore(%arg12 : memref<!tpu.dma_semaphore, #tpu.memory_space<semaphore_mem>>)
    %dma_wait3A = arith.constant 0 : i32
    %dma_wait3A_10 = arith.constant 0 : i32
    %dma_wait3A_11 = tpu.memref_slice %arg2[%dma_wait3A, %dma_wait3A_10] : memref<100000x128xf32, #tpu.memory_space<hbm>> -> memref<100000x128xf32, #tpu.memory_space<hbm>>
    tpu.wait_indirect_dma semaphore(%arg12 : memref<!tpu.dma_semaphore, #tpu.memory_space<semaphore_mem>>) src(%dma_wait3A_11 : memref<100000x128xf32, #tpu.memory_space<hbm>>) dst(%arg9 : memref<104x128xf32, #tpu.memory_space<vmem>>)
    %mul3A_12 = arith.constant 104 : i32
    %mul3A_13 = arith.muli %add3A, %mul3A_12 : i32
    "tpu.region"() ({
      %run_scoped3A = tpu.sem_alloc : memref<!tpu.dma_semaphore, #tpu.memory_space<semaphore_mem>>
      %dma_start3A_19 = arith.constant 0 : i32
      %dma_start3A_20 = tpu.memref_slice %arg6[%mul3A_13, %dma_start3A_19] : memref<3328x128xf32, #tpu.memory_space<hbm>> -> memref<104x128xf32, #tpu.memory_space<hbm>>
      %dma_start3A_21 = arith.constant 0 : i32
      %dma_start3A_22 = tpu.memref_slice %arg6[%mul3A_13, %dma_start3A_21] : memref<3328x128xf32, #tpu.memory_space<hbm>> -> memref<104x128xf32, #tpu.memory_space<hbm>>
      tpu.enqueue_dma source(%arg9 : memref<104x128xf32, #tpu.memory_space<vmem>>) target(%dma_start3A_22 : memref<104x128xf32, #tpu.memory_space<hbm>>) target_semaphore(%run_scoped3A : memref<!tpu.dma_semaphore, #tpu.memory_space<semaphore_mem>>)
      %dma_wait3A_23 = arith.constant 0 : i32
      %dma_wait3A_24 = tpu.memref_slice %arg6[%mul3A_13, %dma_wait3A_23] : memref<3328x128xf32, #tpu.memory_space<hbm>> -> memref<104x128xf32, #tpu.memory_space<hbm>>
      %dma_wait3A_25 = arith.constant 0 : i32
      %dma_wait3A_26 = tpu.memref_slice %arg6[%mul3A_13, %dma_wait3A_25] : memref<3328x128xf32, #tpu.memory_space<hbm>> -> memref<104x128xf32, #tpu.memory_space<hbm>>
      tpu.wait_dma2 semaphore(%run_scoped3A : memref<!tpu.dma_semaphore, #tpu.memory_space<semaphore_mem>>) src(%arg9 : memref<104x128xf32, #tpu.memory_space<vmem>>) dst(%dma_wait3A_26 : memref<104x128xf32, #tpu.memory_space<hbm>>)
      tpu.yield
    }) : () -> ()
    %dma_wait3A_14 = arith.constant 0 : i32
    %dma_wait3A_15 = arith.constant 0 : i32
    %dma_wait3A_16 = tpu.memref_slice %arg4[%dma_wait3A_14, %dma_wait3A_15] : memref<100000x128xf32, #tpu.memory_space<hbm>> -> memref<100000x128xf32, #tpu.memory_space<hbm>>
    tpu.wait_indirect_dma semaphore(%arg13 : memref<!tpu.dma_semaphore, #tpu.memory_space<semaphore_mem>>) src(%dma_wait3A_16 : memref<100000x128xf32, #tpu.memory_space<hbm>>) dst(%arg11 : memref<64x128xf32, #tpu.memory_space<vmem>>)
    %mul3A_17 = arith.constant 64 : i32
    %mul3A_18 = arith.muli %add3A, %mul3A_17 : i32
    "tpu.region"() ({
      %run_scoped3A = tpu.sem_alloc : memref<!tpu.dma_semaphore, #tpu.memory_space<semaphore_mem>>
      %dma_start3A_19 = arith.constant 0 : i32
      %dma_start3A_20 = tpu.memref_slice %arg7[%mul3A_18, %dma_start3A_19] : memref<2048x128xf32, #tpu.memory_space<hbm>> -> memref<64x128xf32, #tpu.memory_space<hbm>>
      %dma_start3A_21 = arith.constant 0 : i32
      %dma_start3A_22 = tpu.memref_slice %arg7[%mul3A_18, %dma_start3A_21] : memref<2048x128xf32, #tpu.memory_space<hbm>> -> memref<64x128xf32, #tpu.memory_space<hbm>>
      tpu.enqueue_dma source(%arg11 : memref<64x128xf32, #tpu.memory_space<vmem>>) target(%dma_start3A_22 : memref<64x128xf32, #tpu.memory_space<hbm>>) target_semaphore(%run_scoped3A : memref<!tpu.dma_semaphore, #tpu.memory_space<semaphore_mem>>)
      %dma_wait3A_23 = arith.constant 0 : i32
      %dma_wait3A_24 = tpu.memref_slice %arg7[%mul3A_18, %dma_wait3A_23] : memref<2048x128xf32, #tpu.memory_space<hbm>> -> memref<64x128xf32, #tpu.memory_space<hbm>>
      %dma_wait3A_25 = arith.constant 0 : i32
      %dma_wait3A_26 = tpu.memref_slice %arg7[%mul3A_18, %dma_wait3A_25] : memref<2048x128xf32, #tpu.memory_space<hbm>> -> memref<64x128xf32, #tpu.memory_space<hbm>>
      tpu.wait_dma2 semaphore(%run_scoped3A : memref<!tpu.dma_semaphore, #tpu.memory_space<semaphore_mem>>) src(%arg11 : memref<64x128xf32, #tpu.memory_space<vmem>>) dst(%dma_wait3A_26 : memref<64x128xf32, #tpu.memory_space<hbm>>)
      tpu.yield
    }) : () -> ()
    return
  }
}

#map = affine_map<(d0, d1) -> (0, 0)>
#map1 = affine_map<(d0, d1) -> (0)>
module attributes {stable_mosaic.version = 14 : i64} {
  func.func @k(%arg0: i32, %arg1: i32, %arg2: memref<100000x128xf32, #tpu.memory_space<hbm>>, %arg3: memref<100000x32xi32, #tpu.memory_space<hbm>>, %arg4: memref<64xi32, #tpu.memory_space<hbm>>, %arg5: memref<64x128xf32, #tpu.memory_space<hbm>>, %arg6: memref<2048x128xf32, #tpu.memory_space<hbm>>, %arg7: memref<80xi32, #tpu.memory_space<vmem>>, %arg8: memref<8x32xi32, #tpu.memory_space<vmem>>, %arg9: memref<8x32xi32, #tpu.memory_space<vmem>>, %arg10: memref<64xi32, #tpu.memory_space<vmem>>, %arg11: memref<64x128xf32, #tpu.memory_space<vmem>>, %arg12: memref<64x128xf32, #tpu.memory_space<vmem>>, %arg13: memref<!tpu.dma_semaphore, #tpu.memory_space<semaphore_mem>>, %arg14: memref<!tpu.dma_semaphore, #tpu.memory_space<semaphore_mem>>) attributes {dimension_semantics = [#tpu.dimension_semantics<core_parallel>, #tpu.dimension_semantics<subcore_parallel>], iteration_bounds = array<i64: 2, 16>, scalar_prefetch = 0 : i64, scratch_operands = 8 : i64, tpu.core_type = #tpu.core_type<sc_vector_subcore>, window_params = [{transform_indices = #map}, {transform_indices = #map}, {transform_indices = #map1}, {transform_indices = #map}, {transform_indices = #map}]} {
    %mul3A = arith.constant 2 : i32
    %mul3A_0 = arith.muli %arg1, %mul3A : i32
    %add3A = arith.addi %mul3A_0, %arg0 : i32
    %mul3A_1 = arith.constant 2 : i32
    %mul3A_2 = arith.muli %add3A, %mul3A_1 : i32
    "tpu.region"() ({
      %run_scoped3A = tpu.sem_alloc : memref<!tpu.dma_semaphore, #tpu.memory_space<semaphore_mem>>
      %dma_start3A_180 = arith.constant 0 : i32
      %dma_start3A_181 = tpu.memref_slice %arg7[%dma_start3A_180] : memref<80xi32, #tpu.memory_space<vmem>> -> memref<64xi32, #tpu.memory_space<vmem>>
      %dma_start3A_182 = arith.constant 0 : i32
      %dma_start3A_183 = tpu.memref_slice %arg7[%dma_start3A_182] : memref<80xi32, #tpu.memory_space<vmem>> -> memref<64xi32, #tpu.memory_space<vmem>>
      tpu.enqueue_dma source(%arg4 : memref<64xi32, #tpu.memory_space<hbm>>) target(%dma_start3A_183 : memref<64xi32, #tpu.memory_space<vmem>>) target_semaphore(%run_scoped3A : memref<!tpu.dma_semaphore, #tpu.memory_space<semaphore_mem>>)
      %dma_wait3A_184 = arith.constant 0 : i32
      %dma_wait3A_185 = tpu.memref_slice %arg7[%dma_wait3A_184] : memref<80xi32, #tpu.memory_space<vmem>> -> memref<64xi32, #tpu.memory_space<vmem>>
      %dma_wait3A_186 = arith.constant 0 : i32
      %dma_wait3A_187 = tpu.memref_slice %arg7[%dma_wait3A_186] : memref<80xi32, #tpu.memory_space<vmem>> -> memref<64xi32, #tpu.memory_space<vmem>>
      tpu.wait_dma2 semaphore(%run_scoped3A : memref<!tpu.dma_semaphore, #tpu.memory_space<semaphore_mem>>) src(%arg4 : memref<64xi32, #tpu.memory_space<hbm>>) dst(%dma_wait3A_187 : memref<64xi32, #tpu.memory_space<vmem>>)
      tpu.yield
    }) : () -> ()
    %lt3A = arith.constant 8 : i32
    %lt3A_3 = arith.cmpi slt, %add3A, %lt3A : i32
    %convert_element_type3A = arith.extui %lt3A_3 : i1 to i32
    %cond3A = arith.constant 0 : i32
    %cond3A_4 = arith.cmpi ne, %convert_element_type3A, %cond3A : i32
    scf.if %cond3A_4 {
      %dma_start3A_180 = arith.constant 0 : i32
      %dma_start3A_181 = tpu.memref_slice %arg7[%dma_start3A_180] : memref<80xi32, #tpu.memory_space<vmem>> -> memref<64xi32, #tpu.memory_space<vmem>>
      %dma_start3A_182 = arith.constant 0 : i32
      %dma_start3A_183 = arith.constant 0 : i32
      %dma_start3A_184 = tpu.memref_slice %arg2[%dma_start3A_182, %dma_start3A_183] : memref<100000x128xf32, #tpu.memory_space<hbm>> -> memref<100000x128xf32, #tpu.memory_space<hbm>>
      tpu.enqueue_indirect_dma source(%dma_start3A_184 : memref<100000x128xf32, #tpu.memory_space<hbm>>) target(%arg12 : memref<64x128xf32, #tpu.memory_space<vmem>>) offsets(%dma_start3A_181 : memref<64xi32, #tpu.memory_space<vmem>>) semaphore(%arg14 : memref<!tpu.dma_semaphore, #tpu.memory_space<semaphore_mem>>)
    } else {
    }
    %get3A = arith.index_cast %mul3A_2 : i32 to index
    %get3A_5 = tpu.vector_load %arg7[%get3A] {strides = array<i32>} : memref<80xi32, #tpu.memory_space<vmem>>, vector<16xi32>,
    %get3A_6 = vector.shape_cast %get3A_5 : vector<16xi32> to vector<16xi32>
    %slice3A = vector.extract_strided_slice %get3A_6 {offsets = [0], sizes = [1], strides = [1]} : vector<16xi32> to vector<1xi32>
    %squeeze3A = vector.extract %slice3A[0] : i32 from vector<1xi32>
    %add3A_7 = arith.constant 1 : i32
    %add3A_8 = arith.addi %mul3A_2, %add3A_7 : i32
    %get3A_9 = arith.index_cast %add3A_8 : i32 to index
    %get3A_10 = tpu.vector_load %arg7[%get3A_9] {strides = array<i32>} : memref<80xi32, #tpu.memory_space<vmem>>, vector<16xi32>,
    %get3A_11 = vector.shape_cast %get3A_10 : vector<16xi32> to vector<16xi32>
    %slice3A_12 = vector.extract_strided_slice %get3A_11 {offsets = [0], sizes = [1], strides = [1]} : vector<16xi32> to vector<1xi32>
    %squeeze3A_13 = vector.extract %slice3A_12[0] : i32 from vector<1xi32>
    %jit3A = arith.constant 8 : i32
    %div3A = arith.divsi %squeeze3A, %jit3A : i32
    %sign3A = arith.constant 0 : i32
    %sign3A_14 = arith.cmpi sgt, %squeeze3A, %sign3A : i32
    %sign3A_15 = arith.extui %sign3A_14 : i1 to i32
    %sign3A_16 = arith.constant 0 : i32
    %sign3A_17 = arith.cmpi slt, %squeeze3A, %sign3A_16 : i32
    %sign3A_18 = arith.extui %sign3A_17 : i1 to i32
    %sign3A_19 = arith.subi %sign3A_15, %sign3A_18 : i32
    %sign3A_20 = arith.constant 0 : i32
    %sign3A_21 = arith.cmpi sgt, %jit3A, %sign3A_20 : i32
    %sign3A_22 = arith.extui %sign3A_21 : i1 to i32
    %sign3A_23 = arith.constant 0 : i32
    %sign3A_24 = arith.cmpi slt, %jit3A, %sign3A_23 : i32
    %sign3A_25 = arith.extui %sign3A_24 : i1 to i32
    %sign3A_26 = arith.subi %sign3A_22, %sign3A_25 : i32
    %ne3A = arith.cmpi ne, %sign3A_19, %sign3A_26 : i32
    %rem3A = arith.remsi %squeeze3A, %jit3A : i32
    %ne3A_27 = arith.constant 0 : i32
    %ne3A_28 = arith.cmpi ne, %rem3A, %ne3A_27 : i32
    %and3A = arith.andi %ne3A, %ne3A_28 : i1
    %sub3A = arith.constant 1 : i32
    %sub3A_29 = arith.subi %div3A, %sub3A : i32
    %select_n3A = arith.select %and3A, %sub3A_29, %div3A : i32
    %mul3A_30 = arith.constant 8 : i32
    %mul3A_31 = arith.muli %select_n3A, %mul3A_30 : i32
    %multiple_of3A = tpu.assume_multiple %mul3A_31, 8 : i32
    %dma_start3A = arith.constant 0 : i32
    %dma_start3A_32 = tpu.memref_slice %arg3[%multiple_of3A, %dma_start3A] : memref<100000x32xi32, #tpu.memory_space<hbm>> -> memref<8x32xi32, #tpu.memory_space<hbm>>
    %dma_start3A_33 = arith.constant 0 : i32
    %dma_start3A_34 = tpu.memref_slice %arg3[%multiple_of3A, %dma_start3A_33] : memref<100000x32xi32, #tpu.memory_space<hbm>> -> memref<8x32xi32, #tpu.memory_space<hbm>>
    tpu.enqueue_dma source(%dma_start3A_34 : memref<8x32xi32, #tpu.memory_space<hbm>>) target(%arg8 : memref<8x32xi32, #tpu.memory_space<vmem>>) target_semaphore(%arg13 : memref<!tpu.dma_semaphore, #tpu.memory_space<semaphore_mem>>)
    %jit3A_35 = arith.constant 8 : i32
    %div3A_36 = arith.divsi %squeeze3A_13, %jit3A_35 : i32
    %sign3A_37 = arith.constant 0 : i32
    %sign3A_38 = arith.cmpi sgt, %squeeze3A_13, %sign3A_37 : i32
    %sign3A_39 = arith.extui %sign3A_38 : i1 to i32
    %sign3A_40 = arith.constant 0 : i32
    %sign3A_41 = arith.cmpi slt, %squeeze3A_13, %sign3A_40 : i32
    %sign3A_42 = arith.extui %sign3A_41 : i1 to i32
    %sign3A_43 = arith.subi %sign3A_39, %sign3A_42 : i32
    %sign3A_44 = arith.constant 0 : i32
    %sign3A_45 = arith.cmpi sgt, %jit3A_35, %sign3A_44 : i32
    %sign3A_46 = arith.extui %sign3A_45 : i1 to i32
    %sign3A_47 = arith.constant 0 : i32
    %sign3A_48 = arith.cmpi slt, %jit3A_35, %sign3A_47 : i32
    %sign3A_49 = arith.extui %sign3A_48 : i1 to i32
    %sign3A_50 = arith.subi %sign3A_46, %sign3A_49 : i32
    %ne3A_51 = arith.cmpi ne, %sign3A_43, %sign3A_50 : i32
    %rem3A_52 = arith.remsi %squeeze3A_13, %jit3A_35 : i32
    %ne3A_53 = arith.constant 0 : i32
    %ne3A_54 = arith.cmpi ne, %rem3A_52, %ne3A_53 : i32
    %and3A_55 = arith.andi %ne3A_51, %ne3A_54 : i1
    %sub3A_56 = arith.constant 1 : i32
    %sub3A_57 = arith.subi %div3A_36, %sub3A_56 : i32
    %select_n3A_58 = arith.select %and3A_55, %sub3A_57, %div3A_36 : i32
    %mul3A_59 = arith.constant 8 : i32
    %mul3A_60 = arith.muli %select_n3A_58, %mul3A_59 : i32
    %multiple_of3A_61 = tpu.assume_multiple %mul3A_60, 8 : i32
    %dma_start3A_62 = arith.constant 0 : i32
    %dma_start3A_63 = tpu.memref_slice %arg3[%multiple_of3A_61, %dma_start3A_62] : memref<100000x32xi32, #tpu.memory_space<hbm>> -> memref<8x32xi32, #tpu.memory_space<hbm>>
    %dma_start3A_64 = arith.constant 0 : i32
    %dma_start3A_65 = tpu.memref_slice %arg3[%multiple_of3A_61, %dma_start3A_64] : memref<100000x32xi32, #tpu.memory_space<hbm>> -> memref<8x32xi32, #tpu.memory_space<hbm>>
    tpu.enqueue_dma source(%dma_start3A_65 : memref<8x32xi32, #tpu.memory_space<hbm>>) target(%arg9 : memref<8x32xi32, #tpu.memory_space<vmem>>) target_semaphore(%arg13 : memref<!tpu.dma_semaphore, #tpu.memory_space<semaphore_mem>>)
    %dma_wait3A = arith.constant 0 : i32
    %dma_wait3A_66 = tpu.memref_slice %arg3[%multiple_of3A, %dma_wait3A] : memref<100000x32xi32, #tpu.memory_space<hbm>> -> memref<8x32xi32, #tpu.memory_space<hbm>>
    %dma_wait3A_67 = arith.constant 0 : i32
    %dma_wait3A_68 = tpu.memref_slice %arg3[%multiple_of3A, %dma_wait3A_67] : memref<100000x32xi32, #tpu.memory_space<hbm>> -> memref<8x32xi32, #tpu.memory_space<hbm>>
    tpu.wait_dma2 semaphore(%arg13 : memref<!tpu.dma_semaphore, #tpu.memory_space<semaphore_mem>>) src(%dma_wait3A_68 : memref<8x32xi32, #tpu.memory_space<hbm>>) dst(%arg8 : memref<8x32xi32, #tpu.memory_space<vmem>>)
    %dma_wait3A_69 = arith.constant 0 : i32
    %dma_wait3A_70 = tpu.memref_slice %arg3[%multiple_of3A_61, %dma_wait3A_69] : memref<100000x32xi32, #tpu.memory_space<hbm>> -> memref<8x32xi32, #tpu.memory_space<hbm>>
    %dma_wait3A_71 = arith.constant 0 : i32
    %dma_wait3A_72 = tpu.memref_slice %arg3[%multiple_of3A_61, %dma_wait3A_71] : memref<100000x32xi32, #tpu.memory_space<hbm>> -> memref<8x32xi32, #tpu.memory_space<hbm>>
    tpu.wait_dma2 semaphore(%arg13 : memref<!tpu.dma_semaphore, #tpu.memory_space<semaphore_mem>>) src(%dma_wait3A_72 : memref<8x32xi32, #tpu.memory_space<hbm>>) dst(%arg9 : memref<8x32xi32, #tpu.memory_space<vmem>>)
    %jit3A_73 = arith.constant 8 : i32
    %eq3A = arith.constant 0 : i32
    %eq3A_74 = arith.cmpi eq, %jit3A_73, %eq3A : i32
    %jit3A_75 = arith.constant 1 : i32
    %select_n3A_76 = arith.select %eq3A_74, %jit3A_75, %jit3A_73 : i32
    %rem3A_77 = arith.remsi %squeeze3A, %select_n3A_76 : i32
    %ne3A_78 = arith.constant 0 : i32
    %ne3A_79 = arith.cmpi ne, %rem3A_77, %ne3A_78 : i32
    %lt3A_80 = arith.constant 0 : i32
    %lt3A_81 = arith.cmpi slt, %rem3A_77, %lt3A_80 : i32
    %lt3A_82 = arith.constant 0 : i32
    %lt3A_83 = arith.cmpi slt, %select_n3A_76, %lt3A_82 : i32
    %ne3A_84 = arith.xori %lt3A_81, %lt3A_83 : i1
    %and3A_85 = arith.andi %ne3A_84, %ne3A_79 : i1
    %add3A_86 = arith.addi %rem3A_77, %select_n3A_76 : i32
    %select_n3A_87 = arith.select %and3A_85, %add3A_86, %rem3A_77 : i32
    %get3A_88 = arith.index_cast %select_n3A_87 : i32 to index
    %get3A_89 = arith.constant 0 : index
    %get3A_90 = tpu.vector_load %arg8[%get3A_88, %get3A_89] {strides = array<i32>} : memref<8x32xi32, #tpu.memory_space<vmem>>, vector<1x16xi32>,
    %get3A_91 = vector.shape_cast %get3A_90 : vector<1x16xi32> to vector<16xi32>
    %swap3A = arith.constant 0 : index
    %swap3A_92 = tpu.vector_load %arg10[%swap3A] {strides = array<i32>} : memref<64xi32, #tpu.memory_space<vmem>>, vector<16xi32>,
    %swap3A_93 = vector.shape_cast %swap3A_92 : vector<16xi32> to vector<16xi32>
    %swap3A_94 = vector.shape_cast %get3A_91 : vector<16xi32> to vector<16xi32>
    tpu.vector_store %arg10[%swap3A], %swap3A_94 {strides = array<i32>} : memref<64xi32, #tpu.memory_space<vmem>>, vector<16xi32>,
    %jit3A_95 = arith.constant 8 : i32
    %eq3A_96 = arith.constant 0 : i32
    %eq3A_97 = arith.cmpi eq, %jit3A_95, %eq3A_96 : i32
    %jit3A_98 = arith.constant 1 : i32
    %select_n3A_99 = arith.select %eq3A_97, %jit3A_98, %jit3A_95 : i32
    %rem3A_100 = arith.remsi %squeeze3A, %select_n3A_99 : i32
    %ne3A_101 = arith.constant 0 : i32
    %ne3A_102 = arith.cmpi ne, %rem3A_100, %ne3A_101 : i32
    %lt3A_103 = arith.constant 0 : i32
    %lt3A_104 = arith.cmpi slt, %rem3A_100, %lt3A_103 : i32
    %lt3A_105 = arith.constant 0 : i32
    %lt3A_106 = arith.cmpi slt, %select_n3A_99, %lt3A_105 : i32
    %ne3A_107 = arith.xori %lt3A_104, %lt3A_106 : i1
    %and3A_108 = arith.andi %ne3A_107, %ne3A_102 : i1
    %add3A_109 = arith.addi %rem3A_100, %select_n3A_99 : i32
    %select_n3A_110 = arith.select %and3A_108, %add3A_109, %rem3A_100 : i32
    %get3A_111 = arith.index_cast %select_n3A_110 : i32 to index
    %get3A_112 = arith.constant 16 : index
    %get3A_113 = tpu.vector_load %arg8[%get3A_111, %get3A_112] {strides = array<i32>} : memref<8x32xi32, #tpu.memory_space<vmem>>, vector<1x16xi32>,
    %get3A_114 = vector.shape_cast %get3A_113 : vector<1x16xi32> to vector<16xi32>
    %swap3A_115 = arith.constant 16 : index
    %swap3A_116 = tpu.vector_load %arg10[%swap3A_115] {strides = array<i32>} : memref<64xi32, #tpu.memory_space<vmem>>, vector<16xi32>,
    %swap3A_117 = vector.shape_cast %swap3A_116 : vector<16xi32> to vector<16xi32>
    %swap3A_118 = vector.shape_cast %get3A_114 : vector<16xi32> to vector<16xi32>
    tpu.vector_store %arg10[%swap3A_115], %swap3A_118 {strides = array<i32>} : memref<64xi32, #tpu.memory_space<vmem>>, vector<16xi32>,
    %jit3A_119 = arith.constant 8 : i32
    %eq3A_120 = arith.constant 0 : i32
    %eq3A_121 = arith.cmpi eq, %jit3A_119, %eq3A_120 : i32
    %jit3A_122 = arith.constant 1 : i32
    %select_n3A_123 = arith.select %eq3A_121, %jit3A_122, %jit3A_119 : i32
    %rem3A_124 = arith.remsi %squeeze3A_13, %select_n3A_123 : i32
    %ne3A_125 = arith.constant 0 : i32
    %ne3A_126 = arith.cmpi ne, %rem3A_124, %ne3A_125 : i32
    %lt3A_127 = arith.constant 0 : i32
    %lt3A_128 = arith.cmpi slt, %rem3A_124, %lt3A_127 : i32
    %lt3A_129 = arith.constant 0 : i32
    %lt3A_130 = arith.cmpi slt, %select_n3A_123, %lt3A_129 : i32
    %ne3A_131 = arith.xori %lt3A_128, %lt3A_130 : i1
    %and3A_132 = arith.andi %ne3A_131, %ne3A_126 : i1
    %add3A_133 = arith.addi %rem3A_124, %select_n3A_123 : i32
    %select_n3A_134 = arith.select %and3A_132, %add3A_133, %rem3A_124 : i32
    %get3A_135 = arith.index_cast %select_n3A_134 : i32 to index
    %get3A_136 = arith.constant 0 : index
    %get3A_137 = tpu.vector_load %arg9[%get3A_135, %get3A_136] {strides = array<i32>} : memref<8x32xi32, #tpu.memory_space<vmem>>, vector<1x16xi32>,
    %get3A_138 = vector.shape_cast %get3A_137 : vector<1x16xi32> to vector<16xi32>
    %swap3A_139 = arith.constant 32 : index
    %swap3A_140 = tpu.vector_load %arg10[%swap3A_139] {strides = array<i32>} : memref<64xi32, #tpu.memory_space<vmem>>, vector<16xi32>,
    %swap3A_141 = vector.shape_cast %swap3A_140 : vector<16xi32> to vector<16xi32>
    %swap3A_142 = vector.shape_cast %get3A_138 : vector<16xi32> to vector<16xi32>
    tpu.vector_store %arg10[%swap3A_139], %swap3A_142 {strides = array<i32>} : memref<64xi32, #tpu.memory_space<vmem>>, vector<16xi32>,
    %jit3A_143 = arith.constant 8 : i32
    %eq3A_144 = arith.constant 0 : i32
    %eq3A_145 = arith.cmpi eq, %jit3A_143, %eq3A_144 : i32
    %jit3A_146 = arith.constant 1 : i32
    %select_n3A_147 = arith.select %eq3A_145, %jit3A_146, %jit3A_143 : i32
    %rem3A_148 = arith.remsi %squeeze3A_13, %select_n3A_147 : i32
    %ne3A_149 = arith.constant 0 : i32
    %ne3A_150 = arith.cmpi ne, %rem3A_148, %ne3A_149 : i32
    %lt3A_151 = arith.constant 0 : i32
    %lt3A_152 = arith.cmpi slt, %rem3A_148, %lt3A_151 : i32
    %lt3A_153 = arith.constant 0 : i32
    %lt3A_154 = arith.cmpi slt, %select_n3A_147, %lt3A_153 : i32
    %ne3A_155 = arith.xori %lt3A_152, %lt3A_154 : i1
    %and3A_156 = arith.andi %ne3A_155, %ne3A_150 : i1
    %add3A_157 = arith.addi %rem3A_148, %select_n3A_147 : i32
    %select_n3A_158 = arith.select %and3A_156, %add3A_157, %rem3A_148 : i32
    %get3A_159 = arith.index_cast %select_n3A_158 : i32 to index
    %get3A_160 = arith.constant 16 : index
    %get3A_161 = tpu.vector_load %arg9[%get3A_159, %get3A_160] {strides = array<i32>} : memref<8x32xi32, #tpu.memory_space<vmem>>, vector<1x16xi32>,
    %get3A_162 = vector.shape_cast %get3A_161 : vector<1x16xi32> to vector<16xi32>
    %swap3A_163 = arith.constant 48 : index
    %swap3A_164 = tpu.vector_load %arg10[%swap3A_163] {strides = array<i32>} : memref<64xi32, #tpu.memory_space<vmem>>, vector<16xi32>,
    %swap3A_165 = vector.shape_cast %swap3A_164 : vector<16xi32> to vector<16xi32>
    %swap3A_166 = vector.shape_cast %get3A_162 : vector<16xi32> to vector<16xi32>
    tpu.vector_store %arg10[%swap3A_163], %swap3A_166 {strides = array<i32>} : memref<64xi32, #tpu.memory_space<vmem>>, vector<16xi32>,
    %dma_start3A_167 = arith.constant 0 : i32
    %dma_start3A_168 = arith.constant 0 : i32
    %dma_start3A_169 = tpu.memref_slice %arg2[%dma_start3A_167, %dma_start3A_168] : memref<100000x128xf32, #tpu.memory_space<hbm>> -> memref<100000x128xf32, #tpu.memory_space<hbm>>
    tpu.enqueue_indirect_dma source(%dma_start3A_169 : memref<100000x128xf32, #tpu.memory_space<hbm>>) target(%arg11 : memref<64x128xf32, #tpu.memory_space<vmem>>) offsets(%arg10 : memref<64xi32, #tpu.memory_space<vmem>>) semaphore(%arg13 : memref<!tpu.dma_semaphore, #tpu.memory_space<semaphore_mem>>)
    %dma_wait3A_170 = arith.constant 0 : i32
    %dma_wait3A_171 = arith.constant 0 : i32
    %dma_wait3A_172 = tpu.memref_slice %arg2[%dma_wait3A_170, %dma_wait3A_171] : memref<100000x128xf32, #tpu.memory_space<hbm>> -> memref<100000x128xf32, #tpu.memory_space<hbm>>
    tpu.wait_indirect_dma semaphore(%arg13 : memref<!tpu.dma_semaphore, #tpu.memory_space<semaphore_mem>>) src(%dma_wait3A_172 : memref<100000x128xf32, #tpu.memory_space<hbm>>) dst(%arg11 : memref<64x128xf32, #tpu.memory_space<vmem>>)
    %mul3A_173 = arith.constant 32 : i32
    %mul3A_174 = arith.muli %mul3A_2, %mul3A_173 : i32
    "tpu.region"() ({
      %run_scoped3A = tpu.sem_alloc : memref<!tpu.dma_semaphore, #tpu.memory_space<semaphore_mem>>
      %dma_start3A_180 = arith.constant 0 : i32
      %dma_start3A_181 = tpu.memref_slice %arg6[%mul3A_174, %dma_start3A_180] : memref<2048x128xf32, #tpu.memory_space<hbm>> -> memref<64x128xf32, #tpu.memory_space<hbm>>
      %dma_start3A_182 = arith.constant 0 : i32
      %dma_start3A_183 = tpu.memref_slice %arg6[%mul3A_174, %dma_start3A_182] : memref<2048x128xf32, #tpu.memory_space<hbm>> -> memref<64x128xf32, #tpu.memory_space<hbm>>
      tpu.enqueue_dma source(%arg11 : memref<64x128xf32, #tpu.memory_space<vmem>>) target(%dma_start3A_183 : memref<64x128xf32, #tpu.memory_space<hbm>>) target_semaphore(%run_scoped3A : memref<!tpu.dma_semaphore, #tpu.memory_space<semaphore_mem>>)
      %dma_wait3A_184 = arith.constant 0 : i32
      %dma_wait3A_185 = tpu.memref_slice %arg6[%mul3A_174, %dma_wait3A_184] : memref<2048x128xf32, #tpu.memory_space<hbm>> -> memref<64x128xf32, #tpu.memory_space<hbm>>
      %dma_wait3A_186 = arith.constant 0 : i32
      %dma_wait3A_187 = tpu.memref_slice %arg6[%mul3A_174, %dma_wait3A_186] : memref<2048x128xf32, #tpu.memory_space<hbm>> -> memref<64x128xf32, #tpu.memory_space<hbm>>
      tpu.wait_dma2 semaphore(%run_scoped3A : memref<!tpu.dma_semaphore, #tpu.memory_space<semaphore_mem>>) src(%arg11 : memref<64x128xf32, #tpu.memory_space<vmem>>) dst(%dma_wait3A_187 : memref<64x128xf32, #tpu.memory_space<hbm>>)
      tpu.yield
    }) : () -> ()
    %lt3A_175 = arith.constant 8 : i32
    %lt3A_176 = arith.cmpi slt, %add3A, %lt3A_175 : i32
    %convert_element_type3A_177 = arith.extui %lt3A_176 : i1 to i32
    %cond3A_178 = arith.constant 0 : i32
    %cond3A_179 = arith.cmpi ne, %convert_element_type3A_177, %cond3A_178 : i32
    scf.if %cond3A_179 {
      %dma_wait3A_180 = arith.constant 0 : i32
      %dma_wait3A_181 = tpu.memref_slice %arg7[%dma_wait3A_180] : memref<80xi32, #tpu.memory_space<vmem>> -> memref<64xi32, #tpu.memory_space<vmem>>
      %dma_wait3A_182 = arith.constant 0 : i32
      %dma_wait3A_183 = arith.constant 0 : i32
      %dma_wait3A_184 = tpu.memref_slice %arg2[%dma_wait3A_182, %dma_wait3A_183] : memref<100000x128xf32, #tpu.memory_space<hbm>> -> memref<100000x128xf32, #tpu.memory_space<hbm>>
      tpu.wait_indirect_dma semaphore(%arg14 : memref<!tpu.dma_semaphore, #tpu.memory_space<semaphore_mem>>) src(%dma_wait3A_184 : memref<100000x128xf32, #tpu.memory_space<hbm>>) dst(%arg12 : memref<64x128xf32, #tpu.memory_space<vmem>>)
      %mul3A_185 = arith.constant 8 : i32
      %mul3A_186 = arith.muli %add3A, %mul3A_185 : i32
      %mul3A_187 = arith.constant 8 : i32
      %mul3A_188 = arith.muli %add3A, %mul3A_187 : i32
      "tpu.region"() ({
        %run_scoped3A = tpu.sem_alloc : memref<!tpu.dma_semaphore, #tpu.memory_space<semaphore_mem>>
        %dma_start3A_189 = arith.constant 0 : i32
        %dma_start3A_190 = tpu.memref_slice %arg12[%mul3A_186, %dma_start3A_189] : memref<64x128xf32, #tpu.memory_space<vmem>> -> memref<8x128xf32, #tpu.memory_space<vmem>>
        %dma_start3A_191 = arith.constant 0 : i32
        %dma_start3A_192 = tpu.memref_slice %arg5[%mul3A_188, %dma_start3A_191] : memref<64x128xf32, #tpu.memory_space<hbm>> -> memref<8x128xf32, #tpu.memory_space<hbm>>
        %dma_start3A_193 = arith.constant 0 : i32
        %dma_start3A_194 = tpu.memref_slice %arg5[%mul3A_188, %dma_start3A_193] : memref<64x128xf32, #tpu.memory_space<hbm>> -> memref<8x128xf32, #tpu.memory_space<hbm>>
        %dma_start3A_195 = arith.constant 0 : i32
        %dma_start3A_196 = tpu.memref_slice %arg12[%mul3A_186, %dma_start3A_195] : memref<64x128xf32, #tpu.memory_space<vmem>> -> memref<8x128xf32, #tpu.memory_space<vmem>>
        tpu.enqueue_dma source(%dma_start3A_196 : memref<8x128xf32, #tpu.memory_space<vmem>>) target(%dma_start3A_194 : memref<8x128xf32, #tpu.memory_space<hbm>>) target_semaphore(%run_scoped3A : memref<!tpu.dma_semaphore, #tpu.memory_space<semaphore_mem>>)
        %dma_wait3A_197 = arith.constant 0 : i32
        %dma_wait3A_198 = tpu.memref_slice %arg12[%mul3A_186, %dma_wait3A_197] : memref<64x128xf32, #tpu.memory_space<vmem>> -> memref<8x128xf32, #tpu.memory_space<vmem>>
        %dma_wait3A_199 = arith.constant 0 : i32
        %dma_wait3A_200 = tpu.memref_slice %arg5[%mul3A_188, %dma_wait3A_199] : memref<64x128xf32, #tpu.memory_space<hbm>> -> memref<8x128xf32, #tpu.memory_space<hbm>>
        %dma_wait3A_201 = arith.constant 0 : i32
        %dma_wait3A_202 = tpu.memref_slice %arg5[%mul3A_188, %dma_wait3A_201] : memref<64x128xf32, #tpu.memory_space<hbm>> -> memref<8x128xf32, #tpu.memory_space<hbm>>
        %dma_wait3A_203 = arith.constant 0 : i32
        %dma_wait3A_204 = tpu.memref_slice %arg12[%mul3A_186, %dma_wait3A_203] : memref<64x128xf32, #tpu.memory_space<vmem>> -> memref<8x128xf32, #tpu.memory_space<vmem>>
        tpu.wait_dma2 semaphore(%run_scoped3A : memref<!tpu.dma_semaphore, #tpu.memory_space<semaphore_mem>>) src(%dma_wait3A_204 : memref<8x128xf32, #tpu.memory_space<vmem>>) dst(%dma_wait3A_202 : memref<8x128xf32, #tpu.memory_space<hbm>>)
        tpu.yield
      }) : () -> ()
    } else {
    }
    return
  }
}

#map = affine_map<(d0, d1) -> (0, 0)>
#map1 = affine_map<(d0, d1) -> (0)>
module attributes {stable_mosaic.version = 14 : i64} {
  func.func @k(%arg0: i32, %arg1: i32, %arg2: memref<100000x128xf32, #tpu.memory_space<hbm>>, %arg3: memref<100000x32xi32, #tpu.memory_space<hbm>>, %arg4: memref<64xi32, #tpu.memory_space<hbm>>, %arg5: memref<64x128xf32, #tpu.memory_space<hbm>>, %arg6: memref<2048x128xf32, #tpu.memory_space<hbm>>, %arg7: memref<80xi32, #tpu.memory_space<vmem>>, %arg8: memref<8x32xi32, #tpu.memory_space<vmem>>, %arg9: memref<8x32xi32, #tpu.memory_space<vmem>>, %arg10: memref<64xi32, #tpu.memory_space<vmem>>, %arg11: memref<64x128xf32, #tpu.memory_space<vmem>>, %arg12: memref<64x128xf32, #tpu.memory_space<vmem>>, %arg13: memref<!tpu.dma_semaphore, #tpu.memory_space<semaphore_mem>>, %arg14: memref<!tpu.dma_semaphore, #tpu.memory_space<semaphore_mem>>) attributes {dimension_semantics = [#tpu.dimension_semantics<core_parallel>, #tpu.dimension_semantics<subcore_parallel>], iteration_bounds = array<i64: 2, 16>, scalar_prefetch = 0 : i64, scratch_operands = 8 : i64, tpu.core_type = #tpu.core_type<sc_vector_subcore>, window_params = [{transform_indices = #map}, {transform_indices = #map}, {transform_indices = #map1}, {transform_indices = #map}, {transform_indices = #map}]} {
    %mul3A = arith.constant 2 : i32
    %mul3A_0 = arith.muli %arg1, %mul3A : i32
    %add3A = arith.addi %mul3A_0, %arg0 : i32
    %mul3A_1 = arith.constant 2 : i32
    %mul3A_2 = arith.muli %add3A, %mul3A_1 : i32
    "tpu.region"() ({
      %run_scoped3A = tpu.sem_alloc : memref<!tpu.dma_semaphore, #tpu.memory_space<semaphore_mem>>
      %dma_start3A_180 = arith.constant 0 : i32
      %dma_start3A_181 = tpu.memref_slice %arg7[%dma_start3A_180] : memref<80xi32, #tpu.memory_space<vmem>> -> memref<64xi32, #tpu.memory_space<vmem>>
      %dma_start3A_182 = arith.constant 0 : i32
      %dma_start3A_183 = tpu.memref_slice %arg7[%dma_start3A_182] : memref<80xi32, #tpu.memory_space<vmem>> -> memref<64xi32, #tpu.memory_space<vmem>>
      tpu.enqueue_dma source(%arg4 : memref<64xi32, #tpu.memory_space<hbm>>) target(%dma_start3A_183 : memref<64xi32, #tpu.memory_space<vmem>>) target_semaphore(%run_scoped3A : memref<!tpu.dma_semaphore, #tpu.memory_space<semaphore_mem>>)
      %dma_wait3A_184 = arith.constant 0 : i32
      %dma_wait3A_185 = tpu.memref_slice %arg7[%dma_wait3A_184] : memref<80xi32, #tpu.memory_space<vmem>> -> memref<64xi32, #tpu.memory_space<vmem>>
      %dma_wait3A_186 = arith.constant 0 : i32
      %dma_wait3A_187 = tpu.memref_slice %arg7[%dma_wait3A_186] : memref<80xi32, #tpu.memory_space<vmem>> -> memref<64xi32, #tpu.memory_space<vmem>>
      tpu.wait_dma2 semaphore(%run_scoped3A : memref<!tpu.dma_semaphore, #tpu.memory_space<semaphore_mem>>) src(%arg4 : memref<64xi32, #tpu.memory_space<hbm>>) dst(%dma_wait3A_187 : memref<64xi32, #tpu.memory_space<vmem>>)
      tpu.yield
    }) : () -> ()
    %lt3A = arith.constant 8 : i32
    %lt3A_3 = arith.cmpi slt, %add3A, %lt3A : i32
    %convert_element_type3A = arith.extui %lt3A_3 : i1 to i32
    %cond3A = arith.constant 0 : i32
    %cond3A_4 = arith.cmpi ne, %convert_element_type3A, %cond3A : i32
    scf.if %cond3A_4 {
      %dma_start3A_180 = arith.constant 0 : i32
      %dma_start3A_181 = tpu.memref_slice %arg7[%dma_start3A_180] : memref<80xi32, #tpu.memory_space<vmem>> -> memref<64xi32, #tpu.memory_space<vmem>>
      %dma_start3A_182 = arith.constant 0 : i32
      %dma_start3A_183 = arith.constant 0 : i32
      %dma_start3A_184 = tpu.memref_slice %arg2[%dma_start3A_182, %dma_start3A_183] : memref<100000x128xf32, #tpu.memory_space<hbm>> -> memref<100000x128xf32, #tpu.memory_space<hbm>>
      tpu.enqueue_indirect_dma source(%dma_start3A_184 : memref<100000x128xf32, #tpu.memory_space<hbm>>) target(%arg12 : memref<64x128xf32, #tpu.memory_space<vmem>>) offsets(%dma_start3A_181 : memref<64xi32, #tpu.memory_space<vmem>>) semaphore(%arg14 : memref<!tpu.dma_semaphore, #tpu.memory_space<semaphore_mem>>)
    } else {
    }
    %get3A = arith.index_cast %mul3A_2 : i32 to index
    %get3A_5 = tpu.vector_load %arg7[%get3A] {strides = array<i32>} : memref<80xi32, #tpu.memory_space<vmem>>, vector<16xi32>,
    %get3A_6 = vector.shape_cast %get3A_5 : vector<16xi32> to vector<16xi32>
    %slice3A = vector.extract_strided_slice %get3A_6 {offsets = [0], sizes = [1], strides = [1]} : vector<16xi32> to vector<1xi32>
    %squeeze3A = vector.extract %slice3A[0] : i32 from vector<1xi32>
    %add3A_7 = arith.constant 1 : i32
    %add3A_8 = arith.addi %mul3A_2, %add3A_7 : i32
    %get3A_9 = arith.index_cast %add3A_8 : i32 to index
    %get3A_10 = tpu.vector_load %arg7[%get3A_9] {strides = array<i32>} : memref<80xi32, #tpu.memory_space<vmem>>, vector<16xi32>,
    %get3A_11 = vector.shape_cast %get3A_10 : vector<16xi32> to vector<16xi32>
    %slice3A_12 = vector.extract_strided_slice %get3A_11 {offsets = [0], sizes = [1], strides = [1]} : vector<16xi32> to vector<1xi32>
    %squeeze3A_13 = vector.extract %slice3A_12[0] : i32 from vector<1xi32>
    %jit3A = arith.constant 8 : i32
    %div3A = arith.divsi %squeeze3A, %jit3A : i32
    %sign3A = arith.constant 0 : i32
    %sign3A_14 = arith.cmpi sgt, %squeeze3A, %sign3A : i32
    %sign3A_15 = arith.extui %sign3A_14 : i1 to i32
    %sign3A_16 = arith.constant 0 : i32
    %sign3A_17 = arith.cmpi slt, %squeeze3A, %sign3A_16 : i32
    %sign3A_18 = arith.extui %sign3A_17 : i1 to i32
    %sign3A_19 = arith.subi %sign3A_15, %sign3A_18 : i32
    %sign3A_20 = arith.constant 0 : i32
    %sign3A_21 = arith.cmpi sgt, %jit3A, %sign3A_20 : i32
    %sign3A_22 = arith.extui %sign3A_21 : i1 to i32
    %sign3A_23 = arith.constant 0 : i32
    %sign3A_24 = arith.cmpi slt, %jit3A, %sign3A_23 : i32
    %sign3A_25 = arith.extui %sign3A_24 : i1 to i32
    %sign3A_26 = arith.subi %sign3A_22, %sign3A_25 : i32
    %ne3A = arith.cmpi ne, %sign3A_19, %sign3A_26 : i32
    %rem3A = arith.remsi %squeeze3A, %jit3A : i32
    %ne3A_27 = arith.constant 0 : i32
    %ne3A_28 = arith.cmpi ne, %rem3A, %ne3A_27 : i32
    %and3A = arith.andi %ne3A, %ne3A_28 : i1
    %sub3A = arith.constant 1 : i32
    %sub3A_29 = arith.subi %div3A, %sub3A : i32
    %select_n3A = arith.select %and3A, %sub3A_29, %div3A : i32
    %mul3A_30 = arith.constant 8 : i32
    %mul3A_31 = arith.muli %select_n3A, %mul3A_30 : i32
    %multiple_of3A = tpu.assume_multiple %mul3A_31, 8 : i32
    %dma_start3A = arith.constant 0 : i32
    %dma_start3A_32 = tpu.memref_slice %arg3[%multiple_of3A, %dma_start3A] : memref<100000x32xi32, #tpu.memory_space<hbm>> -> memref<8x32xi32, #tpu.memory_space<hbm>>
    %dma_start3A_33 = arith.constant 0 : i32
    %dma_start3A_34 = tpu.memref_slice %arg3[%multiple_of3A, %dma_start3A_33] : memref<100000x32xi32, #tpu.memory_space<hbm>> -> memref<8x32xi32, #tpu.memory_space<hbm>>
    tpu.enqueue_dma source(%dma_start3A_34 : memref<8x32xi32, #tpu.memory_space<hbm>>) target(%arg8 : memref<8x32xi32, #tpu.memory_space<vmem>>) target_semaphore(%arg13 : memref<!tpu.dma_semaphore, #tpu.memory_space<semaphore_mem>>)
    %jit3A_35 = arith.constant 8 : i32
    %div3A_36 = arith.divsi %squeeze3A_13, %jit3A_35 : i32
    %sign3A_37 = arith.constant 0 : i32
    %sign3A_38 = arith.cmpi sgt, %squeeze3A_13, %sign3A_37 : i32
    %sign3A_39 = arith.extui %sign3A_38 : i1 to i32
    %sign3A_40 = arith.constant 0 : i32
    %sign3A_41 = arith.cmpi slt, %squeeze3A_13, %sign3A_40 : i32
    %sign3A_42 = arith.extui %sign3A_41 : i1 to i32
    %sign3A_43 = arith.subi %sign3A_39, %sign3A_42 : i32
    %sign3A_44 = arith.constant 0 : i32
    %sign3A_45 = arith.cmpi sgt, %jit3A_35, %sign3A_44 : i32
    %sign3A_46 = arith.extui %sign3A_45 : i1 to i32
    %sign3A_47 = arith.constant 0 : i32
    %sign3A_48 = arith.cmpi slt, %jit3A_35, %sign3A_47 : i32
    %sign3A_49 = arith.extui %sign3A_48 : i1 to i32
    %sign3A_50 = arith.subi %sign3A_46, %sign3A_49 : i32
    %ne3A_51 = arith.cmpi ne, %sign3A_43, %sign3A_50 : i32
    %rem3A_52 = arith.remsi %squeeze3A_13, %jit3A_35 : i32
    %ne3A_53 = arith.constant 0 : i32
    %ne3A_54 = arith.cmpi ne, %rem3A_52, %ne3A_53 : i32
    %and3A_55 = arith.andi %ne3A_51, %ne3A_54 : i1
    %sub3A_56 = arith.constant 1 : i32
    %sub3A_57 = arith.subi %div3A_36, %sub3A_56 : i32
    %select_n3A_58 = arith.select %and3A_55, %sub3A_57, %div3A_36 : i32
    %mul3A_59 = arith.constant 8 : i32
    %mul3A_60 = arith.muli %select_n3A_58, %mul3A_59 : i32
    %multiple_of3A_61 = tpu.assume_multiple %mul3A_60, 8 : i32
    %dma_start3A_62 = arith.constant 0 : i32
    %dma_start3A_63 = tpu.memref_slice %arg3[%multiple_of3A_61, %dma_start3A_62] : memref<100000x32xi32, #tpu.memory_space<hbm>> -> memref<8x32xi32, #tpu.memory_space<hbm>>
    %dma_start3A_64 = arith.constant 0 : i32
    %dma_start3A_65 = tpu.memref_slice %arg3[%multiple_of3A_61, %dma_start3A_64] : memref<100000x32xi32, #tpu.memory_space<hbm>> -> memref<8x32xi32, #tpu.memory_space<hbm>>
    tpu.enqueue_dma source(%dma_start3A_65 : memref<8x32xi32, #tpu.memory_space<hbm>>) target(%arg9 : memref<8x32xi32, #tpu.memory_space<vmem>>) target_semaphore(%arg13 : memref<!tpu.dma_semaphore, #tpu.memory_space<semaphore_mem>>)
    %dma_wait3A = arith.constant 0 : i32
    %dma_wait3A_66 = tpu.memref_slice %arg3[%multiple_of3A, %dma_wait3A] : memref<100000x32xi32, #tpu.memory_space<hbm>> -> memref<8x32xi32, #tpu.memory_space<hbm>>
    %dma_wait3A_67 = arith.constant 0 : i32
    %dma_wait3A_68 = tpu.memref_slice %arg3[%multiple_of3A, %dma_wait3A_67] : memref<100000x32xi32, #tpu.memory_space<hbm>> -> memref<8x32xi32, #tpu.memory_space<hbm>>
    tpu.wait_dma2 semaphore(%arg13 : memref<!tpu.dma_semaphore, #tpu.memory_space<semaphore_mem>>) src(%dma_wait3A_68 : memref<8x32xi32, #tpu.memory_space<hbm>>) dst(%arg8 : memref<8x32xi32, #tpu.memory_space<vmem>>)
    %dma_wait3A_69 = arith.constant 0 : i32
    %dma_wait3A_70 = tpu.memref_slice %arg3[%multiple_of3A_61, %dma_wait3A_69] : memref<100000x32xi32, #tpu.memory_space<hbm>> -> memref<8x32xi32, #tpu.memory_space<hbm>>
    %dma_wait3A_71 = arith.constant 0 : i32
    %dma_wait3A_72 = tpu.memref_slice %arg3[%multiple_of3A_61, %dma_wait3A_71] : memref<100000x32xi32, #tpu.memory_space<hbm>> -> memref<8x32xi32, #tpu.memory_space<hbm>>
    tpu.wait_dma2 semaphore(%arg13 : memref<!tpu.dma_semaphore, #tpu.memory_space<semaphore_mem>>) src(%dma_wait3A_72 : memref<8x32xi32, #tpu.memory_space<hbm>>) dst(%arg9 : memref<8x32xi32, #tpu.memory_space<vmem>>)
    %jit3A_73 = arith.constant 8 : i32
    %eq3A = arith.constant 0 : i32
    %eq3A_74 = arith.cmpi eq, %jit3A_73, %eq3A : i32
    %jit3A_75 = arith.constant 1 : i32
    %select_n3A_76 = arith.select %eq3A_74, %jit3A_75, %jit3A_73 : i32
    %rem3A_77 = arith.remsi %squeeze3A, %select_n3A_76 : i32
    %ne3A_78 = arith.constant 0 : i32
    %ne3A_79 = arith.cmpi ne, %rem3A_77, %ne3A_78 : i32
    %lt3A_80 = arith.constant 0 : i32
    %lt3A_81 = arith.cmpi slt, %rem3A_77, %lt3A_80 : i32
    %lt3A_82 = arith.constant 0 : i32
    %lt3A_83 = arith.cmpi slt, %select_n3A_76, %lt3A_82 : i32
    %ne3A_84 = arith.xori %lt3A_81, %lt3A_83 : i1
    %and3A_85 = arith.andi %ne3A_84, %ne3A_79 : i1
    %add3A_86 = arith.addi %rem3A_77, %select_n3A_76 : i32
    %select_n3A_87 = arith.select %and3A_85, %add3A_86, %rem3A_77 : i32
    %get3A_88 = arith.index_cast %select_n3A_87 : i32 to index
    %get3A_89 = arith.constant 0 : index
    %get3A_90 = tpu.vector_load %arg8[%get3A_88, %get3A_89] {strides = array<i32>} : memref<8x32xi32, #tpu.memory_space<vmem>>, vector<1x16xi32>,
    %get3A_91 = vector.shape_cast %get3A_90 : vector<1x16xi32> to vector<16xi32>
    %swap3A = arith.constant 0 : index
    %swap3A_92 = tpu.vector_load %arg10[%swap3A] {strides = array<i32>} : memref<64xi32, #tpu.memory_space<vmem>>, vector<16xi32>,
    %swap3A_93 = vector.shape_cast %swap3A_92 : vector<16xi32> to vector<16xi32>
    %swap3A_94 = vector.shape_cast %get3A_91 : vector<16xi32> to vector<16xi32>
    tpu.vector_store %arg10[%swap3A], %swap3A_94 {strides = array<i32>} : memref<64xi32, #tpu.memory_space<vmem>>, vector<16xi32>,
    %jit3A_95 = arith.constant 8 : i32
    %eq3A_96 = arith.constant 0 : i32
    %eq3A_97 = arith.cmpi eq, %jit3A_95, %eq3A_96 : i32
    %jit3A_98 = arith.constant 1 : i32
    %select_n3A_99 = arith.select %eq3A_97, %jit3A_98, %jit3A_95 : i32
    %rem3A_100 = arith.remsi %squeeze3A, %select_n3A_99 : i32
    %ne3A_101 = arith.constant 0 : i32
    %ne3A_102 = arith.cmpi ne, %rem3A_100, %ne3A_101 : i32
    %lt3A_103 = arith.constant 0 : i32
    %lt3A_104 = arith.cmpi slt, %rem3A_100, %lt3A_103 : i32
    %lt3A_105 = arith.constant 0 : i32
    %lt3A_106 = arith.cmpi slt, %select_n3A_99, %lt3A_105 : i32
    %ne3A_107 = arith.xori %lt3A_104, %lt3A_106 : i1
    %and3A_108 = arith.andi %ne3A_107, %ne3A_102 : i1
    %add3A_109 = arith.addi %rem3A_100, %select_n3A_99 : i32
    %select_n3A_110 = arith.select %and3A_108, %add3A_109, %rem3A_100 : i32
    %get3A_111 = arith.index_cast %select_n3A_110 : i32 to index
    %get3A_112 = arith.constant 16 : index
    %get3A_113 = tpu.vector_load %arg8[%get3A_111, %get3A_112] {strides = array<i32>} : memref<8x32xi32, #tpu.memory_space<vmem>>, vector<1x16xi32>,
    %get3A_114 = vector.shape_cast %get3A_113 : vector<1x16xi32> to vector<16xi32>
    %swap3A_115 = arith.constant 16 : index
    %swap3A_116 = tpu.vector_load %arg10[%swap3A_115] {strides = array<i32>} : memref<64xi32, #tpu.memory_space<vmem>>, vector<16xi32>,
    %swap3A_117 = vector.shape_cast %swap3A_116 : vector<16xi32> to vector<16xi32>
    %swap3A_118 = vector.shape_cast %get3A_114 : vector<16xi32> to vector<16xi32>
    tpu.vector_store %arg10[%swap3A_115], %swap3A_118 {strides = array<i32>} : memref<64xi32, #tpu.memory_space<vmem>>, vector<16xi32>,
    %jit3A_119 = arith.constant 8 : i32
    %eq3A_120 = arith.constant 0 : i32
    %eq3A_121 = arith.cmpi eq, %jit3A_119, %eq3A_120 : i32
    %jit3A_122 = arith.constant 1 : i32
    %select_n3A_123 = arith.select %eq3A_121, %jit3A_122, %jit3A_119 : i32
    %rem3A_124 = arith.remsi %squeeze3A_13, %select_n3A_123 : i32
    %ne3A_125 = arith.constant 0 : i32
    %ne3A_126 = arith.cmpi ne, %rem3A_124, %ne3A_125 : i32
    %lt3A_127 = arith.constant 0 : i32
    %lt3A_128 = arith.cmpi slt, %rem3A_124, %lt3A_127 : i32
    %lt3A_129 = arith.constant 0 : i32
    %lt3A_130 = arith.cmpi slt, %select_n3A_123, %lt3A_129 : i32
    %ne3A_131 = arith.xori %lt3A_128, %lt3A_130 : i1
    %and3A_132 = arith.andi %ne3A_131, %ne3A_126 : i1
    %add3A_133 = arith.addi %rem3A_124, %select_n3A_123 : i32
    %select_n3A_134 = arith.select %and3A_132, %add3A_133, %rem3A_124 : i32
    %get3A_135 = arith.index_cast %select_n3A_134 : i32 to index
    %get3A_136 = arith.constant 0 : index
    %get3A_137 = tpu.vector_load %arg9[%get3A_135, %get3A_136] {strides = array<i32>} : memref<8x32xi32, #tpu.memory_space<vmem>>, vector<1x16xi32>,
    %get3A_138 = vector.shape_cast %get3A_137 : vector<1x16xi32> to vector<16xi32>
    %swap3A_139 = arith.constant 32 : index
    %swap3A_140 = tpu.vector_load %arg10[%swap3A_139] {strides = array<i32>} : memref<64xi32, #tpu.memory_space<vmem>>, vector<16xi32>,
    %swap3A_141 = vector.shape_cast %swap3A_140 : vector<16xi32> to vector<16xi32>
    %swap3A_142 = vector.shape_cast %get3A_138 : vector<16xi32> to vector<16xi32>
    tpu.vector_store %arg10[%swap3A_139], %swap3A_142 {strides = array<i32>} : memref<64xi32, #tpu.memory_space<vmem>>, vector<16xi32>,
    %jit3A_143 = arith.constant 8 : i32
    %eq3A_144 = arith.constant 0 : i32
    %eq3A_145 = arith.cmpi eq, %jit3A_143, %eq3A_144 : i32
    %jit3A_146 = arith.constant 1 : i32
    %select_n3A_147 = arith.select %eq3A_145, %jit3A_146, %jit3A_143 : i32
    %rem3A_148 = arith.remsi %squeeze3A_13, %select_n3A_147 : i32
    %ne3A_149 = arith.constant 0 : i32
    %ne3A_150 = arith.cmpi ne, %rem3A_148, %ne3A_149 : i32
    %lt3A_151 = arith.constant 0 : i32
    %lt3A_152 = arith.cmpi slt, %rem3A_148, %lt3A_151 : i32
    %lt3A_153 = arith.constant 0 : i32
    %lt3A_154 = arith.cmpi slt, %select_n3A_147, %lt3A_153 : i32
    %ne3A_155 = arith.xori %lt3A_152, %lt3A_154 : i1
    %and3A_156 = arith.andi %ne3A_155, %ne3A_150 : i1
    %add3A_157 = arith.addi %rem3A_148, %select_n3A_147 : i32
    %select_n3A_158 = arith.select %and3A_156, %add3A_157, %rem3A_148 : i32
    %get3A_159 = arith.index_cast %select_n3A_158 : i32 to index
    %get3A_160 = arith.constant 16 : index
    %get3A_161 = tpu.vector_load %arg9[%get3A_159, %get3A_160] {strides = array<i32>} : memref<8x32xi32, #tpu.memory_space<vmem>>, vector<1x16xi32>,
    %get3A_162 = vector.shape_cast %get3A_161 : vector<1x16xi32> to vector<16xi32>
    %swap3A_163 = arith.constant 48 : index
    %swap3A_164 = tpu.vector_load %arg10[%swap3A_163] {strides = array<i32>} : memref<64xi32, #tpu.memory_space<vmem>>, vector<16xi32>,
    %swap3A_165 = vector.shape_cast %swap3A_164 : vector<16xi32> to vector<16xi32>
    %swap3A_166 = vector.shape_cast %get3A_162 : vector<16xi32> to vector<16xi32>
    tpu.vector_store %arg10[%swap3A_163], %swap3A_166 {strides = array<i32>} : memref<64xi32, #tpu.memory_space<vmem>>, vector<16xi32>,
    %dma_start3A_167 = arith.constant 0 : i32
    %dma_start3A_168 = arith.constant 0 : i32
    %dma_start3A_169 = tpu.memref_slice %arg2[%dma_start3A_167, %dma_start3A_168] : memref<100000x128xf32, #tpu.memory_space<hbm>> -> memref<100000x128xf32, #tpu.memory_space<hbm>>
    tpu.enqueue_indirect_dma source(%dma_start3A_169 : memref<100000x128xf32, #tpu.memory_space<hbm>>) target(%arg11 : memref<64x128xf32, #tpu.memory_space<vmem>>) offsets(%arg10 : memref<64xi32, #tpu.memory_space<vmem>>) semaphore(%arg13 : memref<!tpu.dma_semaphore, #tpu.memory_space<semaphore_mem>>)
    %dma_wait3A_170 = arith.constant 0 : i32
    %dma_wait3A_171 = arith.constant 0 : i32
    %dma_wait3A_172 = tpu.memref_slice %arg2[%dma_wait3A_170, %dma_wait3A_171] : memref<100000x128xf32, #tpu.memory_space<hbm>> -> memref<100000x128xf32, #tpu.memory_space<hbm>>
    tpu.wait_indirect_dma semaphore(%arg13 : memref<!tpu.dma_semaphore, #tpu.memory_space<semaphore_mem>>) src(%dma_wait3A_172 : memref<100000x128xf32, #tpu.memory_space<hbm>>) dst(%arg11 : memref<64x128xf32, #tpu.memory_space<vmem>>)
    %mul3A_173 = arith.constant 32 : i32
    %mul3A_174 = arith.muli %mul3A_2, %mul3A_173 : i32
    "tpu.region"() ({
      %run_scoped3A = tpu.sem_alloc : memref<!tpu.dma_semaphore, #tpu.memory_space<semaphore_mem>>
      %dma_start3A_180 = arith.constant 0 : i32
      %dma_start3A_181 = tpu.memref_slice %arg6[%mul3A_174, %dma_start3A_180] : memref<2048x128xf32, #tpu.memory_space<hbm>> -> memref<64x128xf32, #tpu.memory_space<hbm>>
      %dma_start3A_182 = arith.constant 0 : i32
      %dma_start3A_183 = tpu.memref_slice %arg6[%mul3A_174, %dma_start3A_182] : memref<2048x128xf32, #tpu.memory_space<hbm>> -> memref<64x128xf32, #tpu.memory_space<hbm>>
      tpu.enqueue_dma source(%arg11 : memref<64x128xf32, #tpu.memory_space<vmem>>) target(%dma_start3A_183 : memref<64x128xf32, #tpu.memory_space<hbm>>) target_semaphore(%run_scoped3A : memref<!tpu.dma_semaphore, #tpu.memory_space<semaphore_mem>>)
      %dma_wait3A_184 = arith.constant 0 : i32
      %dma_wait3A_185 = tpu.memref_slice %arg6[%mul3A_174, %dma_wait3A_184] : memref<2048x128xf32, #tpu.memory_space<hbm>> -> memref<64x128xf32, #tpu.memory_space<hbm>>
      %dma_wait3A_186 = arith.constant 0 : i32
      %dma_wait3A_187 = tpu.memref_slice %arg6[%mul3A_174, %dma_wait3A_186] : memref<2048x128xf32, #tpu.memory_space<hbm>> -> memref<64x128xf32, #tpu.memory_space<hbm>>
      tpu.wait_dma2 semaphore(%run_scoped3A : memref<!tpu.dma_semaphore, #tpu.memory_space<semaphore_mem>>) src(%arg11 : memref<64x128xf32, #tpu.memory_space<vmem>>) dst(%dma_wait3A_187 : memref<64x128xf32, #tpu.memory_space<hbm>>)
      tpu.yield
    }) : () -> ()
    %lt3A_175 = arith.constant 8 : i32
    %lt3A_176 = arith.cmpi slt, %add3A, %lt3A_175 : i32
    %convert_element_type3A_177 = arith.extui %lt3A_176 : i1 to i32
    %cond3A_178 = arith.constant 0 : i32
    %cond3A_179 = arith.cmpi ne, %convert_element_type3A_177, %cond3A_178 : i32
    scf.if %cond3A_179 {
      %dma_wait3A_180 = arith.constant 0 : i32
      %dma_wait3A_181 = tpu.memref_slice %arg7[%dma_wait3A_180] : memref<80xi32, #tpu.memory_space<vmem>> -> memref<64xi32, #tpu.memory_space<vmem>>
      %dma_wait3A_182 = arith.constant 0 : i32
      %dma_wait3A_183 = arith.constant 0 : i32
      %dma_wait3A_184 = tpu.memref_slice %arg2[%dma_wait3A_182, %dma_wait3A_183] : memref<100000x128xf32, #tpu.memory_space<hbm>> -> memref<100000x128xf32, #tpu.memory_space<hbm>>
      tpu.wait_indirect_dma semaphore(%arg14 : memref<!tpu.dma_semaphore, #tpu.memory_space<semaphore_mem>>) src(%dma_wait3A_184 : memref<100000x128xf32, #tpu.memory_space<hbm>>) dst(%arg12 : memref<64x128xf32, #tpu.memory_space<vmem>>)
      %mul3A_185 = arith.constant 8 : i32
      %mul3A_186 = arith.muli %add3A, %mul3A_185 : i32
      %mul3A_187 = arith.constant 8 : i32
      %mul3A_188 = arith.muli %add3A, %mul3A_187 : i32
      "tpu.region"() ({
        %run_scoped3A = tpu.sem_alloc : memref<!tpu.dma_semaphore, #tpu.memory_space<semaphore_mem>>
        %dma_start3A_189 = arith.constant 0 : i32
        %dma_start3A_190 = tpu.memref_slice %arg12[%mul3A_186, %dma_start3A_189] : memref<64x128xf32, #tpu.memory_space<vmem>> -> memref<8x128xf32, #tpu.memory_space<vmem>>
        %dma_start3A_191 = arith.constant 0 : i32
        %dma_start3A_192 = tpu.memref_slice %arg5[%mul3A_188, %dma_start3A_191] : memref<64x128xf32, #tpu.memory_space<hbm>> -> memref<8x128xf32, #tpu.memory_space<hbm>>
        %dma_start3A_193 = arith.constant 0 : i32
        %dma_start3A_194 = tpu.memref_slice %arg5[%mul3A_188, %dma_start3A_193] : memref<64x128xf32, #tpu.memory_space<hbm>> -> memref<8x128xf32, #tpu.memory_space<hbm>>
        %dma_start3A_195 = arith.constant 0 : i32
        %dma_start3A_196 = tpu.memref_slice %arg12[%mul3A_186, %dma_start3A_195] : memref<64x128xf32, #tpu.memory_space<vmem>> -> memref<8x128xf32, #tpu.memory_space<vmem>>
        tpu.enqueue_dma source(%dma_start3A_196 : memref<8x128xf32, #tpu.memory_space<vmem>>) target(%dma_start3A_194 : memref<8x128xf32, #tpu.memory_space<hbm>>) target_semaphore(%run_scoped3A : memref<!tpu.dma_semaphore, #tpu.memory_space<semaphore_mem>>)
        %dma_wait3A_197 = arith.constant 0 : i32
        %dma_wait3A_198 = tpu.memref_slice %arg12[%mul3A_186, %dma_wait3A_197] : memref<64x128xf32, #tpu.memory_space<vmem>> -> memref<8x128xf32, #tpu.memory_space<vmem>>
        %dma_wait3A_199 = arith.constant 0 : i32
        %dma_wait3A_200 = tpu.memref_slice %arg5[%mul3A_188, %dma_wait3A_199] : memref<64x128xf32, #tpu.memory_space<hbm>> -> memref<8x128xf32, #tpu.memory_space<hbm>>
        %dma_wait3A_201 = arith.constant 0 : i32
        %dma_wait3A_202 = tpu.memref_slice %arg5[%mul3A_188, %dma_wait3A_201] : memref<64x128xf32, #tpu.memory_space<hbm>> -> memref<8x128xf32, #tpu.memory_space<hbm>>
        %dma_wait3A_203 = arith.constant 0 : i32
        %dma_wait3A_204 = tpu.memref_slice %arg12[%mul3A_186, %dma_wait3A_203] : memref<64x128xf32, #tpu.memory_space<vmem>> -> memref<8x128xf32, #tpu.memory_space<vmem>>
        tpu.wait_dma2 semaphore(%run_scoped3A : memref<!tpu.dma_semaphore, #tpu.memory_space<semaphore_mem>>) src(%dma_wait3A_204 : memref<8x128xf32, #tpu.memory_space<vmem>>) dst(%dma_wait3A_202 : memref<8x128xf32, #tpu.memory_space<hbm>>)
        tpu.yield
      }) : () -> ()
    } else {
    }
    return
  }
}

module attributes {stable_mosaic.version = 14 : i64} {
  func.func @body(%arg0: i32, %arg1: memref<64x50x128xf32, #tpu.memory_space<vmem>>, %arg2: memref<64x1xf32, #tpu.memory_space<vmem>>, %arg3: memref<128x1024xf32, #tpu.memory_space<vmem>>, %arg4: memref<1x1024xf32, #tpu.memory_space<vmem>>, %arg5: memref<128x1024xf32, #tpu.memory_space<vmem>>, %arg6: memref<1152x1024xf32, #tpu.memory_space<vmem>>, %arg7: memref<1x1024xf32, #tpu.memory_space<vmem>>, %arg8: memref<1024x128xf32, #tpu.memory_space<vmem>>, %arg9: memref<64x32x128xf32, #tpu.memory_space<vmem>>, %arg10: memref<10240x128xf32, #tpu.memory_space<vmem>>, %arg11: memref<64x1024xf32, #tpu.memory_space<vmem>>, %arg12: memref<64x1xi32, #tpu.memory_space<vmem>>, %arg13: memref<64x128xf32, #tpu.memory_space<vmem>>, %arg14: memref<64x1xf32, #tpu.memory_space<vmem>>, %arg15: memref<64x1xi32, #tpu.memory_space<vmem>>) attributes {dimension_semantics = [#tpu.dimension_semantics<arbitrary>], iteration_bounds = array<i64: 10>, scalar_prefetch = 0 : i64, scratch_operands = 3 : i64, tpu.core_type = #tpu.core_type<tc>, window_params = [{pipeline_mode = #tpu.pipeline_mode<synchronous>, transform_indices = @transform_0, window_bounds = array<i64: 64, 50, 128>}, {pipeline_mode = #tpu.pipeline_mode<synchronous>, transform_indices = @transform_1, window_bounds = array<i64: 64, 1>}, {pipeline_mode = #tpu.pipeline_mode<synchronous>, transform_indices = @transform_2, window_bounds = array<i64: 128, 1024>}, {pipeline_mode = #tpu.pipeline_mode<synchronous>, transform_indices = @transform_3, window_bounds = array<i64: 1, 1024>}, {pipeline_mode = #tpu.pipeline_mode<synchronous>, transform_indices = @transform_4, window_bounds = array<i64: 128, 1024>}, {pipeline_mode = #tpu.pipeline_mode<synchronous>, transform_indices = @transform_5, window_bounds = array<i64: 1152, 1024>}, {pipeline_mode = #tpu.pipeline_mode<synchronous>, transform_indices = @transform_6, window_bounds = array<i64: 1, 1024>}, {pipeline_mode = #tpu.pipeline_mode<synchronous>, transform_indices = @transform_7, window_bounds = array<i64: 1024, 128>}, {pipeline_mode = #tpu.pipeline_mode<synchronous>, transform_indices = @transform_8, window_bounds = array<i64: 64, 32, 128>}, {transform_indices = @transform_9, window_bounds = array<i64: 10240, 128>}, {pipeline_mode = #tpu.pipeline_mode<synchronous>, transform_indices = @transform_10, window_bounds = array<i64: 64, 1024>}, {pipeline_mode = #tpu.pipeline_mode<synchronous>, transform_indices = @transform_11, window_bounds = array<i64: 64, 1>}]} {
    %eq3A = arith.constant 0 : i32
    %eq3A_0 = arith.cmpi eq, %arg0, %eq3A : i32
    %convert_element_type3A = arith.extui %eq3A_0 : i1 to i32
    %cond3A = arith.constant 0 : i32
    %cond3A_1 = arith.cmpi ne, %convert_element_type3A, %cond3A : i32
    scf.if %cond3A_1 {
      %iota3A_285 = tpu.iota {dimensions = array<i32: 1>} : vector<64x50xi32>
      %convert_element_type3A_286 = arith.sitofp %iota3A_285 : vector<64x50xi32> to vector<64x50xf32>
      %get3A_287 = arith.constant 0 : index
      %get3A_288 = arith.constant 0 : index
      %get3A_289 = vector.load %arg2[%get3A_287, %get3A_288] : memref<64x1xf32, #tpu.memory_space<vmem>>, vector<64x1xf32>
      %lt3A_290 = vector.broadcast %get3A_289 : vector<64x1xf32> to vector<64x50xf32>
      %lt3A_291 = arith.cmpf olt, %convert_element_type3A_286, %lt3A_290 : vector<64x50xf32>
      %convert_element_type3A_292 = arith.extui %lt3A_291 : vector<64x50xi1> to vector<64x50xi32>
      %convert_element_type3A_293 = arith.sitofp %convert_element_type3A_292 : vector<64x50xi32> to vector<64x50xf32>
      %get3A_294 = arith.constant 0 : index
      %get3A_295 = arith.constant 0 : index
      %get3A_296 = arith.constant 0 : index
      %get3A_297 = vector.load %arg1[%get3A_294, %get3A_295, %get3A_296] : memref<64x50x128xf32, #tpu.memory_space<vmem>>, vector<64x50x128xf32>
      %broadcast_in_dim3A_298 = vector.shape_cast %convert_element_type3A_293 : vector<64x50xf32> to vector<64x50x1xf32>
      %mul3A_299 = vector.broadcast %broadcast_in_dim3A_298 : vector<64x50x1xf32> to vector<64x50x128xf32>
      %mul3A_300 = arith.mulf %get3A_297, %mul3A_299 : vector<64x50x128xf32>
      %reduce_sum3A = arith.constant dense<0.000000e+00> : vector<64x128xf32>
      %reduce_sum3A_301 = vector.multi_reduction <add>, %mul3A_300, %reduce_sum3A [1] : vector<64x50x128xf32> to vector<64x128xf32>
      %get3A_302 = arith.constant 0 : index
      %get3A_303 = arith.constant 0 : index
      %get3A_304 = vector.load %arg2[%get3A_302, %get3A_303] : memref<64x1xf32, #tpu.memory_space<vmem>>, vector<64x1xf32>
      %div3A = vector.broadcast %get3A_304 : vector<64x1xf32> to vector<64x128xf32>
      %div3A_305 = arith.divf %reduce_sum3A_301, %div3A : vector<64x128xf32>
      %get3A_306 = arith.constant 0 : index
      %get3A_307 = arith.constant 0 : index
      %get3A_308 = vector.load %arg3[%get3A_306, %get3A_307] : memref<128x1024xf32, #tpu.memory_space<vmem>>, vector<128x1024xf32>
      %dot_general3A_309 = arith.constant dense<0.000000e+00> : vector<64x1024xf32>
      %dot_general3A_310 = tpu.matmul %div3A_305, %get3A_308, %dot_general3A_309 {dimension_numbers = #tpu.dot_dimension_numbers<[1], [0], [0], [1], [0, 0, 1, 1], [], []>, transpose_lhs_hint = false} : vector<64x128xf32>, vector<128x1024xf32>, vector<64x1024xf32> -> vector<64x1024xf32>
      %get3A_311 = arith.constant 0 : index
      %get3A_312 = arith.constant 0 : index
      %get3A_313 = vector.load %arg4[%get3A_311, %get3A_312] : memref<1x1024xf32, #tpu.memory_space<vmem>>, vector<1x1024xf32>
      %add3A_314 = vector.broadcast %get3A_313 : vector<1x1024xf32> to vector<64x1024xf32>
      %add3A_315 = arith.addf %dot_general3A_310, %add3A_314 : vector<64x1024xf32>
      %tanh3A = math.tanh %add3A_315 : vector<64x1024xf32>
      %get3A_316 = arith.constant 0 : index
      %get3A_317 = arith.constant 0 : index
      %get3A_318 = arith.constant 0 : index
      %get3A_319 = vector.load %arg9[%get3A_316, %get3A_317, %get3A_318] : memref<64x32x128xf32, #tpu.memory_space<vmem>>, vector<64x32x128xf32>
      %get3A_320 = arith.constant 0 : index
      %get3A_321 = arith.constant 0 : index
      %get3A_322 = vector.load %arg5[%get3A_320, %get3A_321] : memref<128x1024xf32, #tpu.memory_space<vmem>>, vector<128x1024xf32>
      %get3A_323 = arith.constant 0 : index
      %get3A_324 = arith.constant 0 : index
      %get3A_325 = vector.load %arg6[%get3A_323, %get3A_324] : memref<1152x1024xf32, #tpu.memory_space<vmem>>, vector<1024x1024xf32>
      %get3A_326 = arith.constant 1024 : index
      %get3A_327 = arith.constant 0 : index
      %get3A_328 = vector.load %arg6[%get3A_326, %get3A_327] : memref<1152x1024xf32, #tpu.memory_space<vmem>>, vector<128x1024xf32>
      %get3A_329 = arith.constant 0 : index
      %get3A_330 = arith.constant 0 : index
      %get3A_331 = vector.load %arg7[%get3A_329, %get3A_330] : memref<1x1024xf32, #tpu.memory_space<vmem>>, vector<1x1024xf32>
      %get3A_332 = arith.constant 0 : index
      %get3A_333 = arith.constant 0 : index
      %get3A_334 = vector.load %arg8[%get3A_332, %get3A_333] : memref<1024x128xf32, #tpu.memory_space<vmem>>, vector<1024x128xf32>
      %dot_general3A_335 = arith.constant dense<0.000000e+00> : vector<64x128xf32>
      %dot_general3A_336 = tpu.matmul %tanh3A, %get3A_322, %dot_general3A_335 {dimension_numbers = #tpu.dot_dimension_numbers<[1], [1], [0], [0], [0, 0, 1, 0], [], []>, transpose_lhs_hint = false} : vector<64x1024xf32>, vector<128x1024xf32>, vector<64x128xf32> -> vector<64x128xf32>
      %broadcast_in_dim3A_337 = vector.shape_cast %dot_general3A_336 : vector<64x128xf32> to vector<64x1x128xf32>
      %mul3A_338 = vector.broadcast %broadcast_in_dim3A_337 : vector<64x1x128xf32> to vector<64x32x128xf32>
      %mul3A_339 = arith.mulf %get3A_319, %mul3A_338 : vector<64x32x128xf32>
      %reduce_sum3A_340 = arith.constant dense<0.000000e+00> : vector<64x32xf32>
      %reduce_sum3A_341 = vector.multi_reduction <add>, %mul3A_339, %reduce_sum3A_340 [2] : vector<64x32x128xf32> to vector<64x32xf32>
      %reduce_max3A_342 = arith.constant dense<0xFF800000> : vector<64xf32>
      %reduce_max3A_343 = vector.multi_reduction <maximumf>, %reduce_sum3A_341, %reduce_max3A_342 [1] : vector<64x32xf32> to vector<64xf32>
      %broadcast_in_dim3A_344 = vector.shape_cast %reduce_max3A_343 : vector<64xf32> to vector<64x1xf32>
      %sub3A_345 = vector.broadcast %broadcast_in_dim3A_344 : vector<64x1xf32> to vector<64x32xf32>
      %sub3A_346 = arith.subf %reduce_sum3A_341, %sub3A_345 : vector<64x32xf32>
      %exp3A = math.exp %sub3A_346 : vector<64x32xf32>
      %reduce_sum3A_347 = arith.constant dense<0.000000e+00> : vector<64xf32>
      %reduce_sum3A_348 = vector.multi_reduction <add>, %exp3A, %reduce_sum3A_347 [1] : vector<64x32xf32> to vector<64xf32>
      %broadcast_in_dim3A_349 = vector.shape_cast %reduce_sum3A_348 : vector<64xf32> to vector<64x1xf32>
      %div3A_350 = vector.broadcast %broadcast_in_dim3A_349 : vector<64x1xf32> to vector<64x32xf32>
      %div3A_351 = arith.divf %exp3A, %div3A_350 : vector<64x32xf32>
      %broadcast_in_dim3A_352 = vector.shape_cast %div3A_351 : vector<64x32xf32> to vector<64x32x1xf32>
      %mul3A_353 = vector.broadcast %broadcast_in_dim3A_352 : vector<64x32x1xf32> to vector<64x32x128xf32>
      %mul3A_354 = arith.mulf %mul3A_353, %get3A_319 : vector<64x32x128xf32>
      %reduce_sum3A_355 = arith.constant dense<0.000000e+00> : vector<64x128xf32>
      %reduce_sum3A_356 = vector.multi_reduction <add>, %mul3A_354, %reduce_sum3A_355 [1] : vector<64x32x128xf32> to vector<64x128xf32>
      %dot_general3A_357 = arith.constant dense<0.000000e+00> : vector<64x1024xf32>
      %dot_general3A_358 = tpu.matmul %tanh3A, %get3A_325, %dot_general3A_357 {dimension_numbers = #tpu.dot_dimension_numbers<[1], [0], [0], [1], [0, 0, 1, 1], [], []>, transpose_lhs_hint = false} : vector<64x1024xf32>, vector<1024x1024xf32>, vector<64x1024xf32> -> vector<64x1024xf32>
      %dot_general3A_359 = arith.constant dense<0.000000e+00> : vector<64x1024xf32>
      %dot_general3A_360 = tpu.matmul %reduce_sum3A_356, %get3A_328, %dot_general3A_359 {dimension_numbers = #tpu.dot_dimension_numbers<[1], [0], [0], [1], [0, 0, 1, 1], [], []>, transpose_lhs_hint = false} : vector<64x128xf32>, vector<128x1024xf32>, vector<64x1024xf32> -> vector<64x1024xf32>
      %add3A_361 = arith.addf %dot_general3A_358, %dot_general3A_360 : vector<64x1024xf32>
      %add3A_362 = vector.broadcast %get3A_331 : vector<1x1024xf32> to vector<64x1024xf32>
      %add3A_363 = arith.addf %add3A_361, %add3A_362 : vector<64x1024xf32>
      %tanh3A_364 = math.tanh %add3A_363 : vector<64x1024xf32>
      %dot_general3A_365 = arith.constant dense<0.000000e+00> : vector<64x128xf32>
      %dot_general3A_366 = tpu.matmul %tanh3A_364, %get3A_334, %dot_general3A_365 {dimension_numbers = #tpu.dot_dimension_numbers<[1], [0], [0], [1], [0, 0, 1, 1], [], []>, transpose_lhs_hint = false} : vector<64x1024xf32>, vector<1024x128xf32>, vector<64x128xf32> -> vector<64x128xf32>
      %swap3A_367 = arith.constant 0 : index
      %swap3A_368 = arith.constant 0 : index
      %swap3A_369 = vector.load %arg11[%swap3A_367, %swap3A_368] : memref<64x1024xf32, #tpu.memory_space<vmem>>, vector<64x1024xf32>
      tpu.vector_store %arg11[%swap3A_367, %swap3A_368], %tanh3A_364 {strides = array<i32>} : memref<64x1024xf32, #tpu.memory_space<vmem>>, vector<64x1024xf32>,
      %swap3A_370 = arith.constant 0 : index
      %swap3A_371 = arith.constant 0 : index
      %swap3A_372 = vector.load %arg13[%swap3A_370, %swap3A_371] : memref<64x128xf32, #tpu.memory_space<vmem>>, vector<64x128xf32>
      tpu.vector_store %arg13[%swap3A_370, %swap3A_371], %dot_general3A_366 {strides = array<i32>} : memref<64x128xf32, #tpu.memory_space<vmem>>, vector<64x128xf32>,
      %broadcast_in_dim3A_373 = arith.constant 0xFF800000 : f32
      %broadcast_in_dim3A_374 = vector.broadcast %broadcast_in_dim3A_373 : f32 to vector<64x1xf32>
      %swap3A_375 = arith.constant 0 : index
      %swap3A_376 = arith.constant 0 : index
      %swap3A_377 = vector.load %arg14[%swap3A_375, %swap3A_376] : memref<64x1xf32, #tpu.memory_space<vmem>>, vector<64x1xf32>
      tpu.vector_store %arg14[%swap3A_375, %swap3A_376], %broadcast_in_dim3A_374 {strides = array<i32>} : memref<64x1xf32, #tpu.memory_space<vmem>>, vector<64x1xf32>,
      %broadcast_in_dim3A_378 = arith.constant 0 : i32
      %broadcast_in_dim3A_379 = vector.broadcast %broadcast_in_dim3A_378 : i32 to vector<64x1xi32>
      %swap3A_380 = arith.constant 0 : index
      %swap3A_381 = arith.constant 0 : index
      %swap3A_382 = vector.load %arg15[%swap3A_380, %swap3A_381] : memref<64x1xi32, #tpu.memory_space<vmem>>, vector<64x1xi32>
      tpu.vector_store %arg15[%swap3A_380, %swap3A_381], %broadcast_in_dim3A_379 {strides = array<i32>} : memref<64x1xi32, #tpu.memory_space<vmem>>, vector<64x1xi32>,
    } else {
    }
    %get3A = arith.constant 0 : index
    %get3A_2 = arith.constant 0 : index
    %get3A_3 = vector.load %arg13[%get3A, %get3A_2] : memref<64x128xf32, #tpu.memory_space<vmem>>, vector<64x128xf32>
    %get3A_4 = arith.constant 0 : index
    %get3A_5 = arith.constant 0 : index
    %get3A_6 = vector.load %arg10[%get3A_4, %get3A_5] : memref<10240x128xf32, #tpu.memory_space<vmem>>, vector<10240x128xf32>
    %dot_general3A = arith.constant dense<0.000000e+00> : vector<64x10240xf32>
    %dot_general3A_7 = tpu.matmul %get3A_3, %get3A_6, %dot_general3A {dimension_numbers = #tpu.dot_dimension_numbers<[1], [1], [0], [0], [0, 0, 1, 0], [], []>, transpose_lhs_hint = false} : vector<64x128xf32>, vector<10240x128xf32>, vector<64x10240xf32> -> vector<64x10240xf32>
    %iota3A = tpu.iota {dimensions = array<i32: 0>} : vector<64x10240xi32>
    %iota3A_8 = tpu.iota {dimensions = array<i32: 1>} : vector<64x10240xi32>
    %mul3A = arith.constant 10240 : i32
    %mul3A_9 = arith.muli %arg0, %mul3A : i32
    %add3A = vector.broadcast %mul3A_9 : i32 to vector<64x10240xi32>
    %add3A_10 = arith.addi %iota3A_8, %add3A : vector<64x10240xi32>
    %mul3A_11 = arith.constant 100000 : i32
    %mul3A_12 = vector.broadcast %mul3A_11 : i32 to vector<64x10240xi32>
    %mul3A_13 = arith.muli %iota3A, %mul3A_12 : vector<64x10240xi32>
    %add3A_14 = arith.addi %mul3A_13, %add3A_10 : vector<64x10240xi32>
    %broadcast_in_dim3A = arith.constant 1832780943 : i32
    %broadcast_in_dim3A_15 = vector.broadcast %broadcast_in_dim3A : i32 to vector<64x10240xi32>
    %add3A_16 = arith.constant 270669613 : i32
    %add3A_17 = vector.broadcast %add3A_16 : i32 to vector<64x10240xi32>
    %add3A_18 = arith.addi %add3A_14, %add3A_17 : vector<64x10240xi32>
    %add3A_19 = arith.addi %broadcast_in_dim3A_15, %add3A_18 : vector<64x10240xi32>
    %shift_left3A = arith.constant 13 : i32
    %shift_left3A_20 = vector.broadcast %shift_left3A : i32 to vector<64x10240xi32>
    %shift_left3A_21 = arith.shli %add3A_18, %shift_left3A_20 : vector<64x10240xi32>
    %shift_right_logical3A = arith.constant 19 : i32
    %shift_right_logical3A_22 = vector.broadcast %shift_right_logical3A : i32 to vector<64x10240xi32>
    %shift_right_logical3A_23 = arith.shrui %add3A_18, %shift_right_logical3A_22 : vector<64x10240xi32>
    %or3A = arith.ori %shift_left3A_21, %shift_right_logical3A_23 : vector<64x10240xi32>
    %xor3A = arith.xori %add3A_19, %or3A : vector<64x10240xi32>
    %add3A_24 = arith.addi %add3A_19, %xor3A : vector<64x10240xi32>
    %shift_left3A_25 = arith.constant 15 : i32
    %shift_left3A_26 = vector.broadcast %shift_left3A_25 : i32 to vector<64x10240xi32>
    %shift_left3A_27 = arith.shli %xor3A, %shift_left3A_26 : vector<64x10240xi32>
    %shift_right_logical3A_28 = arith.constant 17 : i32
    %shift_right_logical3A_29 = vector.broadcast %shift_right_logical3A_28 : i32 to vector<64x10240xi32>
    %shift_right_logical3A_30 = arith.shrui %xor3A, %shift_right_logical3A_29 : vector<64x10240xi32>
    %or3A_31 = arith.ori %shift_left3A_27, %shift_right_logical3A_30 : vector<64x10240xi32>
    %xor3A_32 = arith.xori %add3A_24, %or3A_31 : vector<64x10240xi32>
    %add3A_33 = arith.addi %add3A_24, %xor3A_32 : vector<64x10240xi32>
    %shift_left3A_34 = arith.constant 26 : i32
    %shift_left3A_35 = vector.broadcast %shift_left3A_34 : i32 to vector<64x10240xi32>
    %shift_left3A_36 = arith.shli %xor3A_32, %shift_left3A_35 : vector<64x10240xi32>
    %shift_right_logical3A_37 = arith.constant 6 : i32
    %shift_right_logical3A_38 = vector.broadcast %shift_right_logical3A_37 : i32 to vector<64x10240xi32>
    %shift_right_logical3A_39 = arith.shrui %xor3A_32, %shift_right_logical3A_38 : vector<64x10240xi32>
    %or3A_40 = arith.ori %shift_left3A_36, %shift_right_logical3A_39 : vector<64x10240xi32>
    %xor3A_41 = arith.xori %add3A_33, %or3A_40 : vector<64x10240xi32>
    %add3A_42 = arith.addi %add3A_33, %xor3A_41 : vector<64x10240xi32>
    %shift_left3A_43 = arith.constant 6 : i32
    %shift_left3A_44 = vector.broadcast %shift_left3A_43 : i32 to vector<64x10240xi32>
    %shift_left3A_45 = arith.shli %xor3A_41, %shift_left3A_44 : vector<64x10240xi32>
    %shift_right_logical3A_46 = arith.constant 26 : i32
    %shift_right_logical3A_47 = vector.broadcast %shift_right_logical3A_46 : i32 to vector<64x10240xi32>
    %shift_right_logical3A_48 = arith.shrui %xor3A_41, %shift_right_logical3A_47 : vector<64x10240xi32>
    %or3A_49 = arith.ori %shift_left3A_45, %shift_right_logical3A_48 : vector<64x10240xi32>
    %xor3A_50 = arith.xori %add3A_42, %or3A_49 : vector<64x10240xi32>
    %add3A_51 = arith.constant 270669613 : i32
    %add3A_52 = vector.broadcast %add3A_51 : i32 to vector<64x10240xi32>
    %add3A_53 = arith.addi %add3A_42, %add3A_52 : vector<64x10240xi32>
    %add3A_54 = arith.constant 1724713081 : i32
    %add3A_55 = vector.broadcast %add3A_54 : i32 to vector<64x10240xi32>
    %add3A_56 = arith.addi %xor3A_50, %add3A_55 : vector<64x10240xi32>
    %add3A_57 = arith.addi %add3A_53, %add3A_56 : vector<64x10240xi32>
    %shift_left3A_58 = arith.constant 17 : i32
    %shift_left3A_59 = vector.broadcast %shift_left3A_58 : i32 to vector<64x10240xi32>
    %shift_left3A_60 = arith.shli %add3A_56, %shift_left3A_59 : vector<64x10240xi32>
    %shift_right_logical3A_61 = arith.constant 15 : i32
    %shift_right_logical3A_62 = vector.broadcast %shift_right_logical3A_61 : i32 to vector<64x10240xi32>
    %shift_right_logical3A_63 = arith.shrui %add3A_56, %shift_right_logical3A_62 : vector<64x10240xi32>
    %or3A_64 = arith.ori %shift_left3A_60, %shift_right_logical3A_63 : vector<64x10240xi32>
    %xor3A_65 = arith.xori %add3A_57, %or3A_64 : vector<64x10240xi32>
    %add3A_66 = arith.addi %add3A_57, %xor3A_65 : vector<64x10240xi32>
    %shift_left3A_67 = arith.constant 29 : i32
    %shift_left3A_68 = vector.broadcast %shift_left3A_67 : i32 to vector<64x10240xi32>
    %shift_left3A_69 = arith.shli %xor3A_65, %shift_left3A_68 : vector<64x10240xi32>
    %shift_right_logical3A_70 = arith.constant 3 : i32
    %shift_right_logical3A_71 = vector.broadcast %shift_right_logical3A_70 : i32 to vector<64x10240xi32>
    %shift_right_logical3A_72 = arith.shrui %xor3A_65, %shift_right_logical3A_71 : vector<64x10240xi32>
    %or3A_73 = arith.ori %shift_left3A_69, %shift_right_logical3A_72 : vector<64x10240xi32>
    %xor3A_74 = arith.xori %add3A_66, %or3A_73 : vector<64x10240xi32>
    %add3A_75 = arith.addi %add3A_66, %xor3A_74 : vector<64x10240xi32>
    %shift_left3A_76 = arith.constant 16 : i32
    %shift_left3A_77 = vector.broadcast %shift_left3A_76 : i32 to vector<64x10240xi32>
    %shift_left3A_78 = arith.shli %xor3A_74, %shift_left3A_77 : vector<64x10240xi32>
    %shift_right_logical3A_79 = arith.constant 16 : i32
    %shift_right_logical3A_80 = vector.broadcast %shift_right_logical3A_79 : i32 to vector<64x10240xi32>
    %shift_right_logical3A_81 = arith.shrui %xor3A_74, %shift_right_logical3A_80 : vector<64x10240xi32>
    %or3A_82 = arith.ori %shift_left3A_78, %shift_right_logical3A_81 : vector<64x10240xi32>
    %xor3A_83 = arith.xori %add3A_75, %or3A_82 : vector<64x10240xi32>
    %add3A_84 = arith.addi %add3A_75, %xor3A_83 : vector<64x10240xi32>
    %shift_left3A_85 = arith.constant 24 : i32
    %shift_left3A_86 = vector.broadcast %shift_left3A_85 : i32 to vector<64x10240xi32>
    %shift_left3A_87 = arith.shli %xor3A_83, %shift_left3A_86 : vector<64x10240xi32>
    %shift_right_logical3A_88 = arith.constant 8 : i32
    %shift_right_logical3A_89 = vector.broadcast %shift_right_logical3A_88 : i32 to vector<64x10240xi32>
    %shift_right_logical3A_90 = arith.shrui %xor3A_83, %shift_right_logical3A_89 : vector<64x10240xi32>
    %or3A_91 = arith.ori %shift_left3A_87, %shift_right_logical3A_90 : vector<64x10240xi32>
    %xor3A_92 = arith.xori %add3A_84, %or3A_91 : vector<64x10240xi32>
    %add3A_93 = arith.constant 1724713080 : i32
    %add3A_94 = vector.broadcast %add3A_93 : i32 to vector<64x10240xi32>
    %add3A_95 = arith.addi %add3A_84, %add3A_94 : vector<64x10240xi32>
    %add3A_96 = arith.constant 1832780945 : i32
    %add3A_97 = vector.broadcast %add3A_96 : i32 to vector<64x10240xi32>
    %add3A_98 = arith.addi %xor3A_92, %add3A_97 : vector<64x10240xi32>
    %add3A_99 = arith.addi %add3A_95, %add3A_98 : vector<64x10240xi32>
    %shift_left3A_100 = arith.constant 13 : i32
    %shift_left3A_101 = vector.broadcast %shift_left3A_100 : i32 to vector<64x10240xi32>
    %shift_left3A_102 = arith.shli %add3A_98, %shift_left3A_101 : vector<64x10240xi32>
    %shift_right_logical3A_103 = arith.constant 19 : i32
    %shift_right_logical3A_104 = vector.broadcast %shift_right_logical3A_103 : i32 to vector<64x10240xi32>
    %shift_right_logical3A_105 = arith.shrui %add3A_98, %shift_right_logical3A_104 : vector<64x10240xi32>
    %or3A_106 = arith.ori %shift_left3A_102, %shift_right_logical3A_105 : vector<64x10240xi32>
    %xor3A_107 = arith.xori %add3A_99, %or3A_106 : vector<64x10240xi32>
    %add3A_108 = arith.addi %add3A_99, %xor3A_107 : vector<64x10240xi32>
    %shift_left3A_109 = arith.constant 15 : i32
    %shift_left3A_110 = vector.broadcast %shift_left3A_109 : i32 to vector<64x10240xi32>
    %shift_left3A_111 = arith.shli %xor3A_107, %shift_left3A_110 : vector<64x10240xi32>
    %shift_right_logical3A_112 = arith.constant 17 : i32
    %shift_right_logical3A_113 = vector.broadcast %shift_right_logical3A_112 : i32 to vector<64x10240xi32>
    %shift_right_logical3A_114 = arith.shrui %xor3A_107, %shift_right_logical3A_113 : vector<64x10240xi32>
    %or3A_115 = arith.ori %shift_left3A_111, %shift_right_logical3A_114 : vector<64x10240xi32>
    %xor3A_116 = arith.xori %add3A_108, %or3A_115 : vector<64x10240xi32>
    %add3A_117 = arith.addi %add3A_108, %xor3A_116 : vector<64x10240xi32>
    %shift_left3A_118 = arith.constant 26 : i32
    %shift_left3A_119 = vector.broadcast %shift_left3A_118 : i32 to vector<64x10240xi32>
    %shift_left3A_120 = arith.shli %xor3A_116, %shift_left3A_119 : vector<64x10240xi32>
    %shift_right_logical3A_121 = arith.constant 6 : i32
    %shift_right_logical3A_122 = vector.broadcast %shift_right_logical3A_121 : i32 to vector<64x10240xi32>
    %shift_right_logical3A_123 = arith.shrui %xor3A_116, %shift_right_logical3A_122 : vector<64x10240xi32>
    %or3A_124 = arith.ori %shift_left3A_120, %shift_right_logical3A_123 : vector<64x10240xi32>
    %xor3A_125 = arith.xori %add3A_117, %or3A_124 : vector<64x10240xi32>
    %add3A_126 = arith.addi %add3A_117, %xor3A_125 : vector<64x10240xi32>
    %shift_left3A_127 = arith.constant 6 : i32
    %shift_left3A_128 = vector.broadcast %shift_left3A_127 : i32 to vector<64x10240xi32>
    %shift_left3A_129 = arith.shli %xor3A_125, %shift_left3A_128 : vector<64x10240xi32>
    %shift_right_logical3A_130 = arith.constant 26 : i32
    %shift_right_logical3A_131 = vector.broadcast %shift_right_logical3A_130 : i32 to vector<64x10240xi32>
    %shift_right_logical3A_132 = arith.shrui %xor3A_125, %shift_right_logical3A_131 : vector<64x10240xi32>
    %or3A_133 = arith.ori %shift_left3A_129, %shift_right_logical3A_132 : vector<64x10240xi32>
    %xor3A_134 = arith.xori %add3A_126, %or3A_133 : vector<64x10240xi32>
    %add3A_135 = arith.constant 1832780943 : i32
    %add3A_136 = vector.broadcast %add3A_135 : i32 to vector<64x10240xi32>
    %add3A_137 = arith.addi %add3A_126, %add3A_136 : vector<64x10240xi32>
    %add3A_138 = arith.constant 270669616 : i32
    %add3A_139 = vector.broadcast %add3A_138 : i32 to vector<64x10240xi32>
    %add3A_140 = arith.addi %xor3A_134, %add3A_139 : vector<64x10240xi32>
    %add3A_141 = arith.addi %add3A_137, %add3A_140 : vector<64x10240xi32>
    %shift_left3A_142 = arith.constant 17 : i32
    %shift_left3A_143 = vector.broadcast %shift_left3A_142 : i32 to vector<64x10240xi32>
    %shift_left3A_144 = arith.shli %add3A_140, %shift_left3A_143 : vector<64x10240xi32>
    %shift_right_logical3A_145 = arith.constant 15 : i32
    %shift_right_logical3A_146 = vector.broadcast %shift_right_logical3A_145 : i32 to vector<64x10240xi32>
    %shift_right_logical3A_147 = arith.shrui %add3A_140, %shift_right_logical3A_146 : vector<64x10240xi32>
    %or3A_148 = arith.ori %shift_left3A_144, %shift_right_logical3A_147 : vector<64x10240xi32>
    %xor3A_149 = arith.xori %add3A_141, %or3A_148 : vector<64x10240xi32>
    %add3A_150 = arith.addi %add3A_141, %xor3A_149 : vector<64x10240xi32>
    %shift_left3A_151 = arith.constant 29 : i32
    %shift_left3A_152 = vector.broadcast %shift_left3A_151 : i32 to vector<64x10240xi32>
    %shift_left3A_153 = arith.shli %xor3A_149, %shift_left3A_152 : vector<64x10240xi32>
    %shift_right_logical3A_154 = arith.constant 3 : i32
    %shift_right_logical3A_155 = vector.broadcast %shift_right_logical3A_154 : i32 to vector<64x10240xi32>
    %shift_right_logical3A_156 = arith.shrui %xor3A_149, %shift_right_logical3A_155 : vector<64x10240xi32>
    %or3A_157 = arith.ori %shift_left3A_153, %shift_right_logical3A_156 : vector<64x10240xi32>
    %xor3A_158 = arith.xori %add3A_150, %or3A_157 : vector<64x10240xi32>
    %add3A_159 = arith.addi %add3A_150, %xor3A_158 : vector<64x10240xi32>
    %shift_left3A_160 = arith.constant 16 : i32
    %shift_left3A_161 = vector.broadcast %shift_left3A_160 : i32 to vector<64x10240xi32>
    %shift_left3A_162 = arith.shli %xor3A_158, %shift_left3A_161 : vector<64x10240xi32>
    %shift_right_logical3A_163 = arith.constant 16 : i32
    %shift_right_logical3A_164 = vector.broadcast %shift_right_logical3A_163 : i32 to vector<64x10240xi32>
    %shift_right_logical3A_165 = arith.shrui %xor3A_158, %shift_right_logical3A_164 : vector<64x10240xi32>
    %or3A_166 = arith.ori %shift_left3A_162, %shift_right_logical3A_165 : vector<64x10240xi32>
    %xor3A_167 = arith.xori %add3A_159, %or3A_166 : vector<64x10240xi32>
    %add3A_168 = arith.addi %add3A_159, %xor3A_167 : vector<64x10240xi32>
    %shift_left3A_169 = arith.constant 24 : i32
    %shift_left3A_170 = vector.broadcast %shift_left3A_169 : i32 to vector<64x10240xi32>
    %shift_left3A_171 = arith.shli %xor3A_167, %shift_left3A_170 : vector<64x10240xi32>
    %shift_right_logical3A_172 = arith.constant 8 : i32
    %shift_right_logical3A_173 = vector.broadcast %shift_right_logical3A_172 : i32 to vector<64x10240xi32>
    %shift_right_logical3A_174 = arith.shrui %xor3A_167, %shift_right_logical3A_173 : vector<64x10240xi32>
    %or3A_175 = arith.ori %shift_left3A_171, %shift_right_logical3A_174 : vector<64x10240xi32>
    %xor3A_176 = arith.xori %add3A_168, %or3A_175 : vector<64x10240xi32>
    %add3A_177 = arith.constant 270669613 : i32
    %add3A_178 = vector.broadcast %add3A_177 : i32 to vector<64x10240xi32>
    %add3A_179 = arith.addi %add3A_168, %add3A_178 : vector<64x10240xi32>
    %add3A_180 = arith.constant 1724713084 : i32
    %add3A_181 = vector.broadcast %add3A_180 : i32 to vector<64x10240xi32>
    %add3A_182 = arith.addi %xor3A_176, %add3A_181 : vector<64x10240xi32>
    %add3A_183 = arith.addi %add3A_179, %add3A_182 : vector<64x10240xi32>
    %shift_left3A_184 = arith.constant 13 : i32
    %shift_left3A_185 = vector.broadcast %shift_left3A_184 : i32 to vector<64x10240xi32>
    %shift_left3A_186 = arith.shli %add3A_182, %shift_left3A_185 : vector<64x10240xi32>
    %shift_right_logical3A_187 = arith.constant 19 : i32
    %shift_right_logical3A_188 = vector.broadcast %shift_right_logical3A_187 : i32 to vector<64x10240xi32>
    %shift_right_logical3A_189 = arith.shrui %add3A_182, %shift_right_logical3A_188 : vector<64x10240xi32>
    %or3A_190 = arith.ori %shift_left3A_186, %shift_right_logical3A_189 : vector<64x10240xi32>
    %xor3A_191 = arith.xori %add3A_183, %or3A_190 : vector<64x10240xi32>
    %add3A_192 = arith.addi %add3A_183, %xor3A_191 : vector<64x10240xi32>
    %shift_left3A_193 = arith.constant 15 : i32
    %shift_left3A_194 = vector.broadcast %shift_left3A_193 : i32 to vector<64x10240xi32>
    %shift_left3A_195 = arith.shli %xor3A_191, %shift_left3A_194 : vector<64x10240xi32>
    %shift_right_logical3A_196 = arith.constant 17 : i32
    %shift_right_logical3A_197 = vector.broadcast %shift_right_logical3A_196 : i32 to vector<64x10240xi32>
    %shift_right_logical3A_198 = arith.shrui %xor3A_191, %shift_right_logical3A_197 : vector<64x10240xi32>
    %or3A_199 = arith.ori %shift_left3A_195, %shift_right_logical3A_198 : vector<64x10240xi32>
    %xor3A_200 = arith.xori %add3A_192, %or3A_199 : vector<64x10240xi32>
    %add3A_201 = arith.addi %add3A_192, %xor3A_200 : vector<64x10240xi32>
    %shift_left3A_202 = arith.constant 26 : i32
    %shift_left3A_203 = vector.broadcast %shift_left3A_202 : i32 to vector<64x10240xi32>
    %shift_left3A_204 = arith.shli %xor3A_200, %shift_left3A_203 : vector<64x10240xi32>
    %shift_right_logical3A_205 = arith.constant 6 : i32
    %shift_right_logical3A_206 = vector.broadcast %shift_right_logical3A_205 : i32 to vector<64x10240xi32>
    %shift_right_logical3A_207 = arith.shrui %xor3A_200, %shift_right_logical3A_206 : vector<64x10240xi32>
    %or3A_208 = arith.ori %shift_left3A_204, %shift_right_logical3A_207 : vector<64x10240xi32>
    %xor3A_209 = arith.xori %add3A_201, %or3A_208 : vector<64x10240xi32>
    %add3A_210 = arith.addi %add3A_201, %xor3A_209 : vector<64x10240xi32>
    %shift_left3A_211 = arith.constant 6 : i32
    %shift_left3A_212 = vector.broadcast %shift_left3A_211 : i32 to vector<64x10240xi32>
    %shift_left3A_213 = arith.shli %xor3A_209, %shift_left3A_212 : vector<64x10240xi32>
    %shift_right_logical3A_214 = arith.constant 26 : i32
    %shift_right_logical3A_215 = vector.broadcast %shift_right_logical3A_214 : i32 to vector<64x10240xi32>
    %shift_right_logical3A_216 = arith.shrui %xor3A_209, %shift_right_logical3A_215 : vector<64x10240xi32>
    %or3A_217 = arith.ori %shift_left3A_213, %shift_right_logical3A_216 : vector<64x10240xi32>
    %xor3A_218 = arith.xori %add3A_210, %or3A_217 : vector<64x10240xi32>
    %add3A_219 = arith.constant 1724713080 : i32
    %add3A_220 = vector.broadcast %add3A_219 : i32 to vector<64x10240xi32>
    %add3A_221 = arith.addi %add3A_210, %add3A_220 : vector<64x10240xi32>
    %add3A_222 = arith.constant 1832780948 : i32
    %add3A_223 = vector.broadcast %add3A_222 : i32 to vector<64x10240xi32>
    %add3A_224 = arith.addi %xor3A_218, %add3A_223 : vector<64x10240xi32>
    %xor3A_225 = arith.xori %add3A_221, %add3A_224 : vector<64x10240xi32>
    %shift_right_logical3A_226 = arith.constant 9 : i32
    %shift_right_logical3A_227 = vector.broadcast %shift_right_logical3A_226 : i32 to vector<64x10240xi32>
    %shift_right_logical3A_228 = arith.shrui %xor3A_225, %shift_right_logical3A_227 : vector<64x10240xi32>
    %or3A_229 = arith.constant 1065353216 : i32
    %or3A_230 = vector.broadcast %or3A_229 : i32 to vector<64x10240xi32>
    %or3A_231 = arith.ori %shift_right_logical3A_228, %or3A_230 : vector<64x10240xi32>
    %bitcast_convert_type3A = tpu.bitcast %or3A_231 : vector<64x10240xi32> -> vector<64x10240xf32>
    %sub3A = arith.constant 1.000000e+00 : f32
    %sub3A_232 = vector.broadcast %sub3A : f32 to vector<64x10240xf32>
    %sub3A_233 = arith.subf %bitcast_convert_type3A, %sub3A_232 : vector<64x10240xf32>
    %max3A = arith.constant 1.17549435E-38 : f32
    %max3A_234 = vector.broadcast %max3A : f32 to vector<64x10240xf32>
    %max3A_235 = arith.maximumf %sub3A_233, %max3A_234 : vector<64x10240xf32>
    %log3A = math.log %max3A_235 : vector<64x10240xf32>
    %neg3A = arith.constant 0.000000e+00 : f32
    %neg3A_236 = vector.broadcast %neg3A : f32 to vector<64x10240xf32>
    %neg3A_237 = arith.subf %neg3A_236, %log3A : vector<64x10240xf32>
    %log3A_238 = math.log %neg3A_237 : vector<64x10240xf32>
    %neg3A_239 = arith.constant 0.000000e+00 : f32
    %neg3A_240 = vector.broadcast %neg3A_239 : f32 to vector<64x10240xf32>
    %neg3A_241 = arith.subf %neg3A_240, %log3A_238 : vector<64x10240xf32>
    %add3A_242 = arith.addf %dot_general3A_7, %neg3A_241 : vector<64x10240xf32>
    %iota3A_243 = tpu.iota {dimensions = array<i32: 1>} : vector<64x10240xi32>
    %mul3A_244 = arith.constant 10240 : i32
    %mul3A_245 = arith.muli %arg0, %mul3A_244 : i32
    %add3A_246 = vector.broadcast %mul3A_245 : i32 to vector<64x10240xi32>
    %add3A_247 = arith.addi %iota3A_243, %add3A_246 : vector<64x10240xi32>
    %lt3A = arith.constant 100000 : i32
    %lt3A_248 = vector.broadcast %lt3A : i32 to vector<64x10240xi32>
    %lt3A_249 = arith.cmpi slt, %add3A_247, %lt3A_248 : vector<64x10240xi32>
    %jit3A = arith.constant 0xFF800000 : f32
    %broadcast_in_dim3A_250 = vector.broadcast %jit3A : f32 to vector<64x10240xf32>
    %select_n3A = arith.select %lt3A_249, %add3A_242, %broadcast_in_dim3A_250 : vector<64x10240xi1>, vector<64x10240xf32>
    %reduce_max3A = arith.constant dense<0xFF800000> : vector<64xf32>
    %reduce_max3A_251 = vector.multi_reduction <maximumf>, %select_n3A, %reduce_max3A [1] : vector<64x10240xf32> to vector<64xf32>
    %broadcast_in_dim3A_252 = vector.shape_cast %reduce_max3A_251 : vector<64xf32> to vector<64x1xf32>
    %eq3A_253 = vector.broadcast %broadcast_in_dim3A_252 : vector<64x1xf32> to vector<64x10240xf32>
    %eq3A_254 = arith.cmpf oeq, %select_n3A, %eq3A_253 : vector<64x10240xf32>
    %jit3A_255 = arith.constant 10240 : i32
    %broadcast_in_dim3A_256 = vector.broadcast %jit3A_255 : i32 to vector<64x10240xi32>
    %select_n3A_257 = arith.select %eq3A_254, %iota3A_243, %broadcast_in_dim3A_256 : vector<64x10240xi1>, vector<64x10240xi32>
    %reduce_min3A = arith.constant dense<2147483647> : vector<64xi32>
    %reduce_min3A_258 = vector.multi_reduction <minsi>, %select_n3A_257, %reduce_min3A [1] : vector<64x10240xi32> to vector<64xi32>
    %broadcast_in_dim3A_259 = vector.shape_cast %reduce_min3A_258 : vector<64xi32> to vector<64x1xi32>
    %mul3A_260 = arith.constant 10240 : i32
    %mul3A_261 = arith.muli %arg0, %mul3A_260 : i32
    %add3A_262 = vector.broadcast %mul3A_261 : i32 to vector<64x1xi32>
    %add3A_263 = arith.addi %broadcast_in_dim3A_259, %add3A_262 : vector<64x1xi32>
    %get3A_264 = arith.constant 0 : index
    %get3A_265 = arith.constant 0 : index
    %get3A_266 = vector.load %arg14[%get3A_264, %get3A_265] : memref<64x1xf32, #tpu.memory_space<vmem>>, vector<64x1xf32>
    %gt3A = arith.cmpf ogt, %broadcast_in_dim3A_252, %get3A_266 : vector<64x1xf32>
    %get3A_267 = arith.constant 0 : index
    %get3A_268 = arith.constant 0 : index
    %get3A_269 = vector.load %arg15[%get3A_267, %get3A_268] : memref<64x1xi32, #tpu.memory_space<vmem>>, vector<64x1xi32>
    %select_n3A_270 = arith.select %gt3A, %add3A_263, %get3A_269 : vector<64x1xi1>, vector<64x1xi32>
    %swap3A = arith.constant 0 : index
    %swap3A_271 = arith.constant 0 : index
    %swap3A_272 = vector.load %arg15[%swap3A, %swap3A_271] : memref<64x1xi32, #tpu.memory_space<vmem>>, vector<64x1xi32>
    tpu.vector_store %arg15[%swap3A, %swap3A_271], %select_n3A_270 {strides = array<i32>} : memref<64x1xi32, #tpu.memory_space<vmem>>, vector<64x1xi32>,
    %get3A_273 = arith.constant 0 : index
    %get3A_274 = arith.constant 0 : index
    %get3A_275 = vector.load %arg14[%get3A_273, %get3A_274] : memref<64x1xf32, #tpu.memory_space<vmem>>, vector<64x1xf32>
    %select_n3A_276 = arith.select %gt3A, %broadcast_in_dim3A_252, %get3A_275 : vector<64x1xi1>, vector<64x1xf32>
    %swap3A_277 = arith.constant 0 : index
    %swap3A_278 = arith.constant 0 : index
    %swap3A_279 = vector.load %arg14[%swap3A_277, %swap3A_278] : memref<64x1xf32, #tpu.memory_space<vmem>>, vector<64x1xf32>
    tpu.vector_store %arg14[%swap3A_277, %swap3A_278], %select_n3A_276 {strides = array<i32>} : memref<64x1xf32, #tpu.memory_space<vmem>>, vector<64x1xf32>,
    %eq3A_280 = arith.constant 9 : i32
    %eq3A_281 = arith.cmpi eq, %arg0, %eq3A_280 : i32
    %convert_element_type3A_282 = arith.extui %eq3A_281 : i1 to i32
    %cond3A_283 = arith.constant 0 : i32
    %cond3A_284 = arith.cmpi ne, %convert_element_type3A_282, %cond3A_283 : i32
    scf.if %cond3A_284 {
      %get3A_285 = arith.constant 0 : index
      %get3A_286 = arith.constant 0 : index
      %get3A_287 = vector.load %arg15[%get3A_285, %get3A_286] : memref<64x1xi32, #tpu.memory_space<vmem>>, vector<64x1xi32>
      %swap3A_288 = arith.constant 0 : index
      %swap3A_289 = arith.constant 0 : index
      %swap3A_290 = vector.load %arg12[%swap3A_288, %swap3A_289] : memref<64x1xi32, #tpu.memory_space<vmem>>, vector<64x1xi32>
      tpu.vector_store %arg12[%swap3A_288, %swap3A_289], %get3A_287 {strides = array<i32>} : memref<64x1xi32, #tpu.memory_space<vmem>>, vector<64x1xi32>,
    } else {
    }
    return
  }
  func.func @transform_0(%arg0: i32) -> (i32, i32, i32) {
    %c0_i32 = arith.constant 0 : i32
    %c0_i32_0 = arith.constant 0 : i32
    %c0_i32_1 = arith.constant 0 : i32
    %c0_i32_2 = arith.constant 0 : i32
    return %c0_i32, %c0_i32_0, %c0_i32_1 : i32, i32, i32
  }
  func.func @transform_1(%arg0: i32) -> (i32, i32) {
    %c0_i32 = arith.constant 0 : i32
    %c0_i32_0 = arith.constant 0 : i32
    %c0_i32_1 = arith.constant 0 : i32
    return %c0_i32, %c0_i32_0 : i32, i32
  }
  func.func @transform_2(%arg0: i32) -> (i32, i32) {
    %c0_i32 = arith.constant 0 : i32
    %c0_i32_0 = arith.constant 0 : i32
    %c0_i32_1 = arith.constant 0 : i32
    return %c0_i32, %c0_i32_0 : i32, i32
  }
  func.func @transform_3(%arg0: i32) -> (i32, i32) {
    %c0_i32 = arith.constant 0 : i32
    %c0_i32_0 = arith.constant 0 : i32
    %c0_i32_1 = arith.constant 0 : i32
    return %c0_i32, %c0_i32_0 : i32, i32
  }
  func.func @transform_4(%arg0: i32) -> (i32, i32) {
    %c0_i32 = arith.constant 0 : i32
    %c0_i32_0 = arith.constant 0 : i32
    %c0_i32_1 = arith.constant 0 : i32
    return %c0_i32, %c0_i32_0 : i32, i32
  }
  func.func @transform_5(%arg0: i32) -> (i32, i32) {
    %c0_i32 = arith.constant 0 : i32
    %c0_i32_0 = arith.constant 0 : i32
    %c0_i32_1 = arith.constant 0 : i32
    return %c0_i32, %c0_i32_0 : i32, i32
  }
  func.func @transform_6(%arg0: i32) -> (i32, i32) {
    %c0_i32 = arith.constant 0 : i32
    %c0_i32_0 = arith.constant 0 : i32
    %c0_i32_1 = arith.constant 0 : i32
    return %c0_i32, %c0_i32_0 : i32, i32
  }
  func.func @transform_7(%arg0: i32) -> (i32, i32) {
    %c0_i32 = arith.constant 0 : i32
    %c0_i32_0 = arith.constant 0 : i32
    %c0_i32_1 = arith.constant 0 : i32
    return %c0_i32, %c0_i32_0 : i32, i32
  }
  func.func @transform_8(%arg0: i32) -> (i32, i32, i32) {
    %c0_i32 = arith.constant 0 : i32
    %c0_i32_0 = arith.constant 0 : i32
    %c0_i32_1 = arith.constant 0 : i32
    %c0_i32_2 = arith.constant 0 : i32
    return %c0_i32, %c0_i32_0, %c0_i32_1 : i32, i32, i32
  }
  func.func @transform_9(%arg0: i32) -> (i32, i32) {
    %c0_i32 = arith.constant 0 : i32
    %c0_i32_0 = arith.constant 0 : i32
    return %arg0, %c0_i32 : i32, i32
  }
  func.func @transform_10(%arg0: i32) -> (i32, i32) {
    %c0_i32 = arith.constant 0 : i32
    %c0_i32_0 = arith.constant 0 : i32
    %c0_i32_1 = arith.constant 0 : i32
    return %c0_i32, %c0_i32_0 : i32, i32
  }
  func.func @transform_11(%arg0: i32) -> (i32, i32) {
    %c0_i32 = arith.constant 0 : i32
    %c0_i32_0 = arith.constant 0 : i32
    %c0_i32_1 = arith.constant 0 : i32
    return %c0_i32, %c0_i32_0 : i32, i32
  }
}

module attributes {stable_mosaic.version = 14 : i64} {
  func.func @body(%arg0: i32, %arg1: memref<64x1024xf32, #tpu.memory_space<vmem>>, %arg2: memref<64x128xf32, #tpu.memory_space<vmem>>, %arg3: memref<1152x1024xf32, #tpu.memory_space<vmem>>, %arg4: memref<1x1024xf32, #tpu.memory_space<vmem>>, %arg5: memref<128x1024xf32, #tpu.memory_space<vmem>>, %arg6: memref<1152x1024xf32, #tpu.memory_space<vmem>>, %arg7: memref<1x1024xf32, #tpu.memory_space<vmem>>, %arg8: memref<1024x128xf32, #tpu.memory_space<vmem>>, %arg9: memref<64x32x128xf32, #tpu.memory_space<vmem>>, %arg10: memref<10240x128xf32, #tpu.memory_space<vmem>>, %arg11: memref<64x1024xf32, #tpu.memory_space<vmem>>, %arg12: memref<64x1xi32, #tpu.memory_space<vmem>>, %arg13: memref<64x128xf32, #tpu.memory_space<vmem>>, %arg14: memref<64x1xf32, #tpu.memory_space<vmem>>, %arg15: memref<64x1xi32, #tpu.memory_space<vmem>>) attributes {dimension_semantics = [#tpu.dimension_semantics<arbitrary>], iteration_bounds = array<i64: 10>, scalar_prefetch = 0 : i64, scratch_operands = 3 : i64, tpu.core_type = #tpu.core_type<tc>, window_params = [{pipeline_mode = #tpu.pipeline_mode<synchronous>, transform_indices = @transform_0, window_bounds = array<i64: 64, 1024>}, {pipeline_mode = #tpu.pipeline_mode<synchronous>, transform_indices = @transform_1, window_bounds = array<i64: 64, 128>}, {pipeline_mode = #tpu.pipeline_mode<synchronous>, transform_indices = @transform_2, window_bounds = array<i64: 1152, 1024>}, {pipeline_mode = #tpu.pipeline_mode<synchronous>, transform_indices = @transform_3, window_bounds = array<i64: 1, 1024>}, {pipeline_mode = #tpu.pipeline_mode<synchronous>, transform_indices = @transform_4, window_bounds = array<i64: 128, 1024>}, {pipeline_mode = #tpu.pipeline_mode<synchronous>, transform_indices = @transform_5, window_bounds = array<i64: 1152, 1024>}, {pipeline_mode = #tpu.pipeline_mode<synchronous>, transform_indices = @transform_6, window_bounds = array<i64: 1, 1024>}, {pipeline_mode = #tpu.pipeline_mode<synchronous>, transform_indices = @transform_7, window_bounds = array<i64: 1024, 128>}, {pipeline_mode = #tpu.pipeline_mode<synchronous>, transform_indices = @transform_8, window_bounds = array<i64: 64, 32, 128>}, {transform_indices = @transform_9, window_bounds = array<i64: 10240, 128>}, {pipeline_mode = #tpu.pipeline_mode<synchronous>, transform_indices = @transform_10, window_bounds = array<i64: 64, 1024>}, {pipeline_mode = #tpu.pipeline_mode<synchronous>, transform_indices = @transform_11, window_bounds = array<i64: 64, 1>}]} {
    %eq3A = arith.constant 0 : i32
    %eq3A_0 = arith.cmpi eq, %arg0, %eq3A : i32
    %convert_element_type3A = arith.extui %eq3A_0 : i1 to i32
    %cond3A = arith.constant 0 : i32
    %cond3A_1 = arith.cmpi ne, %convert_element_type3A, %cond3A : i32
    scf.if %cond3A_1 {
      %get3A_285 = arith.constant 0 : index
      %get3A_286 = arith.constant 0 : index
      %get3A_287 = vector.load %arg1[%get3A_285, %get3A_286] : memref<64x1024xf32, #tpu.memory_space<vmem>>, vector<64x1024xf32>
      %get3A_288 = arith.constant 0 : index
      %get3A_289 = arith.constant 0 : index
      %get3A_290 = vector.load %arg3[%get3A_288, %get3A_289] : memref<1152x1024xf32, #tpu.memory_space<vmem>>, vector<1024x1024xf32>
      %dot_general3A_291 = arith.constant dense<0.000000e+00> : vector<64x1024xf32>
      %dot_general3A_292 = tpu.matmul %get3A_287, %get3A_290, %dot_general3A_291 {dimension_numbers = #tpu.dot_dimension_numbers<[1], [0], [0], [1], [0, 0, 1, 1], [], []>, transpose_lhs_hint = false} : vector<64x1024xf32>, vector<1024x1024xf32>, vector<64x1024xf32> -> vector<64x1024xf32>
      %get3A_293 = arith.constant 0 : index
      %get3A_294 = arith.constant 0 : index
      %get3A_295 = vector.load %arg2[%get3A_293, %get3A_294] : memref<64x128xf32, #tpu.memory_space<vmem>>, vector<64x128xf32>
      %get3A_296 = arith.constant 1024 : index
      %get3A_297 = arith.constant 0 : index
      %get3A_298 = vector.load %arg3[%get3A_296, %get3A_297] : memref<1152x1024xf32, #tpu.memory_space<vmem>>, vector<128x1024xf32>
      %dot_general3A_299 = arith.constant dense<0.000000e+00> : vector<64x1024xf32>
      %dot_general3A_300 = tpu.matmul %get3A_295, %get3A_298, %dot_general3A_299 {dimension_numbers = #tpu.dot_dimension_numbers<[1], [0], [0], [1], [0, 0, 1, 1], [], []>, transpose_lhs_hint = false} : vector<64x128xf32>, vector<128x1024xf32>, vector<64x1024xf32> -> vector<64x1024xf32>
      %add3A_301 = arith.addf %dot_general3A_292, %dot_general3A_300 : vector<64x1024xf32>
      %get3A_302 = arith.constant 0 : index
      %get3A_303 = arith.constant 0 : index
      %get3A_304 = vector.load %arg4[%get3A_302, %get3A_303] : memref<1x1024xf32, #tpu.memory_space<vmem>>, vector<1x1024xf32>
      %add3A_305 = vector.broadcast %get3A_304 : vector<1x1024xf32> to vector<64x1024xf32>
      %add3A_306 = arith.addf %add3A_301, %add3A_305 : vector<64x1024xf32>
      %tanh3A = math.tanh %add3A_306 : vector<64x1024xf32>
      %get3A_307 = arith.constant 0 : index
      %get3A_308 = arith.constant 0 : index
      %get3A_309 = arith.constant 0 : index
      %get3A_310 = vector.load %arg9[%get3A_307, %get3A_308, %get3A_309] : memref<64x32x128xf32, #tpu.memory_space<vmem>>, vector<64x32x128xf32>
      %get3A_311 = arith.constant 0 : index
      %get3A_312 = arith.constant 0 : index
      %get3A_313 = vector.load %arg5[%get3A_311, %get3A_312] : memref<128x1024xf32, #tpu.memory_space<vmem>>, vector<128x1024xf32>
      %get3A_314 = arith.constant 0 : index
      %get3A_315 = arith.constant 0 : index
      %get3A_316 = vector.load %arg6[%get3A_314, %get3A_315] : memref<1152x1024xf32, #tpu.memory_space<vmem>>, vector<1024x1024xf32>
      %get3A_317 = arith.constant 1024 : index
      %get3A_318 = arith.constant 0 : index
      %get3A_319 = vector.load %arg6[%get3A_317, %get3A_318] : memref<1152x1024xf32, #tpu.memory_space<vmem>>, vector<128x1024xf32>
      %get3A_320 = arith.constant 0 : index
      %get3A_321 = arith.constant 0 : index
      %get3A_322 = vector.load %arg7[%get3A_320, %get3A_321] : memref<1x1024xf32, #tpu.memory_space<vmem>>, vector<1x1024xf32>
      %get3A_323 = arith.constant 0 : index
      %get3A_324 = arith.constant 0 : index
      %get3A_325 = vector.load %arg8[%get3A_323, %get3A_324] : memref<1024x128xf32, #tpu.memory_space<vmem>>, vector<1024x128xf32>
      %dot_general3A_326 = arith.constant dense<0.000000e+00> : vector<64x128xf32>
      %dot_general3A_327 = tpu.matmul %tanh3A, %get3A_313, %dot_general3A_326 {dimension_numbers = #tpu.dot_dimension_numbers<[1], [1], [0], [0], [0, 0, 1, 0], [], []>, transpose_lhs_hint = false} : vector<64x1024xf32>, vector<128x1024xf32>, vector<64x128xf32> -> vector<64x128xf32>
      %broadcast_in_dim3A_328 = vector.shape_cast %dot_general3A_327 : vector<64x128xf32> to vector<64x1x128xf32>
      %mul3A_329 = vector.broadcast %broadcast_in_dim3A_328 : vector<64x1x128xf32> to vector<64x32x128xf32>
      %mul3A_330 = arith.mulf %get3A_310, %mul3A_329 : vector<64x32x128xf32>
      %reduce_sum3A = arith.constant dense<0.000000e+00> : vector<64x32xf32>
      %reduce_sum3A_331 = vector.multi_reduction <add>, %mul3A_330, %reduce_sum3A [2] : vector<64x32x128xf32> to vector<64x32xf32>
      %reduce_max3A_332 = arith.constant dense<0xFF800000> : vector<64xf32>
      %reduce_max3A_333 = vector.multi_reduction <maximumf>, %reduce_sum3A_331, %reduce_max3A_332 [1] : vector<64x32xf32> to vector<64xf32>
      %broadcast_in_dim3A_334 = vector.shape_cast %reduce_max3A_333 : vector<64xf32> to vector<64x1xf32>
      %sub3A_335 = vector.broadcast %broadcast_in_dim3A_334 : vector<64x1xf32> to vector<64x32xf32>
      %sub3A_336 = arith.subf %reduce_sum3A_331, %sub3A_335 : vector<64x32xf32>
      %exp3A = math.exp %sub3A_336 : vector<64x32xf32>
      %reduce_sum3A_337 = arith.constant dense<0.000000e+00> : vector<64xf32>
      %reduce_sum3A_338 = vector.multi_reduction <add>, %exp3A, %reduce_sum3A_337 [1] : vector<64x32xf32> to vector<64xf32>
      %broadcast_in_dim3A_339 = vector.shape_cast %reduce_sum3A_338 : vector<64xf32> to vector<64x1xf32>
      %div3A = vector.broadcast %broadcast_in_dim3A_339 : vector<64x1xf32> to vector<64x32xf32>
      %div3A_340 = arith.divf %exp3A, %div3A : vector<64x32xf32>
      %broadcast_in_dim3A_341 = vector.shape_cast %div3A_340 : vector<64x32xf32> to vector<64x32x1xf32>
      %mul3A_342 = vector.broadcast %broadcast_in_dim3A_341 : vector<64x32x1xf32> to vector<64x32x128xf32>
      %mul3A_343 = arith.mulf %mul3A_342, %get3A_310 : vector<64x32x128xf32>
      %reduce_sum3A_344 = arith.constant dense<0.000000e+00> : vector<64x128xf32>
      %reduce_sum3A_345 = vector.multi_reduction <add>, %mul3A_343, %reduce_sum3A_344 [1] : vector<64x32x128xf32> to vector<64x128xf32>
      %dot_general3A_346 = arith.constant dense<0.000000e+00> : vector<64x1024xf32>
      %dot_general3A_347 = tpu.matmul %tanh3A, %get3A_316, %dot_general3A_346 {dimension_numbers = #tpu.dot_dimension_numbers<[1], [0], [0], [1], [0, 0, 1, 1], [], []>, transpose_lhs_hint = false} : vector<64x1024xf32>, vector<1024x1024xf32>, vector<64x1024xf32> -> vector<64x1024xf32>
      %dot_general3A_348 = arith.constant dense<0.000000e+00> : vector<64x1024xf32>
      %dot_general3A_349 = tpu.matmul %reduce_sum3A_345, %get3A_319, %dot_general3A_348 {dimension_numbers = #tpu.dot_dimension_numbers<[1], [0], [0], [1], [0, 0, 1, 1], [], []>, transpose_lhs_hint = false} : vector<64x128xf32>, vector<128x1024xf32>, vector<64x1024xf32> -> vector<64x1024xf32>
      %add3A_350 = arith.addf %dot_general3A_347, %dot_general3A_349 : vector<64x1024xf32>
      %add3A_351 = vector.broadcast %get3A_322 : vector<1x1024xf32> to vector<64x1024xf32>
      %add3A_352 = arith.addf %add3A_350, %add3A_351 : vector<64x1024xf32>
      %tanh3A_353 = math.tanh %add3A_352 : vector<64x1024xf32>
      %dot_general3A_354 = arith.constant dense<0.000000e+00> : vector<64x128xf32>
      %dot_general3A_355 = tpu.matmul %tanh3A_353, %get3A_325, %dot_general3A_354 {dimension_numbers = #tpu.dot_dimension_numbers<[1], [0], [0], [1], [0, 0, 1, 1], [], []>, transpose_lhs_hint = false} : vector<64x1024xf32>, vector<1024x128xf32>, vector<64x128xf32> -> vector<64x128xf32>
      %swap3A_356 = arith.constant 0 : index
      %swap3A_357 = arith.constant 0 : index
      %swap3A_358 = vector.load %arg11[%swap3A_356, %swap3A_357] : memref<64x1024xf32, #tpu.memory_space<vmem>>, vector<64x1024xf32>
      tpu.vector_store %arg11[%swap3A_356, %swap3A_357], %tanh3A_353 {strides = array<i32>} : memref<64x1024xf32, #tpu.memory_space<vmem>>, vector<64x1024xf32>,
      %swap3A_359 = arith.constant 0 : index
      %swap3A_360 = arith.constant 0 : index
      %swap3A_361 = vector.load %arg13[%swap3A_359, %swap3A_360] : memref<64x128xf32, #tpu.memory_space<vmem>>, vector<64x128xf32>
      tpu.vector_store %arg13[%swap3A_359, %swap3A_360], %dot_general3A_355 {strides = array<i32>} : memref<64x128xf32, #tpu.memory_space<vmem>>, vector<64x128xf32>,
      %broadcast_in_dim3A_362 = arith.constant 0xFF800000 : f32
      %broadcast_in_dim3A_363 = vector.broadcast %broadcast_in_dim3A_362 : f32 to vector<64x1xf32>
      %swap3A_364 = arith.constant 0 : index
      %swap3A_365 = arith.constant 0 : index
      %swap3A_366 = vector.load %arg14[%swap3A_364, %swap3A_365] : memref<64x1xf32, #tpu.memory_space<vmem>>, vector<64x1xf32>
      tpu.vector_store %arg14[%swap3A_364, %swap3A_365], %broadcast_in_dim3A_363 {strides = array<i32>} : memref<64x1xf32, #tpu.memory_space<vmem>>, vector<64x1xf32>,
      %broadcast_in_dim3A_367 = arith.constant 0 : i32
      %broadcast_in_dim3A_368 = vector.broadcast %broadcast_in_dim3A_367 : i32 to vector<64x1xi32>
      %swap3A_369 = arith.constant 0 : index
      %swap3A_370 = arith.constant 0 : index
      %swap3A_371 = vector.load %arg15[%swap3A_369, %swap3A_370] : memref<64x1xi32, #tpu.memory_space<vmem>>, vector<64x1xi32>
      tpu.vector_store %arg15[%swap3A_369, %swap3A_370], %broadcast_in_dim3A_368 {strides = array<i32>} : memref<64x1xi32, #tpu.memory_space<vmem>>, vector<64x1xi32>,
    } else {
    }
    %get3A = arith.constant 0 : index
    %get3A_2 = arith.constant 0 : index
    %get3A_3 = vector.load %arg13[%get3A, %get3A_2] : memref<64x128xf32, #tpu.memory_space<vmem>>, vector<64x128xf32>
    %get3A_4 = arith.constant 0 : index
    %get3A_5 = arith.constant 0 : index
    %get3A_6 = vector.load %arg10[%get3A_4, %get3A_5] : memref<10240x128xf32, #tpu.memory_space<vmem>>, vector<10240x128xf32>
    %dot_general3A = arith.constant dense<0.000000e+00> : vector<64x10240xf32>
    %dot_general3A_7 = tpu.matmul %get3A_3, %get3A_6, %dot_general3A {dimension_numbers = #tpu.dot_dimension_numbers<[1], [1], [0], [0], [0, 0, 1, 0], [], []>, transpose_lhs_hint = false} : vector<64x128xf32>, vector<10240x128xf32>, vector<64x10240xf32> -> vector<64x10240xf32>
    %iota3A = tpu.iota {dimensions = array<i32: 0>} : vector<64x10240xi32>
    %iota3A_8 = tpu.iota {dimensions = array<i32: 1>} : vector<64x10240xi32>
    %mul3A = arith.constant 10240 : i32
    %mul3A_9 = arith.muli %arg0, %mul3A : i32
    %add3A = vector.broadcast %mul3A_9 : i32 to vector<64x10240xi32>
    %add3A_10 = arith.addi %iota3A_8, %add3A : vector<64x10240xi32>
    %mul3A_11 = arith.constant 100000 : i32
    %mul3A_12 = vector.broadcast %mul3A_11 : i32 to vector<64x10240xi32>
    %mul3A_13 = arith.muli %iota3A, %mul3A_12 : vector<64x10240xi32>
    %add3A_14 = arith.addi %mul3A_13, %add3A_10 : vector<64x10240xi32>
    %broadcast_in_dim3A = arith.constant 64467757 : i32
    %broadcast_in_dim3A_15 = vector.broadcast %broadcast_in_dim3A : i32 to vector<64x10240xi32>
    %add3A_16 = arith.constant -1378843660 : i32
    %add3A_17 = vector.broadcast %add3A_16 : i32 to vector<64x10240xi32>
    %add3A_18 = arith.addi %add3A_14, %add3A_17 : vector<64x10240xi32>
    %add3A_19 = arith.addi %broadcast_in_dim3A_15, %add3A_18 : vector<64x10240xi32>
    %shift_left3A = arith.constant 13 : i32
    %shift_left3A_20 = vector.broadcast %shift_left3A : i32 to vector<64x10240xi32>
    %shift_left3A_21 = arith.shli %add3A_18, %shift_left3A_20 : vector<64x10240xi32>
    %shift_right_logical3A = arith.constant 19 : i32
    %shift_right_logical3A_22 = vector.broadcast %shift_right_logical3A : i32 to vector<64x10240xi32>
    %shift_right_logical3A_23 = arith.shrui %add3A_18, %shift_right_logical3A_22 : vector<64x10240xi32>
    %or3A = arith.ori %shift_left3A_21, %shift_right_logical3A_23 : vector<64x10240xi32>
    %xor3A = arith.xori %add3A_19, %or3A : vector<64x10240xi32>
    %add3A_24 = arith.addi %add3A_19, %xor3A : vector<64x10240xi32>
    %shift_left3A_25 = arith.constant 15 : i32
    %shift_left3A_26 = vector.broadcast %shift_left3A_25 : i32 to vector<64x10240xi32>
    %shift_left3A_27 = arith.shli %xor3A, %shift_left3A_26 : vector<64x10240xi32>
    %shift_right_logical3A_28 = arith.constant 17 : i32
    %shift_right_logical3A_29 = vector.broadcast %shift_right_logical3A_28 : i32 to vector<64x10240xi32>
    %shift_right_logical3A_30 = arith.shrui %xor3A, %shift_right_logical3A_29 : vector<64x10240xi32>
    %or3A_31 = arith.ori %shift_left3A_27, %shift_right_logical3A_30 : vector<64x10240xi32>
    %xor3A_32 = arith.xori %add3A_24, %or3A_31 : vector<64x10240xi32>
    %add3A_33 = arith.addi %add3A_24, %xor3A_32 : vector<64x10240xi32>
    %shift_left3A_34 = arith.constant 26 : i32
    %shift_left3A_35 = vector.broadcast %shift_left3A_34 : i32 to vector<64x10240xi32>
    %shift_left3A_36 = arith.shli %xor3A_32, %shift_left3A_35 : vector<64x10240xi32>
    %shift_right_logical3A_37 = arith.constant 6 : i32
    %shift_right_logical3A_38 = vector.broadcast %shift_right_logical3A_37 : i32 to vector<64x10240xi32>
    %shift_right_logical3A_39 = arith.shrui %xor3A_32, %shift_right_logical3A_38 : vector<64x10240xi32>
    %or3A_40 = arith.ori %shift_left3A_36, %shift_right_logical3A_39 : vector<64x10240xi32>
    %xor3A_41 = arith.xori %add3A_33, %or3A_40 : vector<64x10240xi32>
    %add3A_42 = arith.addi %add3A_33, %xor3A_41 : vector<64x10240xi32>
    %shift_left3A_43 = arith.constant 6 : i32
    %shift_left3A_44 = vector.broadcast %shift_left3A_43 : i32 to vector<64x10240xi32>
    %shift_left3A_45 = arith.shli %xor3A_41, %shift_left3A_44 : vector<64x10240xi32>
    %shift_right_logical3A_46 = arith.constant 26 : i32
    %shift_right_logical3A_47 = vector.broadcast %shift_right_logical3A_46 : i32 to vector<64x10240xi32>
    %shift_right_logical3A_48 = arith.shrui %xor3A_41, %shift_right_logical3A_47 : vector<64x10240xi32>
    %or3A_49 = arith.ori %shift_left3A_45, %shift_right_logical3A_48 : vector<64x10240xi32>
    %xor3A_50 = arith.xori %add3A_42, %or3A_49 : vector<64x10240xi32>
    %add3A_51 = arith.constant -1378843660 : i32
    %add3A_52 = vector.broadcast %add3A_51 : i32 to vector<64x10240xi32>
    %add3A_53 = arith.addi %add3A_42, %add3A_52 : vector<64x10240xi32>
    %add3A_54 = arith.constant -1244255484 : i32
    %add3A_55 = vector.broadcast %add3A_54 : i32 to vector<64x10240xi32>
    %add3A_56 = arith.addi %xor3A_50, %add3A_55 : vector<64x10240xi32>
    %add3A_57 = arith.addi %add3A_53, %add3A_56 : vector<64x10240xi32>
    %shift_left3A_58 = arith.constant 17 : i32
    %shift_left3A_59 = vector.broadcast %shift_left3A_58 : i32 to vector<64x10240xi32>
    %shift_left3A_60 = arith.shli %add3A_56, %shift_left3A_59 : vector<64x10240xi32>
    %shift_right_logical3A_61 = arith.constant 15 : i32
    %shift_right_logical3A_62 = vector.broadcast %shift_right_logical3A_61 : i32 to vector<64x10240xi32>
    %shift_right_logical3A_63 = arith.shrui %add3A_56, %shift_right_logical3A_62 : vector<64x10240xi32>
    %or3A_64 = arith.ori %shift_left3A_60, %shift_right_logical3A_63 : vector<64x10240xi32>
    %xor3A_65 = arith.xori %add3A_57, %or3A_64 : vector<64x10240xi32>
    %add3A_66 = arith.addi %add3A_57, %xor3A_65 : vector<64x10240xi32>
    %shift_left3A_67 = arith.constant 29 : i32
    %shift_left3A_68 = vector.broadcast %shift_left3A_67 : i32 to vector<64x10240xi32>
    %shift_left3A_69 = arith.shli %xor3A_65, %shift_left3A_68 : vector<64x10240xi32>
    %shift_right_logical3A_70 = arith.constant 3 : i32
    %shift_right_logical3A_71 = vector.broadcast %shift_right_logical3A_70 : i32 to vector<64x10240xi32>
    %shift_right_logical3A_72 = arith.shrui %xor3A_65, %shift_right_logical3A_71 : vector<64x10240xi32>
    %or3A_73 = arith.ori %shift_left3A_69, %shift_right_logical3A_72 : vector<64x10240xi32>
    %xor3A_74 = arith.xori %add3A_66, %or3A_73 : vector<64x10240xi32>
    %add3A_75 = arith.addi %add3A_66, %xor3A_74 : vector<64x10240xi32>
    %shift_left3A_76 = arith.constant 16 : i32
    %shift_left3A_77 = vector.broadcast %shift_left3A_76 : i32 to vector<64x10240xi32>
    %shift_left3A_78 = arith.shli %xor3A_74, %shift_left3A_77 : vector<64x10240xi32>
    %shift_right_logical3A_79 = arith.constant 16 : i32
    %shift_right_logical3A_80 = vector.broadcast %shift_right_logical3A_79 : i32 to vector<64x10240xi32>
    %shift_right_logical3A_81 = arith.shrui %xor3A_74, %shift_right_logical3A_80 : vector<64x10240xi32>
    %or3A_82 = arith.ori %shift_left3A_78, %shift_right_logical3A_81 : vector<64x10240xi32>
    %xor3A_83 = arith.xori %add3A_75, %or3A_82 : vector<64x10240xi32>
    %add3A_84 = arith.addi %add3A_75, %xor3A_83 : vector<64x10240xi32>
    %shift_left3A_85 = arith.constant 24 : i32
    %shift_left3A_86 = vector.broadcast %shift_left3A_85 : i32 to vector<64x10240xi32>
    %shift_left3A_87 = arith.shli %xor3A_83, %shift_left3A_86 : vector<64x10240xi32>
    %shift_right_logical3A_88 = arith.constant 8 : i32
    %shift_right_logical3A_89 = vector.broadcast %shift_right_logical3A_88 : i32 to vector<64x10240xi32>
    %shift_right_logical3A_90 = arith.shrui %xor3A_83, %shift_right_logical3A_89 : vector<64x10240xi32>
    %or3A_91 = arith.ori %shift_left3A_87, %shift_right_logical3A_90 : vector<64x10240xi32>
    %xor3A_92 = arith.xori %add3A_84, %or3A_91 : vector<64x10240xi32>
    %add3A_93 = arith.constant -1244255485 : i32
    %add3A_94 = vector.broadcast %add3A_93 : i32 to vector<64x10240xi32>
    %add3A_95 = arith.addi %add3A_84, %add3A_94 : vector<64x10240xi32>
    %add3A_96 = arith.constant 64467759 : i32
    %add3A_97 = vector.broadcast %add3A_96 : i32 to vector<64x10240xi32>
    %add3A_98 = arith.addi %xor3A_92, %add3A_97 : vector<64x10240xi32>
    %add3A_99 = arith.addi %add3A_95, %add3A_98 : vector<64x10240xi32>
    %shift_left3A_100 = arith.constant 13 : i32
    %shift_left3A_101 = vector.broadcast %shift_left3A_100 : i32 to vector<64x10240xi32>
    %shift_left3A_102 = arith.shli %add3A_98, %shift_left3A_101 : vector<64x10240xi32>
    %shift_right_logical3A_103 = arith.constant 19 : i32
    %shift_right_logical3A_104 = vector.broadcast %shift_right_logical3A_103 : i32 to vector<64x10240xi32>
    %shift_right_logical3A_105 = arith.shrui %add3A_98, %shift_right_logical3A_104 : vector<64x10240xi32>
    %or3A_106 = arith.ori %shift_left3A_102, %shift_right_logical3A_105 : vector<64x10240xi32>
    %xor3A_107 = arith.xori %add3A_99, %or3A_106 : vector<64x10240xi32>
    %add3A_108 = arith.addi %add3A_99, %xor3A_107 : vector<64x10240xi32>
    %shift_left3A_109 = arith.constant 15 : i32
    %shift_left3A_110 = vector.broadcast %shift_left3A_109 : i32 to vector<64x10240xi32>
    %shift_left3A_111 = arith.shli %xor3A_107, %shift_left3A_110 : vector<64x10240xi32>
    %shift_right_logical3A_112 = arith.constant 17 : i32
    %shift_right_logical3A_113 = vector.broadcast %shift_right_logical3A_112 : i32 to vector<64x10240xi32>
    %shift_right_logical3A_114 = arith.shrui %xor3A_107, %shift_right_logical3A_113 : vector<64x10240xi32>
    %or3A_115 = arith.ori %shift_left3A_111, %shift_right_logical3A_114 : vector<64x10240xi32>
    %xor3A_116 = arith.xori %add3A_108, %or3A_115 : vector<64x10240xi32>
    %add3A_117 = arith.addi %add3A_108, %xor3A_116 : vector<64x10240xi32>
    %shift_left3A_118 = arith.constant 26 : i32
    %shift_left3A_119 = vector.broadcast %shift_left3A_118 : i32 to vector<64x10240xi32>
    %shift_left3A_120 = arith.shli %xor3A_116, %shift_left3A_119 : vector<64x10240xi32>
    %shift_right_logical3A_121 = arith.constant 6 : i32
    %shift_right_logical3A_122 = vector.broadcast %shift_right_logical3A_121 : i32 to vector<64x10240xi32>
    %shift_right_logical3A_123 = arith.shrui %xor3A_116, %shift_right_logical3A_122 : vector<64x10240xi32>
    %or3A_124 = arith.ori %shift_left3A_120, %shift_right_logical3A_123 : vector<64x10240xi32>
    %xor3A_125 = arith.xori %add3A_117, %or3A_124 : vector<64x10240xi32>
    %add3A_126 = arith.addi %add3A_117, %xor3A_125 : vector<64x10240xi32>
    %shift_left3A_127 = arith.constant 6 : i32
    %shift_left3A_128 = vector.broadcast %shift_left3A_127 : i32 to vector<64x10240xi32>
    %shift_left3A_129 = arith.shli %xor3A_125, %shift_left3A_128 : vector<64x10240xi32>
    %shift_right_logical3A_130 = arith.constant 26 : i32
    %shift_right_logical3A_131 = vector.broadcast %shift_right_logical3A_130 : i32 to vector<64x10240xi32>
    %shift_right_logical3A_132 = arith.shrui %xor3A_125, %shift_right_logical3A_131 : vector<64x10240xi32>
    %or3A_133 = arith.ori %shift_left3A_129, %shift_right_logical3A_132 : vector<64x10240xi32>
    %xor3A_134 = arith.xori %add3A_126, %or3A_133 : vector<64x10240xi32>
    %add3A_135 = arith.constant 64467757 : i32
    %add3A_136 = vector.broadcast %add3A_135 : i32 to vector<64x10240xi32>
    %add3A_137 = arith.addi %add3A_126, %add3A_136 : vector<64x10240xi32>
    %add3A_138 = arith.constant -1378843657 : i32
    %add3A_139 = vector.broadcast %add3A_138 : i32 to vector<64x10240xi32>
    %add3A_140 = arith.addi %xor3A_134, %add3A_139 : vector<64x10240xi32>
    %add3A_141 = arith.addi %add3A_137, %add3A_140 : vector<64x10240xi32>
    %shift_left3A_142 = arith.constant 17 : i32
    %shift_left3A_143 = vector.broadcast %shift_left3A_142 : i32 to vector<64x10240xi32>
    %shift_left3A_144 = arith.shli %add3A_140, %shift_left3A_143 : vector<64x10240xi32>
    %shift_right_logical3A_145 = arith.constant 15 : i32
    %shift_right_logical3A_146 = vector.broadcast %shift_right_logical3A_145 : i32 to vector<64x10240xi32>
    %shift_right_logical3A_147 = arith.shrui %add3A_140, %shift_right_logical3A_146 : vector<64x10240xi32>
    %or3A_148 = arith.ori %shift_left3A_144, %shift_right_logical3A_147 : vector<64x10240xi32>
    %xor3A_149 = arith.xori %add3A_141, %or3A_148 : vector<64x10240xi32>
    %add3A_150 = arith.addi %add3A_141, %xor3A_149 : vector<64x10240xi32>
    %shift_left3A_151 = arith.constant 29 : i32
    %shift_left3A_152 = vector.broadcast %shift_left3A_151 : i32 to vector<64x10240xi32>
    %shift_left3A_153 = arith.shli %xor3A_149, %shift_left3A_152 : vector<64x10240xi32>
    %shift_right_logical3A_154 = arith.constant 3 : i32
    %shift_right_logical3A_155 = vector.broadcast %shift_right_logical3A_154 : i32 to vector<64x10240xi32>
    %shift_right_logical3A_156 = arith.shrui %xor3A_149, %shift_right_logical3A_155 : vector<64x10240xi32>
    %or3A_157 = arith.ori %shift_left3A_153, %shift_right_logical3A_156 : vector<64x10240xi32>
    %xor3A_158 = arith.xori %add3A_150, %or3A_157 : vector<64x10240xi32>
    %add3A_159 = arith.addi %add3A_150, %xor3A_158 : vector<64x10240xi32>
    %shift_left3A_160 = arith.constant 16 : i32
    %shift_left3A_161 = vector.broadcast %shift_left3A_160 : i32 to vector<64x10240xi32>
    %shift_left3A_162 = arith.shli %xor3A_158, %shift_left3A_161 : vector<64x10240xi32>
    %shift_right_logical3A_163 = arith.constant 16 : i32
    %shift_right_logical3A_164 = vector.broadcast %shift_right_logical3A_163 : i32 to vector<64x10240xi32>
    %shift_right_logical3A_165 = arith.shrui %xor3A_158, %shift_right_logical3A_164 : vector<64x10240xi32>
    %or3A_166 = arith.ori %shift_left3A_162, %shift_right_logical3A_165 : vector<64x10240xi32>
    %xor3A_167 = arith.xori %add3A_159, %or3A_166 : vector<64x10240xi32>
    %add3A_168 = arith.addi %add3A_159, %xor3A_167 : vector<64x10240xi32>
    %shift_left3A_169 = arith.constant 24 : i32
    %shift_left3A_170 = vector.broadcast %shift_left3A_169 : i32 to vector<64x10240xi32>
    %shift_left3A_171 = arith.shli %xor3A_167, %shift_left3A_170 : vector<64x10240xi32>
    %shift_right_logical3A_172 = arith.constant 8 : i32
    %shift_right_logical3A_173 = vector.broadcast %shift_right_logical3A_172 : i32 to vector<64x10240xi32>
    %shift_right_logical3A_174 = arith.shrui %xor3A_167, %shift_right_logical3A_173 : vector<64x10240xi32>
    %or3A_175 = arith.ori %shift_left3A_171, %shift_right_logical3A_174 : vector<64x10240xi32>
    %xor3A_176 = arith.xori %add3A_168, %or3A_175 : vector<64x10240xi32>
    %add3A_177 = arith.constant -1378843660 : i32
    %add3A_178 = vector.broadcast %add3A_177 : i32 to vector<64x10240xi32>
    %add3A_179 = arith.addi %add3A_168, %add3A_178 : vector<64x10240xi32>
    %add3A_180 = arith.constant -1244255481 : i32
    %add3A_181 = vector.broadcast %add3A_180 : i32 to vector<64x10240xi32>
    %add3A_182 = arith.addi %xor3A_176, %add3A_181 : vector<64x10240xi32>
    %add3A_183 = arith.addi %add3A_179, %add3A_182 : vector<64x10240xi32>
    %shift_left3A_184 = arith.constant 13 : i32
    %shift_left3A_185 = vector.broadcast %shift_left3A_184 : i32 to vector<64x10240xi32>
    %shift_left3A_186 = arith.shli %add3A_182, %shift_left3A_185 : vector<64x10240xi32>
    %shift_right_logical3A_187 = arith.constant 19 : i32
    %shift_right_logical3A_188 = vector.broadcast %shift_right_logical3A_187 : i32 to vector<64x10240xi32>
    %shift_right_logical3A_189 = arith.shrui %add3A_182, %shift_right_logical3A_188 : vector<64x10240xi32>
    %or3A_190 = arith.ori %shift_left3A_186, %shift_right_logical3A_189 : vector<64x10240xi32>
    %xor3A_191 = arith.xori %add3A_183, %or3A_190 : vector<64x10240xi32>
    %add3A_192 = arith.addi %add3A_183, %xor3A_191 : vector<64x10240xi32>
    %shift_left3A_193 = arith.constant 15 : i32
    %shift_left3A_194 = vector.broadcast %shift_left3A_193 : i32 to vector<64x10240xi32>
    %shift_left3A_195 = arith.shli %xor3A_191, %shift_left3A_194 : vector<64x10240xi32>
    %shift_right_logical3A_196 = arith.constant 17 : i32
    %shift_right_logical3A_197 = vector.broadcast %shift_right_logical3A_196 : i32 to vector<64x10240xi32>
    %shift_right_logical3A_198 = arith.shrui %xor3A_191, %shift_right_logical3A_197 : vector<64x10240xi32>
    %or3A_199 = arith.ori %shift_left3A_195, %shift_right_logical3A_198 : vector<64x10240xi32>
    %xor3A_200 = arith.xori %add3A_192, %or3A_199 : vector<64x10240xi32>
    %add3A_201 = arith.addi %add3A_192, %xor3A_200 : vector<64x10240xi32>
    %shift_left3A_202 = arith.constant 26 : i32
    %shift_left3A_203 = vector.broadcast %shift_left3A_202 : i32 to vector<64x10240xi32>
    %shift_left3A_204 = arith.shli %xor3A_200, %shift_left3A_203 : vector<64x10240xi32>
    %shift_right_logical3A_205 = arith.constant 6 : i32
    %shift_right_logical3A_206 = vector.broadcast %shift_right_logical3A_205 : i32 to vector<64x10240xi32>
    %shift_right_logical3A_207 = arith.shrui %xor3A_200, %shift_right_logical3A_206 : vector<64x10240xi32>
    %or3A_208 = arith.ori %shift_left3A_204, %shift_right_logical3A_207 : vector<64x10240xi32>
    %xor3A_209 = arith.xori %add3A_201, %or3A_208 : vector<64x10240xi32>
    %add3A_210 = arith.addi %add3A_201, %xor3A_209 : vector<64x10240xi32>
    %shift_left3A_211 = arith.constant 6 : i32
    %shift_left3A_212 = vector.broadcast %shift_left3A_211 : i32 to vector<64x10240xi32>
    %shift_left3A_213 = arith.shli %xor3A_209, %shift_left3A_212 : vector<64x10240xi32>
    %shift_right_logical3A_214 = arith.constant 26 : i32
    %shift_right_logical3A_215 = vector.broadcast %shift_right_logical3A_214 : i32 to vector<64x10240xi32>
    %shift_right_logical3A_216 = arith.shrui %xor3A_209, %shift_right_logical3A_215 : vector<64x10240xi32>
    %or3A_217 = arith.ori %shift_left3A_213, %shift_right_logical3A_216 : vector<64x10240xi32>
    %xor3A_218 = arith.xori %add3A_210, %or3A_217 : vector<64x10240xi32>
    %add3A_219 = arith.constant -1244255485 : i32
    %add3A_220 = vector.broadcast %add3A_219 : i32 to vector<64x10240xi32>
    %add3A_221 = arith.addi %add3A_210, %add3A_220 : vector<64x10240xi32>
    %add3A_222 = arith.constant 64467762 : i32
    %add3A_223 = vector.broadcast %add3A_222 : i32 to vector<64x10240xi32>
    %add3A_224 = arith.addi %xor3A_218, %add3A_223 : vector<64x10240xi32>
    %xor3A_225 = arith.xori %add3A_221, %add3A_224 : vector<64x10240xi32>
    %shift_right_logical3A_226 = arith.constant 9 : i32
    %shift_right_logical3A_227 = vector.broadcast %shift_right_logical3A_226 : i32 to vector<64x10240xi32>
    %shift_right_logical3A_228 = arith.shrui %xor3A_225, %shift_right_logical3A_227 : vector<64x10240xi32>
    %or3A_229 = arith.constant 1065353216 : i32
    %or3A_230 = vector.broadcast %or3A_229 : i32 to vector<64x10240xi32>
    %or3A_231 = arith.ori %shift_right_logical3A_228, %or3A_230 : vector<64x10240xi32>
    %bitcast_convert_type3A = tpu.bitcast %or3A_231 : vector<64x10240xi32> -> vector<64x10240xf32>
    %sub3A = arith.constant 1.000000e+00 : f32
    %sub3A_232 = vector.broadcast %sub3A : f32 to vector<64x10240xf32>
    %sub3A_233 = arith.subf %bitcast_convert_type3A, %sub3A_232 : vector<64x10240xf32>
    %max3A = arith.constant 1.17549435E-38 : f32
    %max3A_234 = vector.broadcast %max3A : f32 to vector<64x10240xf32>
    %max3A_235 = arith.maximumf %sub3A_233, %max3A_234 : vector<64x10240xf32>
    %log3A = math.log %max3A_235 : vector<64x10240xf32>
    %neg3A = arith.constant 0.000000e+00 : f32
    %neg3A_236 = vector.broadcast %neg3A : f32 to vector<64x10240xf32>
    %neg3A_237 = arith.subf %neg3A_236, %log3A : vector<64x10240xf32>
    %log3A_238 = math.log %neg3A_237 : vector<64x10240xf32>
    %neg3A_239 = arith.constant 0.000000e+00 : f32
    %neg3A_240 = vector.broadcast %neg3A_239 : f32 to vector<64x10240xf32>
    %neg3A_241 = arith.subf %neg3A_240, %log3A_238 : vector<64x10240xf32>
    %add3A_242 = arith.addf %dot_general3A_7, %neg3A_241 : vector<64x10240xf32>
    %iota3A_243 = tpu.iota {dimensions = array<i32: 1>} : vector<64x10240xi32>
    %mul3A_244 = arith.constant 10240 : i32
    %mul3A_245 = arith.muli %arg0, %mul3A_244 : i32
    %add3A_246 = vector.broadcast %mul3A_245 : i32 to vector<64x10240xi32>
    %add3A_247 = arith.addi %iota3A_243, %add3A_246 : vector<64x10240xi32>
    %lt3A = arith.constant 100000 : i32
    %lt3A_248 = vector.broadcast %lt3A : i32 to vector<64x10240xi32>
    %lt3A_249 = arith.cmpi slt, %add3A_247, %lt3A_248 : vector<64x10240xi32>
    %jit3A = arith.constant 0xFF800000 : f32
    %broadcast_in_dim3A_250 = vector.broadcast %jit3A : f32 to vector<64x10240xf32>
    %select_n3A = arith.select %lt3A_249, %add3A_242, %broadcast_in_dim3A_250 : vector<64x10240xi1>, vector<64x10240xf32>
    %reduce_max3A = arith.constant dense<0xFF800000> : vector<64xf32>
    %reduce_max3A_251 = vector.multi_reduction <maximumf>, %select_n3A, %reduce_max3A [1] : vector<64x10240xf32> to vector<64xf32>
    %broadcast_in_dim3A_252 = vector.shape_cast %reduce_max3A_251 : vector<64xf32> to vector<64x1xf32>
    %eq3A_253 = vector.broadcast %broadcast_in_dim3A_252 : vector<64x1xf32> to vector<64x10240xf32>
    %eq3A_254 = arith.cmpf oeq, %select_n3A, %eq3A_253 : vector<64x10240xf32>
    %jit3A_255 = arith.constant 10240 : i32
    %broadcast_in_dim3A_256 = vector.broadcast %jit3A_255 : i32 to vector<64x10240xi32>
    %select_n3A_257 = arith.select %eq3A_254, %iota3A_243, %broadcast_in_dim3A_256 : vector<64x10240xi1>, vector<64x10240xi32>
    %reduce_min3A = arith.constant dense<2147483647> : vector<64xi32>
    %reduce_min3A_258 = vector.multi_reduction <minsi>, %select_n3A_257, %reduce_min3A [1] : vector<64x10240xi32> to vector<64xi32>
    %broadcast_in_dim3A_259 = vector.shape_cast %reduce_min3A_258 : vector<64xi32> to vector<64x1xi32>
    %mul3A_260 = arith.constant 10240 : i32
    %mul3A_261 = arith.muli %arg0, %mul3A_260 : i32
    %add3A_262 = vector.broadcast %mul3A_261 : i32 to vector<64x1xi32>
    %add3A_263 = arith.addi %broadcast_in_dim3A_259, %add3A_262 : vector<64x1xi32>
    %get3A_264 = arith.constant 0 : index
    %get3A_265 = arith.constant 0 : index
    %get3A_266 = vector.load %arg14[%get3A_264, %get3A_265] : memref<64x1xf32, #tpu.memory_space<vmem>>, vector<64x1xf32>
    %gt3A = arith.cmpf ogt, %broadcast_in_dim3A_252, %get3A_266 : vector<64x1xf32>
    %get3A_267 = arith.constant 0 : index
    %get3A_268 = arith.constant 0 : index
    %get3A_269 = vector.load %arg15[%get3A_267, %get3A_268] : memref<64x1xi32, #tpu.memory_space<vmem>>, vector<64x1xi32>
    %select_n3A_270 = arith.select %gt3A, %add3A_263, %get3A_269 : vector<64x1xi1>, vector<64x1xi32>
    %swap3A = arith.constant 0 : index
    %swap3A_271 = arith.constant 0 : index
    %swap3A_272 = vector.load %arg15[%swap3A, %swap3A_271] : memref<64x1xi32, #tpu.memory_space<vmem>>, vector<64x1xi32>
    tpu.vector_store %arg15[%swap3A, %swap3A_271], %select_n3A_270 {strides = array<i32>} : memref<64x1xi32, #tpu.memory_space<vmem>>, vector<64x1xi32>,
    %get3A_273 = arith.constant 0 : index
    %get3A_274 = arith.constant 0 : index
    %get3A_275 = vector.load %arg14[%get3A_273, %get3A_274] : memref<64x1xf32, #tpu.memory_space<vmem>>, vector<64x1xf32>
    %select_n3A_276 = arith.select %gt3A, %broadcast_in_dim3A_252, %get3A_275 : vector<64x1xi1>, vector<64x1xf32>
    %swap3A_277 = arith.constant 0 : index
    %swap3A_278 = arith.constant 0 : index
    %swap3A_279 = vector.load %arg14[%swap3A_277, %swap3A_278] : memref<64x1xf32, #tpu.memory_space<vmem>>, vector<64x1xf32>
    tpu.vector_store %arg14[%swap3A_277, %swap3A_278], %select_n3A_276 {strides = array<i32>} : memref<64x1xf32, #tpu.memory_space<vmem>>, vector<64x1xf32>,
    %eq3A_280 = arith.constant 9 : i32
    %eq3A_281 = arith.cmpi eq, %arg0, %eq3A_280 : i32
    %convert_element_type3A_282 = arith.extui %eq3A_281 : i1 to i32
    %cond3A_283 = arith.constant 0 : i32
    %cond3A_284 = arith.cmpi ne, %convert_element_type3A_282, %cond3A_283 : i32
    scf.if %cond3A_284 {
      %get3A_285 = arith.constant 0 : index
      %get3A_286 = arith.constant 0 : index
      %get3A_287 = vector.load %arg15[%get3A_285, %get3A_286] : memref<64x1xi32, #tpu.memory_space<vmem>>, vector<64x1xi32>
      %swap3A_288 = arith.constant 0 : index
      %swap3A_289 = arith.constant 0 : index
      %swap3A_290 = vector.load %arg12[%swap3A_288, %swap3A_289] : memref<64x1xi32, #tpu.memory_space<vmem>>, vector<64x1xi32>
      tpu.vector_store %arg12[%swap3A_288, %swap3A_289], %get3A_287 {strides = array<i32>} : memref<64x1xi32, #tpu.memory_space<vmem>>, vector<64x1xi32>,
    } else {
    }
    return
  }
  func.func @transform_0(%arg0: i32) -> (i32, i32) {
    %c0_i32 = arith.constant 0 : i32
    %c0_i32_0 = arith.constant 0 : i32
    %c0_i32_1 = arith.constant 0 : i32
    return %c0_i32, %c0_i32_0 : i32, i32
  }
  func.func @transform_1(%arg0: i32) -> (i32, i32) {
    %c0_i32 = arith.constant 0 : i32
    %c0_i32_0 = arith.constant 0 : i32
    %c0_i32_1 = arith.constant 0 : i32
    return %c0_i32, %c0_i32_0 : i32, i32
  }
  func.func @transform_2(%arg0: i32) -> (i32, i32) {
    %c0_i32 = arith.constant 0 : i32
    %c0_i32_0 = arith.constant 0 : i32
    %c0_i32_1 = arith.constant 0 : i32
    return %c0_i32, %c0_i32_0 : i32, i32
  }
  func.func @transform_3(%arg0: i32) -> (i32, i32) {
    %c0_i32 = arith.constant 0 : i32
    %c0_i32_0 = arith.constant 0 : i32
    %c0_i32_1 = arith.constant 0 : i32
    return %c0_i32, %c0_i32_0 : i32, i32
  }
  func.func @transform_4(%arg0: i32) -> (i32, i32) {
    %c0_i32 = arith.constant 0 : i32
    %c0_i32_0 = arith.constant 0 : i32
    %c0_i32_1 = arith.constant 0 : i32
    return %c0_i32, %c0_i32_0 : i32, i32
  }
  func.func @transform_5(%arg0: i32) -> (i32, i32) {
    %c0_i32 = arith.constant 0 : i32
    %c0_i32_0 = arith.constant 0 : i32
    %c0_i32_1 = arith.constant 0 : i32
    return %c0_i32, %c0_i32_0 : i32, i32
  }
  func.func @transform_6(%arg0: i32) -> (i32, i32) {
    %c0_i32 = arith.constant 0 : i32
    %c0_i32_0 = arith.constant 0 : i32
    %c0_i32_1 = arith.constant 0 : i32
    return %c0_i32, %c0_i32_0 : i32, i32
  }
  func.func @transform_7(%arg0: i32) -> (i32, i32) {
    %c0_i32 = arith.constant 0 : i32
    %c0_i32_0 = arith.constant 0 : i32
    %c0_i32_1 = arith.constant 0 : i32
    return %c0_i32, %c0_i32_0 : i32, i32
  }
  func.func @transform_8(%arg0: i32) -> (i32, i32, i32) {
    %c0_i32 = arith.constant 0 : i32
    %c0_i32_0 = arith.constant 0 : i32
    %c0_i32_1 = arith.constant 0 : i32
    %c0_i32_2 = arith.constant 0 : i32
    return %c0_i32, %c0_i32_0, %c0_i32_1 : i32, i32, i32
  }
  func.func @transform_9(%arg0: i32) -> (i32, i32) {
    %c0_i32 = arith.constant 0 : i32
    %c0_i32_0 = arith.constant 0 : i32
    return %arg0, %c0_i32 : i32, i32
  }
  func.func @transform_10(%arg0: i32) -> (i32, i32) {
    %c0_i32 = arith.constant 0 : i32
    %c0_i32_0 = arith.constant 0 : i32
    %c0_i32_1 = arith.constant 0 : i32
    return %c0_i32, %c0_i32_0 : i32, i32
  }
  func.func @transform_11(%arg0: i32) -> (i32, i32) {
    %c0_i32 = arith.constant 0 : i32
    %c0_i32_0 = arith.constant 0 : i32
    %c0_i32_1 = arith.constant 0 : i32
    return %c0_i32, %c0_i32_0 : i32, i32
  }
}

module attributes {stable_mosaic.version = 14 : i64} {
  func.func @body(%arg0: i32, %arg1: memref<64x1024xf32, #tpu.memory_space<vmem>>, %arg2: memref<64x128xf32, #tpu.memory_space<vmem>>, %arg3: memref<1152x1024xf32, #tpu.memory_space<vmem>>, %arg4: memref<1x1024xf32, #tpu.memory_space<vmem>>, %arg5: memref<128x1024xf32, #tpu.memory_space<vmem>>, %arg6: memref<1152x1024xf32, #tpu.memory_space<vmem>>, %arg7: memref<1x1024xf32, #tpu.memory_space<vmem>>, %arg8: memref<1024x128xf32, #tpu.memory_space<vmem>>, %arg9: memref<64x32x128xf32, #tpu.memory_space<vmem>>, %arg10: memref<10240x128xf32, #tpu.memory_space<vmem>>, %arg11: memref<64x10240xf32, #tpu.memory_space<vmem>>, %arg12: memref<64x128xf32, #tpu.memory_space<vmem>>) attributes {dimension_semantics = [#tpu.dimension_semantics<arbitrary>], iteration_bounds = array<i64: 10>, scalar_prefetch = 0 : i64, scratch_operands = 1 : i64, tpu.core_type = #tpu.core_type<tc>, window_params = [{pipeline_mode = #tpu.pipeline_mode<synchronous>, transform_indices = @transform_0, window_bounds = array<i64: 64, 1024>}, {pipeline_mode = #tpu.pipeline_mode<synchronous>, transform_indices = @transform_1, window_bounds = array<i64: 64, 128>}, {pipeline_mode = #tpu.pipeline_mode<synchronous>, transform_indices = @transform_2, window_bounds = array<i64: 1152, 1024>}, {pipeline_mode = #tpu.pipeline_mode<synchronous>, transform_indices = @transform_3, window_bounds = array<i64: 1, 1024>}, {pipeline_mode = #tpu.pipeline_mode<synchronous>, transform_indices = @transform_4, window_bounds = array<i64: 128, 1024>}, {pipeline_mode = #tpu.pipeline_mode<synchronous>, transform_indices = @transform_5, window_bounds = array<i64: 1152, 1024>}, {pipeline_mode = #tpu.pipeline_mode<synchronous>, transform_indices = @transform_6, window_bounds = array<i64: 1, 1024>}, {pipeline_mode = #tpu.pipeline_mode<synchronous>, transform_indices = @transform_7, window_bounds = array<i64: 1024, 128>}, {pipeline_mode = #tpu.pipeline_mode<synchronous>, transform_indices = @transform_8, window_bounds = array<i64: 64, 32, 128>}, {transform_indices = @transform_9, window_bounds = array<i64: 10240, 128>}, {transform_indices = @transform_10, window_bounds = array<i64: 64, 10240>}]} {
    %eq3A = arith.constant 0 : i32
    %eq3A_0 = arith.cmpi eq, %arg0, %eq3A : i32
    %convert_element_type3A = arith.extui %eq3A_0 : i1 to i32
    %cond3A = arith.constant 0 : i32
    %cond3A_1 = arith.cmpi ne, %convert_element_type3A, %cond3A : i32
    scf.if %cond3A_1 {
      %get3A_10 = arith.constant 0 : index
      %get3A_11 = arith.constant 0 : index
      %get3A_12 = vector.load %arg1[%get3A_10, %get3A_11] : memref<64x1024xf32, #tpu.memory_space<vmem>>, vector<64x1024xf32>
      %get3A_13 = arith.constant 0 : index
      %get3A_14 = arith.constant 0 : index
      %get3A_15 = vector.load %arg3[%get3A_13, %get3A_14] : memref<1152x1024xf32, #tpu.memory_space<vmem>>, vector<1024x1024xf32>
      %dot_general3A_16 = arith.constant dense<0.000000e+00> : vector<64x1024xf32>
      %dot_general3A_17 = tpu.matmul %get3A_12, %get3A_15, %dot_general3A_16 {dimension_numbers = #tpu.dot_dimension_numbers<[1], [0], [0], [1], [0, 0, 1, 1], [], []>, transpose_lhs_hint = false} : vector<64x1024xf32>, vector<1024x1024xf32>, vector<64x1024xf32> -> vector<64x1024xf32>
      %get3A_18 = arith.constant 0 : index
      %get3A_19 = arith.constant 0 : index
      %get3A_20 = vector.load %arg2[%get3A_18, %get3A_19] : memref<64x128xf32, #tpu.memory_space<vmem>>, vector<64x128xf32>
      %get3A_21 = arith.constant 1024 : index
      %get3A_22 = arith.constant 0 : index
      %get3A_23 = vector.load %arg3[%get3A_21, %get3A_22] : memref<1152x1024xf32, #tpu.memory_space<vmem>>, vector<128x1024xf32>
      %dot_general3A_24 = arith.constant dense<0.000000e+00> : vector<64x1024xf32>
      %dot_general3A_25 = tpu.matmul %get3A_20, %get3A_23, %dot_general3A_24 {dimension_numbers = #tpu.dot_dimension_numbers<[1], [0], [0], [1], [0, 0, 1, 1], [], []>, transpose_lhs_hint = false} : vector<64x128xf32>, vector<128x1024xf32>, vector<64x1024xf32> -> vector<64x1024xf32>
      %add3A = arith.addf %dot_general3A_17, %dot_general3A_25 : vector<64x1024xf32>
      %get3A_26 = arith.constant 0 : index
      %get3A_27 = arith.constant 0 : index
      %get3A_28 = vector.load %arg4[%get3A_26, %get3A_27] : memref<1x1024xf32, #tpu.memory_space<vmem>>, vector<1x1024xf32>
      %add3A_29 = vector.broadcast %get3A_28 : vector<1x1024xf32> to vector<64x1024xf32>
      %add3A_30 = arith.addf %add3A, %add3A_29 : vector<64x1024xf32>
      %tanh3A = math.tanh %add3A_30 : vector<64x1024xf32>
      %get3A_31 = arith.constant 0 : index
      %get3A_32 = arith.constant 0 : index
      %get3A_33 = arith.constant 0 : index
      %get3A_34 = vector.load %arg9[%get3A_31, %get3A_32, %get3A_33] : memref<64x32x128xf32, #tpu.memory_space<vmem>>, vector<64x32x128xf32>
      %get3A_35 = arith.constant 0 : index
      %get3A_36 = arith.constant 0 : index
      %get3A_37 = vector.load %arg5[%get3A_35, %get3A_36] : memref<128x1024xf32, #tpu.memory_space<vmem>>, vector<128x1024xf32>
      %get3A_38 = arith.constant 0 : index
      %get3A_39 = arith.constant 0 : index
      %get3A_40 = vector.load %arg6[%get3A_38, %get3A_39] : memref<1152x1024xf32, #tpu.memory_space<vmem>>, vector<1024x1024xf32>
      %get3A_41 = arith.constant 1024 : index
      %get3A_42 = arith.constant 0 : index
      %get3A_43 = vector.load %arg6[%get3A_41, %get3A_42] : memref<1152x1024xf32, #tpu.memory_space<vmem>>, vector<128x1024xf32>
      %get3A_44 = arith.constant 0 : index
      %get3A_45 = arith.constant 0 : index
      %get3A_46 = vector.load %arg7[%get3A_44, %get3A_45] : memref<1x1024xf32, #tpu.memory_space<vmem>>, vector<1x1024xf32>
      %get3A_47 = arith.constant 0 : index
      %get3A_48 = arith.constant 0 : index
      %get3A_49 = vector.load %arg8[%get3A_47, %get3A_48] : memref<1024x128xf32, #tpu.memory_space<vmem>>, vector<1024x128xf32>
      %dot_general3A_50 = arith.constant dense<0.000000e+00> : vector<64x128xf32>
      %dot_general3A_51 = tpu.matmul %tanh3A, %get3A_37, %dot_general3A_50 {dimension_numbers = #tpu.dot_dimension_numbers<[1], [1], [0], [0], [0, 0, 1, 0], [], []>, transpose_lhs_hint = false} : vector<64x1024xf32>, vector<128x1024xf32>, vector<64x128xf32> -> vector<64x128xf32>
      %broadcast_in_dim3A = vector.shape_cast %dot_general3A_51 : vector<64x128xf32> to vector<64x1x128xf32>
      %mul3A = vector.broadcast %broadcast_in_dim3A : vector<64x1x128xf32> to vector<64x32x128xf32>
      %mul3A_52 = arith.mulf %get3A_34, %mul3A : vector<64x32x128xf32>
      %reduce_sum3A = arith.constant dense<0.000000e+00> : vector<64x32xf32>
      %reduce_sum3A_53 = vector.multi_reduction <add>, %mul3A_52, %reduce_sum3A [2] : vector<64x32x128xf32> to vector<64x32xf32>
      %reduce_max3A = arith.constant dense<0xFF800000> : vector<64xf32>
      %reduce_max3A_54 = vector.multi_reduction <maximumf>, %reduce_sum3A_53, %reduce_max3A [1] : vector<64x32xf32> to vector<64xf32>
      %broadcast_in_dim3A_55 = vector.shape_cast %reduce_max3A_54 : vector<64xf32> to vector<64x1xf32>
      %sub3A = vector.broadcast %broadcast_in_dim3A_55 : vector<64x1xf32> to vector<64x32xf32>
      %sub3A_56 = arith.subf %reduce_sum3A_53, %sub3A : vector<64x32xf32>
      %exp3A = math.exp %sub3A_56 : vector<64x32xf32>
      %reduce_sum3A_57 = arith.constant dense<0.000000e+00> : vector<64xf32>
      %reduce_sum3A_58 = vector.multi_reduction <add>, %exp3A, %reduce_sum3A_57 [1] : vector<64x32xf32> to vector<64xf32>
      %broadcast_in_dim3A_59 = vector.shape_cast %reduce_sum3A_58 : vector<64xf32> to vector<64x1xf32>
      %div3A = vector.broadcast %broadcast_in_dim3A_59 : vector<64x1xf32> to vector<64x32xf32>
      %div3A_60 = arith.divf %exp3A, %div3A : vector<64x32xf32>
      %broadcast_in_dim3A_61 = vector.shape_cast %div3A_60 : vector<64x32xf32> to vector<64x32x1xf32>
      %mul3A_62 = vector.broadcast %broadcast_in_dim3A_61 : vector<64x32x1xf32> to vector<64x32x128xf32>
      %mul3A_63 = arith.mulf %mul3A_62, %get3A_34 : vector<64x32x128xf32>
      %reduce_sum3A_64 = arith.constant dense<0.000000e+00> : vector<64x128xf32>
      %reduce_sum3A_65 = vector.multi_reduction <add>, %mul3A_63, %reduce_sum3A_64 [1] : vector<64x32x128xf32> to vector<64x128xf32>
      %dot_general3A_66 = arith.constant dense<0.000000e+00> : vector<64x1024xf32>
      %dot_general3A_67 = tpu.matmul %tanh3A, %get3A_40, %dot_general3A_66 {dimension_numbers = #tpu.dot_dimension_numbers<[1], [0], [0], [1], [0, 0, 1, 1], [], []>, transpose_lhs_hint = false} : vector<64x1024xf32>, vector<1024x1024xf32>, vector<64x1024xf32> -> vector<64x1024xf32>
      %dot_general3A_68 = arith.constant dense<0.000000e+00> : vector<64x1024xf32>
      %dot_general3A_69 = tpu.matmul %reduce_sum3A_65, %get3A_43, %dot_general3A_68 {dimension_numbers = #tpu.dot_dimension_numbers<[1], [0], [0], [1], [0, 0, 1, 1], [], []>, transpose_lhs_hint = false} : vector<64x128xf32>, vector<128x1024xf32>, vector<64x1024xf32> -> vector<64x1024xf32>
      %add3A_70 = arith.addf %dot_general3A_67, %dot_general3A_69 : vector<64x1024xf32>
      %add3A_71 = vector.broadcast %get3A_46 : vector<1x1024xf32> to vector<64x1024xf32>
      %add3A_72 = arith.addf %add3A_70, %add3A_71 : vector<64x1024xf32>
      %tanh3A_73 = math.tanh %add3A_72 : vector<64x1024xf32>
      %dot_general3A_74 = arith.constant dense<0.000000e+00> : vector<64x128xf32>
      %dot_general3A_75 = tpu.matmul %tanh3A_73, %get3A_49, %dot_general3A_74 {dimension_numbers = #tpu.dot_dimension_numbers<[1], [0], [0], [1], [0, 0, 1, 1], [], []>, transpose_lhs_hint = false} : vector<64x1024xf32>, vector<1024x128xf32>, vector<64x128xf32> -> vector<64x128xf32>
      %swap3A_76 = arith.constant 0 : index
      %swap3A_77 = arith.constant 0 : index
      %swap3A_78 = vector.load %arg12[%swap3A_76, %swap3A_77] : memref<64x128xf32, #tpu.memory_space<vmem>>, vector<64x128xf32>
      tpu.vector_store %arg12[%swap3A_76, %swap3A_77], %dot_general3A_75 {strides = array<i32>} : memref<64x128xf32, #tpu.memory_space<vmem>>, vector<64x128xf32>,
    } else {
    }
    %get3A = arith.constant 0 : index
    %get3A_2 = arith.constant 0 : index
    %get3A_3 = vector.load %arg12[%get3A, %get3A_2] : memref<64x128xf32, #tpu.memory_space<vmem>>, vector<64x128xf32>
    %get3A_4 = arith.constant 0 : index
    %get3A_5 = arith.constant 0 : index
    %get3A_6 = vector.load %arg10[%get3A_4, %get3A_5] : memref<10240x128xf32, #tpu.memory_space<vmem>>, vector<10240x128xf32>
    %dot_general3A = arith.constant dense<0.000000e+00> : vector<64x10240xf32>
    %dot_general3A_7 = tpu.matmul %get3A_3, %get3A_6, %dot_general3A {dimension_numbers = #tpu.dot_dimension_numbers<[1], [1], [0], [0], [0, 0, 1, 0], [], []>, transpose_lhs_hint = false} : vector<64x128xf32>, vector<10240x128xf32>, vector<64x10240xf32> -> vector<64x10240xf32>
    %swap3A = arith.constant 0 : index
    %swap3A_8 = arith.constant 0 : index
    %swap3A_9 = vector.load %arg11[%swap3A, %swap3A_8] : memref<64x10240xf32, #tpu.memory_space<vmem>>, vector<64x10240xf32>
    tpu.vector_store %arg11[%swap3A, %swap3A_8], %dot_general3A_7 {strides = array<i32>} : memref<64x10240xf32, #tpu.memory_space<vmem>>, vector<64x10240xf32>,
    return
  }
  func.func @transform_0(%arg0: i32) -> (i32, i32) {
    %c0_i32 = arith.constant 0 : i32
    %c0_i32_0 = arith.constant 0 : i32
    %c0_i32_1 = arith.constant 0 : i32
    return %c0_i32, %c0_i32_0 : i32, i32
  }
  func.func @transform_1(%arg0: i32) -> (i32, i32) {
    %c0_i32 = arith.constant 0 : i32
    %c0_i32_0 = arith.constant 0 : i32
    %c0_i32_1 = arith.constant 0 : i32
    return %c0_i32, %c0_i32_0 : i32, i32
  }
  func.func @transform_2(%arg0: i32) -> (i32, i32) {
    %c0_i32 = arith.constant 0 : i32
    %c0_i32_0 = arith.constant 0 : i32
    %c0_i32_1 = arith.constant 0 : i32
    return %c0_i32, %c0_i32_0 : i32, i32
  }
  func.func @transform_3(%arg0: i32) -> (i32, i32) {
    %c0_i32 = arith.constant 0 : i32
    %c0_i32_0 = arith.constant 0 : i32
    %c0_i32_1 = arith.constant 0 : i32
    return %c0_i32, %c0_i32_0 : i32, i32
  }
  func.func @transform_4(%arg0: i32) -> (i32, i32) {
    %c0_i32 = arith.constant 0 : i32
    %c0_i32_0 = arith.constant 0 : i32
    %c0_i32_1 = arith.constant 0 : i32
    return %c0_i32, %c0_i32_0 : i32, i32
  }
  func.func @transform_5(%arg0: i32) -> (i32, i32) {
    %c0_i32 = arith.constant 0 : i32
    %c0_i32_0 = arith.constant 0 : i32
    %c0_i32_1 = arith.constant 0 : i32
    return %c0_i32, %c0_i32_0 : i32, i32
  }
  func.func @transform_6(%arg0: i32) -> (i32, i32) {
    %c0_i32 = arith.constant 0 : i32
    %c0_i32_0 = arith.constant 0 : i32
    %c0_i32_1 = arith.constant 0 : i32
    return %c0_i32, %c0_i32_0 : i32, i32
  }
  func.func @transform_7(%arg0: i32) -> (i32, i32) {
    %c0_i32 = arith.constant 0 : i32
    %c0_i32_0 = arith.constant 0 : i32
    %c0_i32_1 = arith.constant 0 : i32
    return %c0_i32, %c0_i32_0 : i32, i32
  }
  func.func @transform_8(%arg0: i32) -> (i32, i32, i32) {
    %c0_i32 = arith.constant 0 : i32
    %c0_i32_0 = arith.constant 0 : i32
    %c0_i32_1 = arith.constant 0 : i32
    %c0_i32_2 = arith.constant 0 : i32
    return %c0_i32, %c0_i32_0, %c0_i32_1 : i32, i32, i32
  }
  func.func @transform_9(%arg0: i32) -> (i32, i32) {
    %c0_i32 = arith.constant 0 : i32
    %c0_i32_0 = arith.constant 0 : i32
    return %arg0, %c0_i32 : i32, i32
  }
  func.func @transform_10(%arg0: i32) -> (i32, i32) {
    %c0_i32 = arith.constant 0 : i32
    %c0_i32_0 = arith.constant 0 : i32
    return %c0_i32, %arg0 : i32, i32
  }
}

</mosaic_0001>

<sc_bundles>
// kernel: kernel.11.cloned.1.call-start
scs
__scs_entry_jumppad:
0x0: {  	(pc) =	sbr.rel $0x88, $3  }
0x1: {  	(tag) =	ssettag $0x0;
	lr =	simm.s32 $0x1  }
0x2: {  	[smem:$0x3F93] =	sst lr;
	_ =	strace $0xD0000000  }
0x3: {  	_ = 	snop  }
0x4: {  	_ = 	snop  }
0x5: {  	_ = 	snop  }
0x6: {  	_ = 	snop  }
0x7: {  	_ = 	snop  }
__scs_overlays_trampoline_lowered:
0x8: {  	[smem:$0x3FA2] =	sst s0  }
0x9: {  	[smem:$0x3FA3] =	sst s1  }
0xa: {  	[smem:$0x3FA4] =	sst s2  }
0xb: {  	[smem:$0x3FA5] =	sst s3  }
0xc: {  	[smem:$0x3FA6] =	sst s4  }
0xd: {  	[smem:$0x3FA7] =	sst s5  }
0xe: {  	[smem:$0x3FA8] =	sst s6  }
0xf: {  	[smem:$0x3FA9] =	sst s7  }
0x10: {  	[smem:$0x3FAA] =	sst s8  }
0x11: {  	[smem:$0x3FAB] =	sst s9;
	s0 =	simm.s32 @!p0 $0x0  }
0x12: {  	s1 =	sld [smem:$0x3F91];
	s0 =	simm.s32 @p0 $0x1  }
0x13: {  	[smem:$0x3FAC] =	sst s0;
	s0 =	simm.s32 @!p1 $0x0  }
0x14: {  	s2 =	sld [smem:$0x3F90];
	s0 =	simm.s32 @p1 $0x1  }
0x15: {  	[smem:$0x3FAD] =	sst s0;
	s0 =	simm.s32 @!p2 $0x0  }
0x16: {  	s3 =	sld [smem:$0x3FDB];
	s0 =	simm.s32 @p2 $0x1  }
0x17: {  	s4 =	simm.s32 $0x1BF5;
	[smem:$0x3FAF] =	sst s0  }
0x18: {  	s0 =	sld [smem:$0x3F92];
	_ =	swait.ge [sflag:s4], $0x0  }
0x19: {  	s7 =	sld [smem:$0x3F93]  }
0x1a: {  	s8 =	sadd.s32 $0xFFFFE003, lr  }
0x1b: {  	s9 =	sadd.s32 $0xFFFFFEF7, lr;
	s5 =	simm.s32 $0xFFFFFFFF;
	p2 =	slt.u32 s8, $0xFFFFF086  }
0x1c: {  	p1 =	slt.u32 s9, $0xF7A;
	s5 =	simm.s32 @!p2 $0x0  }
0x1d: {  	s5 =	simm.s32 @p1 $0x1;
	p0 =	seq.s32 s7, s2  }
0x1e: {  	s7 =	smul.u32 @!p0 $0xF7A, s2;
	p2 =	seq.s32 @!p0 s5, $0x0  }
0x1f: {  	s9 =	smul.u32 $0xF7A, s1;
	s8 =	simm.s32 @!p0 $0x1BF5;
	p2 =	por !p2, p0  }
0x20: {  	[sflag:s8] =	ssyncset.s32 @!p0 $0xFFFFF086;
	s6 =	sadd.s32 @!p0 s3, s7;
	s7 =	simm.s32 @!p0 $0x108  }
0x21: {  	s3 =	sadd.s32 s3, s9;
	s6 =	sadd.s32 @!p0 $0x88, s6;
	s7 =	simm.s32 @p2 $0x1082  }
0x22: {  	[simem:s7], [sflag:s8] =	dma.local @!p0 [hbm:s6], $0xF7A  }
0x23: {  	s9 =	sor.u32 $0xD0000000, s2;
	s6 =	simm.s32 $0x108;
	_ =	swait.ge @!p0 [sflag:s8], $0x0  }
0x24: {  	s3 =	sadd.s32 $0x88, s3;
	s6 =	simm.s32 @!p1 $0x1082;
	[sflag:s4] =	ssyncset.s32 $0xFFFFF086  }
0x25: {  	[simem:s6], [sflag:s4] =	dma.local [hbm:s3], $0xF7A  }
0x26: {  	[smem:$0x3F93] =	sst s1;
	(tag) =	ssettag s2;
	_ =	strace s9  }
0x27: {  	s1 =	sld [smem:$0x3FA3]  }
0x28: {  	s2 =	sld [smem:$0x3FA4]  }
0x29: {  	s4 =	sld [smem:$0x3FA6]  }
0x2a: {  	p0 =	seq.s32 s5, $0x0;
	s5 =	sld [smem:$0x3FA7]  }
0x2b: {  	s6 =	sld [smem:$0x3FA8]  }
0x2c: {  	s7 =	sld [smem:$0x3FA9]  }
0x2d: {  	s3 =	simm.s32 $0x108;
	s8 =	sld [smem:$0x3FAA]  }
0x2e: {  	s3 =	simm.s32 @!p0 $0x1082;
	s9 =	sld [smem:$0x3FAB]  }
0x2f: {  	lr =	sadd.s32 s0, s3;
	s0 =	sld [smem:$0x3FA2]  }
0x30: {  	s3 =	sld [smem:$0x3FA5]  }
0x31: {  	[smem:$0x3FAE] =	sst s10  }
0x32: {  	s10 =	sld [smem:$0x3FAC];
	_ =	sdelay $0x3  }
0x33: {  	p0 =	seq.s32 s10, $0x1;
	s10 =	sld [smem:$0x3FAE];
	_ =	sdelay $0x3  }
0x34: {  	[smem:$0x3FAE] =	sst s10  }
0x35: {  	s10 =	sld [smem:$0x3FAD];
	_ =	sdelay $0x3  }
0x36: {  	p1 =	seq.s32 s10, $0x1;
	s10 =	sld [smem:$0x3FAE];
	_ =	sdelay $0x3  }
0x37: {  	[smem:$0x3FAE] =	sst s10  }
0x38: {  	s10 =	sld [smem:$0x3FAF]  }
0x39: {  	_ = 	snop;
	(pc) =	sbr.ind lr, $3  }
0x3a: {  	_ = 	snop  }
0x3b: {  	_ = 	snop  }
0x3c: {  	p2 =	seq.s32 s10, $0x1;
	s10 =	sld [smem:$0x3FAE]  }
0x3d: {  	_ =	shalt  }
0x3e: {  	_ =	shalt  }
0x3f: {  	_ =	shalt  }
0x40: {  	_ =	shalt  }
0x41: {  	_ =	shalt  }
0x42: {  	_ =	shalt  }
0x43: {  	_ =	shalt  }
0x44: {  	_ =	shalt  }
0x45: {  	_ =	shalt  }
0x46: {  	_ =	shalt  }
0x47: {  	_ =	shalt  }
0x48: {  	_ =	shalt  }
0x49: {  	_ =	shalt  }
0x4a: {  	_ =	shalt  }
0x4b: {  	_ =	shalt  }
0x4c: {  	_ =	shalt  }
0x4d: {  	_ =	shalt  }
0x4e: {  	_ =	shalt  }
0x4f: {  	_ =	shalt  }
0x50: {  	_ =	shalt  }
0x51: {  	_ =	shalt  }
0x52: {  	_ =	shalt  }
0x53: {  	_ =	shalt  }
0x54: {  	_ =	shalt  }
0x55: {  	_ =	shalt  }
0x56: {  	_ =	shalt  }
0x57: {  	_ =	shalt  }
0x58: {  	_ =	shalt  }
0x59: {  	_ =	shalt  }
0x5a: {  	_ =	shalt  }
0x5b: {  	_ =	shalt  }
0x5c: {  	_ =	shalt  }
0x5d: {  	_ =	shalt  }
0x5e: {  	_ =	shalt  }
0x5f: {  	_ =	shalt  }
0x60: {  	_ =	shalt  }
0x61: {  	_ =	shalt  }
0x62: {  	_ =	shalt  }
0x63: {  	_ =	shalt  }
0x64: {  	_ =	shalt  }
0x65: {  	_ =	shalt  }
0x66: {  	_ =	shalt  }
0x67: {  	_ =	shalt  }
0x68: {  	_ =	shalt  }
0x69: {  	_ =	shalt  }
0x6a: {  	_ =	shalt  }
0x6b: {  	_ =	shalt  }
0x6c: {  	_ =	shalt  }
0x6d: {  	_ =	shalt  }
0x6e: {  	_ =	shalt  }
0x6f: {  	_ =	shalt  }
0x70: {  	_ =	shalt  }
0x71: {  	_ =	shalt  }
0x72: {  	_ =	shalt  }
0x73: {  	_ =	shalt  }
0x74: {  	_ =	shalt  }
0x75: {  	_ =	shalt  }
0x76: {  	_ =	shalt  }
0x77: {  	_ =	shalt  }
0x78: {  	_ =	shalt  }
0x79: {  	_ =	shalt  }
0x7a: {  	_ =	shalt  }
0x7b: {  	_ =	shalt  }
0x7c: {  	_ =	shalt  }
0x7d: {  	_ =	shalt  }
0x7e: {  	_ =	shalt  }
0x7f: {  	_ =	shalt  }
0x80: {  	_ =	shalt  }
0x81: {  	_ =	shalt  }
0x82: {  	_ =	shalt  }
0x83: {  	_ =	shalt  }
0x84: {  	_ =	shalt  }
0x85: {  	_ =	shalt  }
0x86: {  	_ =	shalt  }
0x87: {  	_ =	shalt  }
.Lfunc_end0:
.L_simem_size_0:
called_computation.1_lowered:
.L_overlay_start_0:
0x88: {  	s2 =	sld [smem:$0x3FD9]  }
0x89: {  	s3 =	sld [smem:$0x3FFE];
	_ =	sdelay $0x1  }
0x8a: {  	s1 =	srdreg.scid  }
0x8b: {  	s0 =	sand.u32 $0x1, s1  }
0x8c: {  	s17 =	sshll.u32 s0, $0xA;
	s2 =	sadd.s32 s3, s2  }
0x8d: {  	s2 =	sadd.s32 s2, s17  }
0x8e: {  	[smem:$0x3FBA] =	sst s2  }
0x8f: {  	_ = 	snop  }
0x90: {  	s2 =	sld [smem:$0x3FC5]  }
0x91: {  	s18 =	sld [smem:$0x3FD0];
	(tm) =	ssettm $0x1  }
0x92: {  	s4 =	sld [smem:$0x3FFB];
	_ =	sdelay $0x3  }
0x93: {  	_ =	strace s4  }
0x94: {  	s4 =	sld [smem:$0x3FFC];
	_ =	sdelay $0x3  }
0x95: {  	_ =	strace s4  }
0x96: {  	s4 =	sld [smem:$0x3FFD];
	_ =	sdelay $0x3  }
0x97: {  	_ =	strace s4  }
0x98: {  	_ =	strace $0x8FFFFFFF  }
0x99: {  	s19 =	sld [smem:$0x3FDB];
	_ =	sdelay $0x1  }
0x9a: {  	s5 =	simm.s32 $_scs_section_size  }
0x9b: {  	s6 =	simm.s32 $_size__tile_overlayer_lowered;
	s7 =	simm.s32 $_tile_overlayer_lowered  }
0x9c: {  	s22 =	simm.s32 $0x1BFF;
	s21 =	sshll.u32 s7, $0x1;
	s4 =	sadd.s32 s5, s19  }
0x9d: {  	s8 =	simm.s32 $0x0;
	s20 =	sshll.u32 s6, $0x1;
	s6 =	sadd.s32 s21, s4  }
0x9e: {  	[timem:s8], [sflag:s22] =	dma.local [hbm:s6], s20  }
0x9f: {  	_ =	swait.ge [sflag:s22], s20  }
0xa0: {  	s5 =	ssub.s32 $0x0, s20;
	[sflag:s22] =	ssyncset.done $0x0  }
0xa1: {  	[sflag:s22] =	ssyncadd.s32 s5;
	_ =	sdelay $0x1  }
0xa2: {  	s23 =	simm.s32 $0x1B8B  }
0xa3: {  	_ =	swait.ge [sflag:s23], $0x1  }
0xa4: {  	[sflag:s23] =	ssyncset.done $0x0  }
0xa5: {  	s25 =	simm.s32 $0x1B8E;
	s24 =	sld [smem:$0x3FFE];
	[sflag:s23] =	ssyncadd.s32 $0xFFFFFFFF  }
0xa6: {  	s26 =	simm.s32 $execute0_lowered;
	[smem:$0x3FD2] =	sst s25  }
0xa7: {  	s6 =	sshll.u32 s26, $0x1;
	_ =	strace $0x80000049;
	[dreg:$0x1] =	wrdreg $0xFFFFFFFF  }
0xa8: {  	s28 =	simm.s32 $_size_execute0_lowered;
	s4 =	sadd.s32 s4, s6;
	[dreg:$0x0] =	wrdreg $0x0  }
0xa9: {  	s6 =	sshll.u32 s28, $0x1;
	[dreg:$0x2] =	wrdreg s4  }
0xaa: {  	[dreg:$0x3] =	wrdreg s6  }
0xab: {  	[dreg:$0x4] =	wrdreg $0xC0  }
0xac: {  	_ =	task [dreg:s8], $0x5FFFF  }
0xad: {  	[dreg:$0x1] =	wrdreg $0xFFFFFFFF  }
0xae: {  	[dreg:$0x0] =	wrdreg $0x60  }
0xaf: {  	[dreg:$0x2] =	wrdreg s2  }
0xb0: {  	[dreg:$0x3] =	wrdreg s24  }
0xb1: {  	[dreg:$0x4] =	wrdreg s18  }
0xb2: {  	[dreg:$0x5] =	wrdreg $0x9  }
0xb3: {  	_ =	task.clear_ibuf [dreg:s8], $0x6FFFF;
	_ =	strace $0x90000049  }
0xb4: {  	s29 =	simm.s32 $0x9;
	_ =	strace $0x8000004B  }
0xb5: {  	_ =	swait.ge [sflag:s29], $0x1  }
0xb6: {  	[sflag:s29] =	ssyncadd.s32 $0xFFFFFFFF  }
0xb7: {  	_ =	strace $0x9000004B  }
0xb8: {  	_ =	sfence  }
0xb9: {  	s30 =	sld [smem:$0x0];
	_ =	sdelay $0x2  }
0xba: {  	s31 =	sshll.u32 s1, $0xD;
	s1 =	sshrl.u32 s1, $0x2  }
0xbb: {  	s3 =	sand.u32 $0x4000, s31;
	s1 =	sadd.s32 s1, s30  }
0xbc: {  	s0 =	sor.u32 s3, s0;
	s1 =	sshll.u32 s1, $0x11  }
0xbd: {  	s0 =	sor.u32 s1, s0  }
0xbe: {  	s0 =	sadd.s32 $0x8F2B, s0  }
0xbf: {  	[sflag:s0] =	ssyncadd.remote.s32 $0x1  }
0xc0: {  	_ =	sfence.sel $0xFFFF  }
0xc1: {  	[dreg:$0x0] =	wrdreg $0xFFFFFFFF;
	(pc) =	sbr.abs _section_cstart, $3  }
0xc2: {  	[dreg:$0x1] =	wrdreg $0xFFFFFFFF  }
0xc3: {  	_ =	task.clear_ibuf [dreg:s8], $0x2FFFF;
	_ =	strace $0x9FFFFFFF  }
0xc4: {  	(tm) =	ssettm $0x7FFFFFFF  }
0xc5: {  	_ =	shalt  }
tec
execute0_lowered:
.L_overlay_start_1:
0x0: {  	(tag) =	ssettag $0x1  }
0x1: {  	s3 =	rddreg [dreg:$0x0]  }
0x2: {  	s4 =	rddreg [dreg:$0x1]  }
0x3: {  	s5 =	rddreg [dreg:$0x2]  }
0x4: {  	s0 =	rddreg [dreg:$0x3];
	s2 =	simm.s32 $0x0;
	s6 =	srdreg.scid  }
0x5: {  	s1 =	stileid.u32;
	s28 =	simm.s32 $0x80;
	s29 =	simm.s32 $0x480  }
0x6: {  	s30 =	simm.s32 $0x40;
	s7 =	sand.u32 $0x1, s6;
	s8 =	sshll.u32 s1, $0x1  }
0x7: {  	s31 =	simm.s32 $0x880;
	s8 =	sor.u32 s7, s8;
	s7 =	ssub.s32 $0x2, s7  }
0x8: {  	[smem:$0x7FF] =	sst s2;
	s9 =	sadd.s32 $0x3600, s4;
	s25 =	sshrl.u32 s7, $0x1  }
0x9: {  	_ =	strace $0x8000004A;
	[dreg:$0x4] =	wrdreg s9;
	s7 =	ssub.s32 s7, s25  }
0xa: {  	p1 =	por $0x0, $0x0;
	[dreg:$0x5] =	wrdreg s28;
	s7 =	smax.u32 s7, $0x1  }
0xb: {  	s6 =	sadd.s32 $0xBA00, s4;
	[dreg:$0x6] =	wrdreg s29;
	s14 =	sadd.s32 $0xFFFFFFFF, s7  }
0xc: {  	p0 =	sgt.u32 s1, $0x3;
	[dreg:$0x8] =	wrdreg s30;
	p2 =	sne.s32 s14, $0x0  }
.Ltmp0:
0xd: {  	[dreg:$0x7] =	wrdreg s31;
	s10 =	sshll.u32 s8, $0xA;
	(pc) =	sbr.rel @!p2 .LBB2_3-.Ltmp0, $4  }
0xe: {  	s24 =	sshll.u32 s8, $0x7;
	s8 =	sshll.u32 s8, $0x1;
	s5 =	sadd.s32 s5, s10  }
0xf: {  	s4 =	sadd.s32 s24, s4;
	s26 =	sadd.s32 $0x2900, s10;
	[dreg:$0x9] =	wrdreg s5  }
0x10: {  	[dreg:$0xb] =	wrdreg s26;
	s4 =	sadd.s32 $0x3800, s4;
	s5 =	simm.s32 $0x1  }
0x11: {  	[dreg:$0xa] =	wrdreg s4;
	s4 =	simm.s32 $0x3;
	s7 =	simm.s32 $0x900  }
0x12: {  	s9 =	rddreg [dreg:$0x4]  }
0x13: {  	[tilespmem:s2], [sflag:$0x3] =	stream.linear.gather [hbm4b:s9+s2], $0x40, $0x38;
	[tilespmem:$0x4900] =	vst v63  }
0x14: {  	_ =	swait.ge [sflag:s4], $0x40  }
0x15: {  	s10 =	simm.s32 @!p0 $0x40;
	[sflag:s4] =	ssyncset.done $0x0  }
0x16: {  	s11 =	simm.s32 @!p0 $0x0;
	s9 =	simm.s32 @!p0 $0x2900;
	[sflag:s4] =	ssyncadd.s32 $0xFFFFFFC0  }
0x17: {  	[tilespmem:s9], [sflag:$0x2] =	stream.indirect.gather @!p0 [hbm4b:s3+s10], $0x80, s11, s10, $0xb8;
	[tilespmem:$0x4900] =	vst v63  }
0x18: {  	v0 =	vld [tilespmem:s8+$0x0]  }
0x19: {  	v1 =	vld [tilespmem:s8+$0x1];
	_ =	sdelay $0x3  }
0x1a: {  	(v2sf) =	vpush v0, $0x0  }
0x1b: {  	(v2sf) =	vpush v1, $0x0;
	_ =	sdelay $0xd  }
0x1c: {  	s12 =	spop (v2sf)  }
0x1d: {  	s13 =	sshra.s32 s12, $0x1F;
	s15 =	spop (v2sf)  }
0x1e: {  	s13 =	sshrl.u32 s13, $0x1D;
	s16 =	sshra.s32 s15, $0x1F  }
0x1f: {  	s13 =	sadd.s32 s13, s12;
	s16 =	sshrl.u32 s16, $0x1D  }
0x20: {  	s18 =	simm.s32 $0x1;
	s17 =	sand.u32 $0xFFFFFFF8, s13;
	s16 =	sadd.s32 s16, s15  }
0x21: {  	p1 =	slt.s32 s12, $0x1;
	p2 =	sne.s32 s12, s17;
	s23 =	sand.u32 $0xFFFFFFF8, s16  }
0x22: {  	p6 =	slt.s32 s15, $0x1;
	p1 =	por !p1, !p2;
	p3 =	sne.s32 s15, s23  }
0x23: {  	s17 =	simm.s32 $0x1;
	p1 =	por !p1, !p1;
	p2 =	por !p6, !p3  }
0x24: {  	s13 =	sshrl.u32 s13, $0x3;
	s17 =	simm.s32 @!p1 $0x0;
	p1 =	por !p2, !p2  }
0x25: {  	s16 =	sshrl.u32 s16, $0x3;
	s13 =	ssub.s32 s13, s17;
	s18 =	simm.s32 @!p1 $0x0  }
0x26: {  	s13 =	sshll.u32 s13, $0x7;
	s16 =	ssub.s32 s16, s18  }
0x27: {  	s13 =	sand.u32 $0x1FFFFF80, s13;
	s16 =	sshll.u32 s16, $0x7  }
0x28: {  	s24 =	rddreg [dreg:$0x5];
	s13 =	sadd.s32 s6, s13;
	s16 =	sand.u32 $0x1FFFFF80, s16  }
0x29: {  	[tilespmem:s24], [sflag:$0x1] =	stream.linear.gather [hbm4b:s13+s2], $0x400, $0x38;
	[tilespmem:$0x4900] =	vst v63  }
0x2a: {  	s25 =	rddreg [dreg:$0x6];
	s26 =	sadd.s32 s6, s16  }
0x2b: {  	[tilespmem:s25], [sflag:$0x1] =	stream.linear.gather [hbm4b:s26+s2], $0x400, $0x38;
	[tilespmem:$0x4900] =	vst v63  }
0x2c: {  	_ =	swait.ge [sflag:s5], $0x400  }
0x2d: {  	[sflag:s5] =	ssyncset.done $0x0  }
0x2e: {  	[sflag:s5] =	ssyncadd.s32 $0xFFFFFC00  }
0x2f: {  	s12 =	sshll.u32 s12, $0x7;
	_ =	swait.ge [sflag:s5], $0x400  }
0x30: {  	s12 =	sadd.s32 $0x400, s12;
	[sflag:s5] =	ssyncset.done $0x0  }
0x31: {  	s12 =	sand.u32 $0x380, s12;
	[sflag:s5] =	ssyncadd.s32 $0xFFFFFC00  }
0x32: {  	v63 =	vld [tilespmem:s12+$0x80];
	_ =	sdelay $0x4  }
0x33: {  	[tilespmem:$0x880] =	vst v63  }
0x34: {  	v0 =	vld [tilespmem:s12+$0x90];
	_ =	sdelay $0x2  }
0x35: {  	s28 =	sshll.u32 s15, $0x7  }
0x36: {  	s12 =	sadd.s32 $0x400, s28  }
0x37: {  	s12 =	sand.u32 $0x380, s12;
	[tilespmem:$0x890] =	vst v0  }
0x38: {  	v0 =	vld [tilespmem:s12+$0x480];
	_ =	sdelay $0x4  }
0x39: {  	[tilespmem:$0x8A0] =	vst v0  }
0x3a: {  	v0 =	vld [tilespmem:s12+$0x490];
	_ =	sdelay $0x3  }
0x3b: {  	s29 =	rddreg [dreg:$0x8]  }
0x3c: {  	s30 =	rddreg [dreg:$0x7];
	[tilespmem:$0x8B0] =	vst v0  }
0x3d: {  	[tilespmem:s7], [sflag:$0x1] =	stream.indirect.gather [hbm4b:s3+s29], $0x80, s30, s29, $0xb8;
	[tilespmem:$0x4900] =	vst v63  }
0x3e: {  	_ =	swait.ge [sflag:s5], $0x2000  }
0x3f: {  	[sflag:s5] =	ssyncset.done $0x0  }
0x40: {  	s31 =	rddreg [dreg:$0x9];
	[sflag:s5] =	ssyncadd.s32 $0xFFFFE000  }
0x41: {  	[hbm4b:s31+s2] =	stream.linear.scatter [tilespmem:s7], [sflag:$0x3], $0x2000, $0x38;
	[tilespmem:$0x4900] =	vst v63  }
0x42: {  	_ =	swait.ge [sflag:s4], $0x2000  }
0x43: {  	[sflag:s4] =	ssyncset.done $0x0  }
0x44: {  	s14 =	sadd.s32 $0xFFFFFFFF, s14;
	s13 =	simm.s32 @!p0 $0x2;
	[sflag:s4] =	ssyncadd.s32 $0xFFFFE000  }
0x45: {  	p2 =	sne.s32 s14, $0x0;
	_ =	swait.ge @!p0 [sflag:s13], $0x2000  }
.Ltmp1:
0x46: {  	s12 =	rddreg [dreg:$0xa];
	[sflag:s13] =	ssyncset.done @!p0 $0x0;
	(pc) =	sbr.rel @!p2 .LBB2_3-.Ltmp1, $4  }
0x47: {  	s15 =	rddreg [dreg:$0xb];
	[sflag:s13] =	ssyncadd.s32 @!p0 $0xFFFFE000  }
0x48: {  	[hbm4b:s12+s11] =	stream.linear.scatter @!p0 [tilespmem:s15], [sflag:$0x3], $0x400, $0x38;
	[tilespmem:$0x4900] =	vst v63  }
0x49: {  	s12 =	simm.s32 @!p0 $0x3  }
0x4a: {  	p1 =	por $0x1, $0x1;
	_ =	swait.ge @!p0 [sflag:s12], $0x400  }
.LBB2_2:
0x4b: {  	[sflag:s12] =	ssyncset.done @!p0 $0x0  }
0x4c: {  	s15 =	rddreg [dreg:$0x4];
	[sflag:s12] =	ssyncadd.s32 @!p0 $0xFFFFFC00  }
0x4d: {  	[tilespmem:s2], [sflag:$0x3] =	stream.linear.gather [hbm4b:s15+s2], $0x40, $0x38;
	[tilespmem:$0x4900] =	vst v63  }
0x4e: {  	_ =	swait.ge [sflag:s4], $0x40  }
0x4f: {  	[sflag:s4] =	ssyncset.done $0x0  }
0x50: {  	[sflag:s4] =	ssyncadd.s32 $0xFFFFFFC0  }
0x51: {  	[tilespmem:s9], [sflag:$0x2] =	stream.indirect.gather @!p0 [hbm4b:s3+s10], $0x80, s11, s10, $0xb8;
	[tilespmem:$0x4900] =	vst v63  }
0x52: {  	v0 =	vld [tilespmem:s8+$0x0]  }
0x53: {  	v1 =	vld [tilespmem:s8+$0x1];
	_ =	sdelay $0x3  }
0x54: {  	(v2sf) =	vpush v0, $0x0  }
0x55: {  	(v2sf) =	vpush v1, $0x0;
	_ =	sdelay $0xd  }
0x56: {  	s16 =	spop (v2sf)  }
0x57: {  	s28 =	sshra.s32 s16, $0x1F;
	s18 =	spop (v2sf)  }
0x58: {  	s17 =	sshll.u32 s16, $0x7;
	s15 =	sshrl.u32 s28, $0x1D;
	s19 =	sshra.s32 s18, $0x1F  }
0x59: {  	p3 =	slt.s32 s16, $0x1;
	s20 =	sadd.s32 s15, s16;
	s29 =	sshrl.u32 s19, $0x1D  }
0x5a: {  	s30 =	sshll.u32 s18, $0x7;
	s21 =	sand.u32 $0xFFFFFFF8, s20;
	s22 =	sadd.s32 s29, s18  }
0x5b: {  	p6 =	slt.s32 s18, $0x1;
	p4 =	sne.s32 s16, s21;
	s19 =	sand.u32 $0xFFFFFFF8, s22  }
0x5c: {  	s21 =	sshrl.u32 s20, $0x3;
	p3 =	por !p3, !p4;
	p5 =	sne.s32 s18, s19  }
0x5d: {  	s18 =	simm.s32 $0x1;
	p3 =	por !p3, !p3;
	p4 =	por !p6, !p5  }
0x5e: {  	s19 =	simm.s32 $0x1;
	s18 =	simm.s32 @!p3 $0x0;
	p3 =	por !p4, !p4  }
0x5f: {  	s23 =	sshrl.u32 s22, $0x3;
	s16 =	ssub.s32 s21, s18;
	s19 =	simm.s32 @!p3 $0x0  }
0x60: {  	s16 =	sshll.u32 s16, $0x7;
	s18 =	ssub.s32 s23, s19  }
0x61: {  	s16 =	sand.u32 $0x1FFFFF80, s16;
	s18 =	sshll.u32 s18, $0x7  }
0x62: {  	s24 =	rddreg [dreg:$0x5];
	s16 =	sadd.s32 s6, s16;
	s18 =	sand.u32 $0x1FFFFF80, s18  }
0x63: {  	[tilespmem:s24], [sflag:$0x1] =	stream.linear.gather [hbm4b:s16+s2], $0x400, $0x38;
	[tilespmem:$0x4900] =	vst v63  }
0x64: {  	s25 =	rddreg [dreg:$0x6];
	s26 =	sadd.s32 s6, s18  }
0x65: {  	[tilespmem:s25], [sflag:$0x1] =	stream.linear.gather [hbm4b:s26+s2], $0x400, $0x38;
	[tilespmem:$0x4900] =	vst v63  }
0x66: {  	_ =	swait.ge [sflag:s5], $0x400  }
0x67: {  	[sflag:s5] =	ssyncset.done $0x0  }
0x68: {  	[sflag:s5] =	ssyncadd.s32 $0xFFFFFC00  }
0x69: {  	_ =	swait.ge [sflag:s5], $0x400  }
0x6a: {  	s17 =	sadd.s32 $0x400, s17;
	[sflag:s5] =	ssyncset.done $0x0  }
0x6b: {  	s28 =	sand.u32 $0x380, s17;
	[sflag:s5] =	ssyncadd.s32 $0xFFFFFC00  }
0x6c: {  	v63 =	vld [tilespmem:s28+$0x80];
	_ =	sdelay $0x4  }
0x6d: {  	[tilespmem:$0x880] =	vst v63  }
0x6e: {  	v0 =	vld [tilespmem:s28+$0x90];
	_ =	sdelay $0x3  }
0x6f: {  	s31 =	sadd.s32 $0x400, s30  }
0x70: {  	s15 =	sand.u32 $0x380, s31;
	[tilespmem:$0x890] =	vst v0  }
0x71: {  	v0 =	vld [tilespmem:s15+$0x480];
	_ =	sdelay $0x4  }
0x72: {  	[tilespmem:$0x8A0] =	vst v0  }
0x73: {  	v0 =	vld [tilespmem:s15+$0x490];
	_ =	sdelay $0x3  }
0x74: {  	s29 =	rddreg [dreg:$0x8]  }
0x75: {  	s30 =	rddreg [dreg:$0x7];
	[tilespmem:$0x8B0] =	vst v0  }
0x76: {  	[tilespmem:s7], [sflag:$0x1] =	stream.indirect.gather [hbm4b:s3+s29], $0x80, s30, s29, $0xb8;
	[tilespmem:$0x4900] =	vst v63  }
0x77: {  	_ =	swait.ge [sflag:s5], $0x2000  }
0x78: {  	[sflag:s5] =	ssyncset.done $0x0  }
0x79: {  	s31 =	rddreg [dreg:$0x9];
	[sflag:s5] =	ssyncadd.s32 $0xFFFFE000  }
0x7a: {  	[hbm4b:s31+s2] =	stream.linear.scatter [tilespmem:s7], [sflag:$0x3], $0x2000, $0x38;
	[tilespmem:$0x4900] =	vst v63  }
0x7b: {  	_ =	swait.ge [sflag:s4], $0x2000  }
0x7c: {  	s14 =	sadd.s32 $0xFFFFFFFF, s14;
	[sflag:s4] =	ssyncset.done $0x0  }
0x7d: {  	p2 =	sne.s32 s14, $0x0;
	[sflag:s4] =	ssyncadd.s32 $0xFFFFE000  }
.Ltmp2:
0x7e: {  	_ =	swait.ge @!p0 [sflag:s13], $0x2000;
	(pc) =	sbr.rel @p2 .LBB2_2-.Ltmp2, $4  }
0x7f: {  	s15 =	rddreg [dreg:$0xa];
	[sflag:s13] =	ssyncset.done @!p0 $0x0  }
0x80: {  	s16 =	rddreg [dreg:$0xb];
	[sflag:s13] =	ssyncadd.s32 @!p0 $0xFFFFE000  }
0x81: {  	[hbm4b:s15+s11] =	stream.linear.scatter @!p0 [tilespmem:s16], [sflag:$0x3], $0x400, $0x38;
	[tilespmem:$0x4900] =	vst v63  }
0x82: {  	_ =	swait.ge @!p0 [sflag:s12], $0x400  }
.LBB2_3:
0x83: {  	p1 =	por p0, !p1  }
0x84: {  	[sflag:s12] =	ssyncset.done @!p1 $0x0  }
0x85: {  	s9 =	rddreg [dreg:$0x4];
	[sflag:s12] =	ssyncadd.s32 @!p1 $0xFFFFFC00  }
0x86: {  	[tilespmem:s2], [sflag:$0x3] =	stream.linear.gather [hbm4b:s9+s2], $0x40, $0x38;
	[tilespmem:$0x4900] =	vst v63  }
0x87: {  	_ =	swait.ge [sflag:s4], $0x40  }
0x88: {  	s10 =	simm.s32 @!p0 $0x2900;
	[sflag:s4] =	ssyncset.done $0x0  }
0x89: {  	s11 =	simm.s32 @!p0 $0x40;
	s9 =	simm.s32 @!p0 $0x0;
	[sflag:s4] =	ssyncadd.s32 $0xFFFFFFC0  }
0x8a: {  	[tilespmem:s10], [sflag:$0x2] =	stream.indirect.gather @!p0 [hbm4b:s3+s11], $0x80, s9, s11, $0xb8;
	[tilespmem:$0x4900] =	vst v63  }
0x8b: {  	v0 =	vld [tilespmem:s8+$0x0]  }
0x8c: {  	v1 =	vld [tilespmem:s8+$0x1];
	_ =	sdelay $0x3  }
0x8d: {  	(v2sf) =	vpush v0, $0x0  }
0x8e: {  	(v2sf) =	vpush v1, $0x0;
	_ =	sdelay $0xd  }
0x8f: {  	s18 =	spop (v2sf)  }
0x90: {  	s19 =	sshra.s32 s18, $0x1F;
	s20 =	spop (v2sf)  }
0x91: {  	s10 =	sshrl.u32 s19, $0x1D;
	s21 =	sshra.s32 s20, $0x1F  }
0x92: {  	s10 =	sadd.s32 s10, s18;
	s12 =	sshrl.u32 s21, $0x1D  }
0x93: {  	s14 =	simm.s32 $0x1;
	s13 =	sand.u32 $0xFFFFFFF8, s10;
	s12 =	sadd.s32 s12, s20  }
0x94: {  	p5 =	slt.s32 s18, $0x1;
	p2 =	sne.s32 s18, s13;
	s22 =	sand.u32 $0xFFFFFFF8, s12  }
0x95: {  	p6 =	slt.s32 s20, $0x1;
	p1 =	por !p5, !p2;
	p3 =	sne.s32 s20, s22  }
0x96: {  	s13 =	simm.s32 $0x1;
	p1 =	por !p1, !p1;
	p2 =	por !p6, !p3  }
0x97: {  	s10 =	sshrl.u32 s10, $0x3;
	s13 =	simm.s32 @!p1 $0x0;
	p1 =	por !p2, !p2  }
0x98: {  	s12 =	sshrl.u32 s12, $0x3;
	s10 =	ssub.s32 s10, s13;
	s14 =	simm.s32 @!p1 $0x0  }
0x99: {  	s10 =	sshll.u32 s10, $0x7;
	s12 =	ssub.s32 s12, s14  }
0x9a: {  	s10 =	sand.u32 $0x1FFFFF80, s10;
	s12 =	sshll.u32 s12, $0x7  }
0x9b: {  	s23 =	rddreg [dreg:$0x5];
	s10 =	sadd.s32 s6, s10;
	s12 =	sand.u32 $0x1FFFFF80, s12  }
0x9c: {  	[tilespmem:s23], [sflag:$0x1] =	stream.linear.gather [hbm4b:s10+s2], $0x400, $0x38;
	[tilespmem:$0x4900] =	vst v63  }
0x9d: {  	s24 =	rddreg [dreg:$0x6];
	s25 =	sadd.s32 s6, s12  }
0x9e: {  	[tilespmem:s24], [sflag:$0x1] =	stream.linear.gather [hbm4b:s25+s2], $0x400, $0x38;
	[tilespmem:$0x4900] =	vst v63  }
0x9f: {  	_ =	swait.ge [sflag:s5], $0x400  }
0xa0: {  	[sflag:s5] =	ssyncset.done $0x0  }
0xa1: {  	[sflag:s5] =	ssyncadd.s32 $0xFFFFFC00  }
0xa2: {  	s26 =	sshll.u32 s18, $0x7;
	_ =	swait.ge [sflag:s5], $0x400  }
0xa3: {  	s6 =	sadd.s32 $0x400, s26;
	[sflag:s5] =	ssyncset.done $0x0  }
0xa4: {  	s6 =	sand.u32 $0x380, s6;
	[sflag:s5] =	ssyncadd.s32 $0xFFFFFC00  }
0xa5: {  	v63 =	vld [tilespmem:s6+$0x80];
	_ =	sdelay $0x4  }
0xa6: {  	[tilespmem:$0x880] =	vst v63  }
0xa7: {  	v0 =	vld [tilespmem:s6+$0x90];
	_ =	sdelay $0x2  }
0xa8: {  	s28 =	sshll.u32 s20, $0x7  }
0xa9: {  	s6 =	sadd.s32 $0x400, s28  }
0xaa: {  	s6 =	sand.u32 $0x380, s6;
	[tilespmem:$0x890] =	vst v0  }
0xab: {  	v0 =	vld [tilespmem:s6+$0x480];
	_ =	sdelay $0x4  }
0xac: {  	[tilespmem:$0x8A0] =	vst v0  }
0xad: {  	v0 =	vld [tilespmem:s6+$0x490];
	_ =	sdelay $0x3  }
0xae: {  	s29 =	rddreg [dreg:$0x8]  }
0xaf: {  	s30 =	rddreg [dreg:$0x7];
	[tilespmem:$0x8B0] =	vst v0  }
0xb0: {  	[tilespmem:s7], [sflag:$0x1] =	stream.indirect.gather [hbm4b:s3+s29], $0x80, s30, s29, $0xb8;
	[tilespmem:$0x4900] =	vst v63  }
0xb1: {  	_ =	swait.ge [sflag:s5], $0x2000  }
0xb2: {  	[sflag:s5] =	ssyncset.done $0x0  }
0xb3: {  	s31 =	rddreg [dreg:$0x9];
	[sflag:s5] =	ssyncadd.s32 $0xFFFFE000  }
0xb4: {  	[hbm4b:s31+s2] =	stream.linear.scatter [tilespmem:s7], [sflag:$0x3], $0x2000, $0x38;
	[tilespmem:$0x4900] =	vst v63  }
0xb5: {  	_ =	swait.ge [sflag:s4], $0x2000  }
0xb6: {  	[sflag:s4] =	ssyncset.done $0x0  }
0xb7: {  	s2 =	simm.s32 @!p0 $0x2;
	[sflag:s4] =	ssyncadd.s32 $0xFFFFE000  }
0xb8: {  	_ =	swait.ge @!p0 [sflag:s2], $0x2000  }
0xb9: {  	s3 =	rddreg [dreg:$0xa];
	[sflag:s2] =	ssyncset.done @!p0 $0x0  }
0xba: {  	s4 =	rddreg [dreg:$0xb];
	[sflag:s2] =	ssyncadd.s32 @!p0 $0xFFFFE000;
	s2 =	simm.s32 @!p0 $0x3  }
0xbb: {  	[hbm4b:s3+s9] =	stream.linear.scatter @!p0 [tilespmem:s4], [sflag:$0x3], $0x400, $0x38;
	[tilespmem:$0x4900] =	vst v63  }
0xbc: {  	_ =	swait.ge @!p0 [sflag:s2], $0x400  }
0xbd: {  	[sflag:s2] =	ssyncset.done @!p0 $0x0  }
0xbe: {  	[sflag:s2] =	ssyncadd.s32 @!p0 $0xFFFFFC00  }
0xbf: {  	_ =	sfence.sel $0x180000  }
0xc0: {  	[bflag:$0x0] =	sbarrier.arrive $0xFFFF  }
0xc1: {  	p0 =	sne.s32 s1, $0x0;
	_ =	strace $0x9000004A  }
0xc2: {  	s0 =	sadd.s32 @!p0 $0x100000, s0;
	[bflag:$0x2] =	sbarrier.arrive $0xFFFF  }
0xc3: {  	[sflag:s0] =	ssyncadd.tile.s32 @!p0 $0x1;
	_ =	shalt  }
.Lfunc_end2:
_tile_overlayer_lowered:
.L_overlay_start_2:
0xc4: {  	(tag) =	ssettag $0x2  }
0xc5: {  	s0 =	rddreg [dreg:$0x0];
	s2 =	stileid.u32  }
0xc6: {  	s1 =	rddreg [dreg:$0x1];
	p0 =	sne.s32 s2, $0x0  }
0xc7: {  	s3 =	rddreg [dreg:$0x2];
	[bflag:$0x3] =	sbarrier.arrive $0xFFFF;
	s2 =	simm.s32 @!p0 $0x1C03  }
0xc8: {  	[timem:s3], [sflag:s2] =	dma.local @!p0 [hbm:s0], s1  }
0xc9: {  	s0 =	simm.s32 @!p0 $0x3  }
0xca: {  	_ =	swait.ge @!p0 [sflag:s0], s1  }
0xcb: {  	s1 =	ssub.s32 @!p0 $0x0, s1;
	[sflag:s0] =	ssyncset.done @!p0 $0x0  }
0xcc: {  	[sflag:s0] =	ssyncadd.s32 @!p0 s1  }
0xcd: {  	[bflag:$0x3] =	sbarrier.arrive $0xFFFF  }
0xce: {  	_ =	shalt  }

// kernel: kernel.14.cloned.1.call-start
scs
__scs_entry_jumppad:
0x0: {  	(pc) =	sbr.rel $0x88, $3  }
0x1: {  	(tag) =	ssettag $0x0;
	lr =	simm.s32 $0x1  }
0x2: {  	[smem:$0x3F93] =	sst lr;
	_ =	strace $0xD0000000  }
0x3: {  	_ = 	snop  }
0x4: {  	_ = 	snop  }
0x5: {  	_ = 	snop  }
0x6: {  	_ = 	snop  }
0x7: {  	_ = 	snop  }
__scs_overlays_trampoline_lowered:
0x8: {  	[smem:$0x3FA2] =	sst s0  }
0x9: {  	[smem:$0x3FA3] =	sst s1  }
0xa: {  	[smem:$0x3FA4] =	sst s2  }
0xb: {  	[smem:$0x3FA5] =	sst s3  }
0xc: {  	[smem:$0x3FA6] =	sst s4  }
0xd: {  	[smem:$0x3FA7] =	sst s5  }
0xe: {  	[smem:$0x3FA8] =	sst s6  }
0xf: {  	[smem:$0x3FA9] =	sst s7  }
0x10: {  	[smem:$0x3FAA] =	sst s8  }
0x11: {  	[smem:$0x3FAB] =	sst s9;
	s0 =	simm.s32 @!p0 $0x0  }
0x12: {  	s1 =	sld [smem:$0x3F91];
	s0 =	simm.s32 @p0 $0x1  }
0x13: {  	[smem:$0x3FAC] =	sst s0;
	s0 =	simm.s32 @!p1 $0x0  }
0x14: {  	s2 =	sld [smem:$0x3F90];
	s0 =	simm.s32 @p1 $0x1  }
0x15: {  	[smem:$0x3FAD] =	sst s0;
	s0 =	simm.s32 @!p2 $0x0  }
0x16: {  	s3 =	sld [smem:$0x3FDB];
	s0 =	simm.s32 @p2 $0x1  }
0x17: {  	s4 =	simm.s32 $0x1BF5;
	[smem:$0x3FAF] =	sst s0  }
0x18: {  	s0 =	sld [smem:$0x3F92];
	_ =	swait.ge [sflag:s4], $0x0  }
0x19: {  	s7 =	sld [smem:$0x3F93]  }
0x1a: {  	s8 =	sadd.s32 $0xFFFFE003, lr  }
0x1b: {  	s9 =	sadd.s32 $0xFFFFFEF7, lr;
	s5 =	simm.s32 $0xFFFFFFFF;
	p2 =	slt.u32 s8, $0xFFFFF086  }
0x1c: {  	p1 =	slt.u32 s9, $0xF7A;
	s5 =	simm.s32 @!p2 $0x0  }
0x1d: {  	s5 =	simm.s32 @p1 $0x1;
	p0 =	seq.s32 s7, s2  }
0x1e: {  	s7 =	smul.u32 @!p0 $0xF7A, s2;
	p2 =	seq.s32 @!p0 s5, $0x0  }
0x1f: {  	s9 =	smul.u32 $0xF7A, s1;
	s8 =	simm.s32 @!p0 $0x1BF5;
	p2 =	por !p2, p0  }
0x20: {  	[sflag:s8] =	ssyncset.s32 @!p0 $0xFFFFF086;
	s6 =	sadd.s32 @!p0 s3, s7;
	s7 =	simm.s32 @!p0 $0x108  }
0x21: {  	s3 =	sadd.s32 s3, s9;
	s6 =	sadd.s32 @!p0 $0x88, s6;
	s7 =	simm.s32 @p2 $0x1082  }
0x22: {  	[simem:s7], [sflag:s8] =	dma.local @!p0 [hbm:s6], $0xF7A  }
0x23: {  	s9 =	sor.u32 $0xD0000000, s2;
	s6 =	simm.s32 $0x108;
	_ =	swait.ge @!p0 [sflag:s8], $0x0  }
0x24: {  	s3 =	sadd.s32 $0x88, s3;
	s6 =	simm.s32 @!p1 $0x1082;
	[sflag:s4] =	ssyncset.s32 $0xFFFFF086  }
0x25: {  	[simem:s6], [sflag:s4] =	dma.local [hbm:s3], $0xF7A  }
0x26: {  	[smem:$0x3F93] =	sst s1;
	(tag) =	ssettag s2;
	_ =	strace s9  }
0x27: {  	s1 =	sld [smem:$0x3FA3]  }
0x28: {  	s2 =	sld [smem:$0x3FA4]  }
0x29: {  	s4 =	sld [smem:$0x3FA6]  }
0x2a: {  	p0 =	seq.s32 s5, $0x0;
	s5 =	sld [smem:$0x3FA7]  }
0x2b: {  	s6 =	sld [smem:$0x3FA8]  }
0x2c: {  	s7 =	sld [smem:$0x3FA9]  }
0x2d: {  	s3 =	simm.s32 $0x108;
	s8 =	sld [smem:$0x3FAA]  }
0x2e: {  	s3 =	simm.s32 @!p0 $0x1082;
	s9 =	sld [smem:$0x3FAB]  }
0x2f: {  	lr =	sadd.s32 s0, s3;
	s0 =	sld [smem:$0x3FA2]  }
0x30: {  	s3 =	sld [smem:$0x3FA5]  }
0x31: {  	[smem:$0x3FAE] =	sst s10  }
0x32: {  	s10 =	sld [smem:$0x3FAC];
	_ =	sdelay $0x3  }
0x33: {  	p0 =	seq.s32 s10, $0x1;
	s10 =	sld [smem:$0x3FAE];
	_ =	sdelay $0x3  }
0x34: {  	[smem:$0x3FAE] =	sst s10  }
0x35: {  	s10 =	sld [smem:$0x3FAD];
	_ =	sdelay $0x3  }
0x36: {  	p1 =	seq.s32 s10, $0x1;
	s10 =	sld [smem:$0x3FAE];
	_ =	sdelay $0x3  }
0x37: {  	[smem:$0x3FAE] =	sst s10  }
0x38: {  	s10 =	sld [smem:$0x3FAF]  }
0x39: {  	_ = 	snop;
	(pc) =	sbr.ind lr, $3  }
0x3a: {  	_ = 	snop  }
0x3b: {  	_ = 	snop  }
0x3c: {  	p2 =	seq.s32 s10, $0x1;
	s10 =	sld [smem:$0x3FAE]  }
0x3d: {  	_ =	shalt  }
0x3e: {  	_ =	shalt  }
0x3f: {  	_ =	shalt  }
0x40: {  	_ =	shalt  }
0x41: {  	_ =	shalt  }
0x42: {  	_ =	shalt  }
0x43: {  	_ =	shalt  }
0x44: {  	_ =	shalt  }
0x45: {  	_ =	shalt  }
0x46: {  	_ =	shalt  }
0x47: {  	_ =	shalt  }
0x48: {  	_ =	shalt  }
0x49: {  	_ =	shalt  }
0x4a: {  	_ =	shalt  }
0x4b: {  	_ =	shalt  }
0x4c: {  	_ =	shalt  }
0x4d: {  	_ =	shalt  }
0x4e: {  	_ =	shalt  }
0x4f: {  	_ =	shalt  }
0x50: {  	_ =	shalt  }
0x51: {  	_ =	shalt  }
0x52: {  	_ =	shalt  }
0x53: {  	_ =	shalt  }
0x54: {  	_ =	shalt  }
0x55: {  	_ =	shalt  }
0x56: {  	_ =	shalt  }
0x57: {  	_ =	shalt  }
0x58: {  	_ =	shalt  }
0x59: {  	_ =	shalt  }
0x5a: {  	_ =	shalt  }
0x5b: {  	_ =	shalt  }
0x5c: {  	_ =	shalt  }
0x5d: {  	_ =	shalt  }
0x5e: {  	_ =	shalt  }
0x5f: {  	_ =	shalt  }
0x60: {  	_ =	shalt  }
0x61: {  	_ =	shalt  }
0x62: {  	_ =	shalt  }
0x63: {  	_ =	shalt  }
0x64: {  	_ =	shalt  }
0x65: {  	_ =	shalt  }
0x66: {  	_ =	shalt  }
0x67: {  	_ =	shalt  }
0x68: {  	_ =	shalt  }
0x69: {  	_ =	shalt  }
0x6a: {  	_ =	shalt  }
0x6b: {  	_ =	shalt  }
0x6c: {  	_ =	shalt  }
0x6d: {  	_ =	shalt  }
0x6e: {  	_ =	shalt  }
0x6f: {  	_ =	shalt  }
0x70: {  	_ =	shalt  }
0x71: {  	_ =	shalt  }
0x72: {  	_ =	shalt  }
0x73: {  	_ =	shalt  }
0x74: {  	_ =	shalt  }
0x75: {  	_ =	shalt  }
0x76: {  	_ =	shalt  }
0x77: {  	_ =	shalt  }
0x78: {  	_ =	shalt  }
0x79: {  	_ =	shalt  }
0x7a: {  	_ =	shalt  }
0x7b: {  	_ =	shalt  }
0x7c: {  	_ =	shalt  }
0x7d: {  	_ =	shalt  }
0x7e: {  	_ =	shalt  }
0x7f: {  	_ =	shalt  }
0x80: {  	_ =	shalt  }
0x81: {  	_ =	shalt  }
0x82: {  	_ =	shalt  }
0x83: {  	_ =	shalt  }
0x84: {  	_ =	shalt  }
0x85: {  	_ =	shalt  }
0x86: {  	_ =	shalt  }
0x87: {  	_ =	shalt  }
.Lfunc_end0:
.L_simem_size_0:
called_computation.2_lowered:
.L_overlay_start_0:
0x88: {  	s2 =	sld [smem:$0x3FD9]  }
0x89: {  	s3 =	sld [smem:$0x3FFE];
	_ =	sdelay $0x1  }
0x8a: {  	s1 =	srdreg.scid  }
0x8b: {  	s0 =	sand.u32 $0x1, s1  }
0x8c: {  	s17 =	sshll.u32 s0, $0xA;
	s2 =	sadd.s32 s3, s2  }
0x8d: {  	s2 =	sadd.s32 s2, s17  }
0x8e: {  	[smem:$0x3FBA] =	sst s2  }
0x8f: {  	_ = 	snop  }
0x90: {  	s2 =	sld [smem:$0x3FC5]  }
0x91: {  	s18 =	sld [smem:$0x3FD0];
	(tm) =	ssettm $0x1  }
0x92: {  	s4 =	sld [smem:$0x3FFB];
	_ =	sdelay $0x3  }
0x93: {  	_ =	strace s4  }
0x94: {  	s4 =	sld [smem:$0x3FFC];
	_ =	sdelay $0x3  }
0x95: {  	_ =	strace s4  }
0x96: {  	s4 =	sld [smem:$0x3FFD];
	_ =	sdelay $0x3  }
0x97: {  	_ =	strace s4  }
0x98: {  	_ =	strace $0x8FFFFFFF  }
0x99: {  	s19 =	sld [smem:$0x3FDB];
	_ =	sdelay $0x1  }
0x9a: {  	s5 =	simm.s32 $_scs_section_size  }
0x9b: {  	s6 =	simm.s32 $_size__tile_overlayer_lowered;
	s7 =	simm.s32 $_tile_overlayer_lowered  }
0x9c: {  	s22 =	simm.s32 $0x1BFF;
	s21 =	sshll.u32 s7, $0x1;
	s4 =	sadd.s32 s5, s19  }
0x9d: {  	s8 =	simm.s32 $0x0;
	s20 =	sshll.u32 s6, $0x1;
	s6 =	sadd.s32 s21, s4  }
0x9e: {  	[timem:s8], [sflag:s22] =	dma.local [hbm:s6], s20  }
0x9f: {  	_ =	swait.ge [sflag:s22], s20  }
0xa0: {  	s5 =	ssub.s32 $0x0, s20;
	[sflag:s22] =	ssyncset.done $0x0  }
0xa1: {  	[sflag:s22] =	ssyncadd.s32 s5;
	_ =	sdelay $0x1  }
0xa2: {  	s23 =	simm.s32 $0x1B8B  }
0xa3: {  	_ =	swait.ge [sflag:s23], $0x1  }
0xa4: {  	[sflag:s23] =	ssyncset.done $0x0  }
0xa5: {  	s25 =	simm.s32 $0x1B8E;
	s24 =	sld [smem:$0x3FFE];
	[sflag:s23] =	ssyncadd.s32 $0xFFFFFFFF  }
0xa6: {  	s26 =	simm.s32 $execute0_lowered;
	[smem:$0x3FD2] =	sst s25  }
0xa7: {  	s6 =	sshll.u32 s26, $0x1;
	_ =	strace $0x8000004C;
	[dreg:$0x1] =	wrdreg $0xFFFFFFFF  }
0xa8: {  	s28 =	simm.s32 $_size_execute0_lowered;
	s4 =	sadd.s32 s4, s6;
	[dreg:$0x0] =	wrdreg $0x0  }
0xa9: {  	s6 =	sshll.u32 s28, $0x1;
	[dreg:$0x2] =	wrdreg s4  }
0xaa: {  	[dreg:$0x3] =	wrdreg s6  }
0xab: {  	[dreg:$0x4] =	wrdreg $0xC0  }
0xac: {  	_ =	task [dreg:s8], $0x5FFFF  }
0xad: {  	[dreg:$0x1] =	wrdreg $0xFFFFFFFF  }
0xae: {  	[dreg:$0x0] =	wrdreg $0x60  }
0xaf: {  	[dreg:$0x2] =	wrdreg s2  }
0xb0: {  	[dreg:$0x3] =	wrdreg s24  }
0xb1: {  	[dreg:$0x4] =	wrdreg s18  }
0xb2: {  	[dreg:$0x5] =	wrdreg $0x9  }
0xb3: {  	_ =	task.clear_ibuf [dreg:s8], $0x6FFFF;
	_ =	strace $0x9000004C  }
0xb4: {  	s29 =	simm.s32 $0x9;
	_ =	strace $0x8000004E  }
0xb5: {  	_ =	swait.ge [sflag:s29], $0x1  }
0xb6: {  	[sflag:s29] =	ssyncadd.s32 $0xFFFFFFFF  }
0xb7: {  	_ =	strace $0x9000004E  }
0xb8: {  	_ =	sfence  }
0xb9: {  	s30 =	sld [smem:$0x0];
	_ =	sdelay $0x2  }
0xba: {  	s31 =	sshll.u32 s1, $0xD;
	s1 =	sshrl.u32 s1, $0x2  }
0xbb: {  	s3 =	sand.u32 $0x4000, s31;
	s1 =	sadd.s32 s1, s30  }
0xbc: {  	s0 =	sor.u32 s3, s0;
	s1 =	sshll.u32 s1, $0x11  }
0xbd: {  	s0 =	sor.u32 s1, s0  }
0xbe: {  	s0 =	sadd.s32 $0x8F2B, s0  }
0xbf: {  	[sflag:s0] =	ssyncadd.remote.s32 $0x1  }
0xc0: {  	_ =	sfence.sel $0xFFFF  }
0xc1: {  	[dreg:$0x0] =	wrdreg $0xFFFFFFFF;
	(pc) =	sbr.abs _section_cstart, $3  }
0xc2: {  	[dreg:$0x1] =	wrdreg $0xFFFFFFFF  }
0xc3: {  	_ =	task.clear_ibuf [dreg:s8], $0x2FFFF;
	_ =	strace $0x9FFFFFFF  }
0xc4: {  	(tm) =	ssettm $0x7FFFFFFF  }
0xc5: {  	_ =	shalt  }
tec
execute0_lowered:
.L_overlay_start_1:
0x0: {  	(tag) =	ssettag $0x1  }
0x1: {  	s3 =	rddreg [dreg:$0x0]  }
0x2: {  	s4 =	rddreg [dreg:$0x1]  }
0x3: {  	s5 =	rddreg [dreg:$0x2]  }
0x4: {  	s0 =	rddreg [dreg:$0x3];
	s2 =	simm.s32 $0x0;
	s6 =	srdreg.scid  }
0x5: {  	s1 =	stileid.u32;
	s28 =	simm.s32 $0x80;
	s29 =	simm.s32 $0x480  }
0x6: {  	s30 =	simm.s32 $0x40;
	s7 =	sand.u32 $0x1, s6;
	s8 =	sshll.u32 s1, $0x1  }
0x7: {  	s31 =	simm.s32 $0x880;
	s8 =	sor.u32 s7, s8;
	s7 =	ssub.s32 $0x2, s7  }
0x8: {  	[smem:$0x7FF] =	sst s2;
	s9 =	sadd.s32 $0x3600, s4;
	s25 =	sshrl.u32 s7, $0x1  }
0x9: {  	_ =	strace $0x8000004D;
	[dreg:$0x4] =	wrdreg s9;
	s7 =	ssub.s32 s7, s25  }
0xa: {  	p1 =	por $0x0, $0x0;
	[dreg:$0x5] =	wrdreg s28;
	s7 =	smax.u32 s7, $0x1  }
0xb: {  	s6 =	sadd.s32 $0xBA00, s4;
	[dreg:$0x6] =	wrdreg s29;
	s14 =	sadd.s32 $0xFFFFFFFF, s7  }
0xc: {  	p0 =	sgt.u32 s1, $0x3;
	[dreg:$0x8] =	wrdreg s30;
	p2 =	sne.s32 s14, $0x0  }
.Ltmp0:
0xd: {  	[dreg:$0x7] =	wrdreg s31;
	s10 =	sshll.u32 s8, $0xA;
	(pc) =	sbr.rel @!p2 .LBB2_3-.Ltmp0, $4  }
0xe: {  	s24 =	sshll.u32 s8, $0x7;
	s8 =	sshll.u32 s8, $0x1;
	s5 =	sadd.s32 s5, s10  }
0xf: {  	s4 =	sadd.s32 s24, s4;
	s26 =	sadd.s32 $0x2900, s10;
	[dreg:$0x9] =	wrdreg s5  }
0x10: {  	[dreg:$0xb] =	wrdreg s26;
	s4 =	sadd.s32 $0x3800, s4;
	s5 =	simm.s32 $0x1  }
0x11: {  	[dreg:$0xa] =	wrdreg s4;
	s4 =	simm.s32 $0x3;
	s7 =	simm.s32 $0x900  }
0x12: {  	s9 =	rddreg [dreg:$0x4]  }
0x13: {  	[tilespmem:s2], [sflag:$0x3] =	stream.linear.gather [hbm4b:s9+s2], $0x40, $0x38;
	[tilespmem:$0x4900] =	vst v63  }
0x14: {  	_ =	swait.ge [sflag:s4], $0x40  }
0x15: {  	s10 =	simm.s32 @!p0 $0x40;
	[sflag:s4] =	ssyncset.done $0x0  }
0x16: {  	s11 =	simm.s32 @!p0 $0x0;
	s9 =	simm.s32 @!p0 $0x2900;
	[sflag:s4] =	ssyncadd.s32 $0xFFFFFFC0  }
0x17: {  	[tilespmem:s9], [sflag:$0x2] =	stream.indirect.gather @!p0 [hbm4b:s3+s10], $0x80, s11, s10, $0xb8;
	[tilespmem:$0x4900] =	vst v63  }
0x18: {  	v0 =	vld [tilespmem:s8+$0x0]  }
0x19: {  	v1 =	vld [tilespmem:s8+$0x1];
	_ =	sdelay $0x3  }
0x1a: {  	(v2sf) =	vpush v0, $0x0  }
0x1b: {  	(v2sf) =	vpush v1, $0x0;
	_ =	sdelay $0xd  }
0x1c: {  	s12 =	spop (v2sf)  }
0x1d: {  	s13 =	sshra.s32 s12, $0x1F;
	s15 =	spop (v2sf)  }
0x1e: {  	s13 =	sshrl.u32 s13, $0x1D;
	s16 =	sshra.s32 s15, $0x1F  }
0x1f: {  	s13 =	sadd.s32 s13, s12;
	s16 =	sshrl.u32 s16, $0x1D  }
0x20: {  	s18 =	simm.s32 $0x1;
	s17 =	sand.u32 $0xFFFFFFF8, s13;
	s16 =	sadd.s32 s16, s15  }
0x21: {  	p1 =	slt.s32 s12, $0x1;
	p2 =	sne.s32 s12, s17;
	s23 =	sand.u32 $0xFFFFFFF8, s16  }
0x22: {  	p6 =	slt.s32 s15, $0x1;
	p1 =	por !p1, !p2;
	p3 =	sne.s32 s15, s23  }
0x23: {  	s17 =	simm.s32 $0x1;
	p1 =	por !p1, !p1;
	p2 =	por !p6, !p3  }
0x24: {  	s13 =	sshrl.u32 s13, $0x3;
	s17 =	simm.s32 @!p1 $0x0;
	p1 =	por !p2, !p2  }
0x25: {  	s16 =	sshrl.u32 s16, $0x3;
	s13 =	ssub.s32 s13, s17;
	s18 =	simm.s32 @!p1 $0x0  }
0x26: {  	s13 =	sshll.u32 s13, $0x7;
	s16 =	ssub.s32 s16, s18  }
0x27: {  	s13 =	sand.u32 $0x1FFFFF80, s13;
	s16 =	sshll.u32 s16, $0x7  }
0x28: {  	s24 =	rddreg [dreg:$0x5];
	s13 =	sadd.s32 s6, s13;
	s16 =	sand.u32 $0x1FFFFF80, s16  }
0x29: {  	[tilespmem:s24], [sflag:$0x1] =	stream.linear.gather [hbm4b:s13+s2], $0x400, $0x38;
	[tilespmem:$0x4900] =	vst v63  }
0x2a: {  	s25 =	rddreg [dreg:$0x6];
	s26 =	sadd.s32 s6, s16  }
0x2b: {  	[tilespmem:s25], [sflag:$0x1] =	stream.linear.gather [hbm4b:s26+s2], $0x400, $0x38;
	[tilespmem:$0x4900] =	vst v63  }
0x2c: {  	_ =	swait.ge [sflag:s5], $0x400  }
0x2d: {  	[sflag:s5] =	ssyncset.done $0x0  }
0x2e: {  	[sflag:s5] =	ssyncadd.s32 $0xFFFFFC00  }
0x2f: {  	s12 =	sshll.u32 s12, $0x7;
	_ =	swait.ge [sflag:s5], $0x400  }
0x30: {  	s12 =	sadd.s32 $0x400, s12;
	[sflag:s5] =	ssyncset.done $0x0  }
0x31: {  	s12 =	sand.u32 $0x380, s12;
	[sflag:s5] =	ssyncadd.s32 $0xFFFFFC00  }
0x32: {  	v63 =	vld [tilespmem:s12+$0x80];
	_ =	sdelay $0x4  }
0x33: {  	[tilespmem:$0x880] =	vst v63  }
0x34: {  	v0 =	vld [tilespmem:s12+$0x90];
	_ =	sdelay $0x2  }
0x35: {  	s28 =	sshll.u32 s15, $0x7  }
0x36: {  	s12 =	sadd.s32 $0x400, s28  }
0x37: {  	s12 =	sand.u32 $0x380, s12;
	[tilespmem:$0x890] =	vst v0  }
0x38: {  	v0 =	vld [tilespmem:s12+$0x480];
	_ =	sdelay $0x4  }
0x39: {  	[tilespmem:$0x8A0] =	vst v0  }
0x3a: {  	v0 =	vld [tilespmem:s12+$0x490];
	_ =	sdelay $0x3  }
0x3b: {  	s29 =	rddreg [dreg:$0x8]  }
0x3c: {  	s30 =	rddreg [dreg:$0x7];
	[tilespmem:$0x8B0] =	vst v0  }
0x3d: {  	[tilespmem:s7], [sflag:$0x1] =	stream.indirect.gather [hbm4b:s3+s29], $0x80, s30, s29, $0xb8;
	[tilespmem:$0x4900] =	vst v63  }
0x3e: {  	_ =	swait.ge [sflag:s5], $0x2000  }
0x3f: {  	[sflag:s5] =	ssyncset.done $0x0  }
0x40: {  	s31 =	rddreg [dreg:$0x9];
	[sflag:s5] =	ssyncadd.s32 $0xFFFFE000  }
0x41: {  	[hbm4b:s31+s2] =	stream.linear.scatter [tilespmem:s7], [sflag:$0x3], $0x2000, $0x38;
	[tilespmem:$0x4900] =	vst v63  }
0x42: {  	_ =	swait.ge [sflag:s4], $0x2000  }
0x43: {  	[sflag:s4] =	ssyncset.done $0x0  }
0x44: {  	s14 =	sadd.s32 $0xFFFFFFFF, s14;
	s13 =	simm.s32 @!p0 $0x2;
	[sflag:s4] =	ssyncadd.s32 $0xFFFFE000  }
0x45: {  	p2 =	sne.s32 s14, $0x0;
	_ =	swait.ge @!p0 [sflag:s13], $0x2000  }
.Ltmp1:
0x46: {  	s12 =	rddreg [dreg:$0xa];
	[sflag:s13] =	ssyncset.done @!p0 $0x0;
	(pc) =	sbr.rel @!p2 .LBB2_3-.Ltmp1, $4  }
0x47: {  	s15 =	rddreg [dreg:$0xb];
	[sflag:s13] =	ssyncadd.s32 @!p0 $0xFFFFE000  }
0x48: {  	[hbm4b:s12+s11] =	stream.linear.scatter @!p0 [tilespmem:s15], [sflag:$0x3], $0x400, $0x38;
	[tilespmem:$0x4900] =	vst v63  }
0x49: {  	s12 =	simm.s32 @!p0 $0x3  }
0x4a: {  	p1 =	por $0x1, $0x1;
	_ =	swait.ge @!p0 [sflag:s12], $0x400  }
.LBB2_2:
0x4b: {  	[sflag:s12] =	ssyncset.done @!p0 $0x0  }
0x4c: {  	s15 =	rddreg [dreg:$0x4];
	[sflag:s12] =	ssyncadd.s32 @!p0 $0xFFFFFC00  }
0x4d: {  	[tilespmem:s2], [sflag:$0x3] =	stream.linear.gather [hbm4b:s15+s2], $0x40, $0x38;
	[tilespmem:$0x4900] =	vst v63  }
0x4e: {  	_ =	swait.ge [sflag:s4], $0x40  }
0x4f: {  	[sflag:s4] =	ssyncset.done $0x0  }
0x50: {  	[sflag:s4] =	ssyncadd.s32 $0xFFFFFFC0  }
0x51: {  	[tilespmem:s9], [sflag:$0x2] =	stream.indirect.gather @!p0 [hbm4b:s3+s10], $0x80, s11, s10, $0xb8;
	[tilespmem:$0x4900] =	vst v63  }
0x52: {  	v0 =	vld [tilespmem:s8+$0x0]  }
0x53: {  	v1 =	vld [tilespmem:s8+$0x1];
	_ =	sdelay $0x3  }
0x54: {  	(v2sf) =	vpush v0, $0x0  }
0x55: {  	(v2sf) =	vpush v1, $0x0;
	_ =	sdelay $0xd  }
0x56: {  	s16 =	spop (v2sf)  }
0x57: {  	s28 =	sshra.s32 s16, $0x1F;
	s18 =	spop (v2sf)  }
0x58: {  	s17 =	sshll.u32 s16, $0x7;
	s15 =	sshrl.u32 s28, $0x1D;
	s19 =	sshra.s32 s18, $0x1F  }
0x59: {  	p3 =	slt.s32 s16, $0x1;
	s20 =	sadd.s32 s15, s16;
	s29 =	sshrl.u32 s19, $0x1D  }
0x5a: {  	s30 =	sshll.u32 s18, $0x7;
	s21 =	sand.u32 $0xFFFFFFF8, s20;
	s22 =	sadd.s32 s29, s18  }
0x5b: {  	p6 =	slt.s32 s18, $0x1;
	p4 =	sne.s32 s16, s21;
	s19 =	sand.u32 $0xFFFFFFF8, s22  }
0x5c: {  	s21 =	sshrl.u32 s20, $0x3;
	p3 =	por !p3, !p4;
	p5 =	sne.s32 s18, s19  }
0x5d: {  	s18 =	simm.s32 $0x1;
	p3 =	por !p3, !p3;
	p4 =	por !p6, !p5  }
0x5e: {  	s19 =	simm.s32 $0x1;
	s18 =	simm.s32 @!p3 $0x0;
	p3 =	por !p4, !p4  }
0x5f: {  	s23 =	sshrl.u32 s22, $0x3;
	s16 =	ssub.s32 s21, s18;
	s19 =	simm.s32 @!p3 $0x0  }
0x60: {  	s16 =	sshll.u32 s16, $0x7;
	s18 =	ssub.s32 s23, s19  }
0x61: {  	s16 =	sand.u32 $0x1FFFFF80, s16;
	s18 =	sshll.u32 s18, $0x7  }
0x62: {  	s24 =	rddreg [dreg:$0x5];
	s16 =	sadd.s32 s6, s16;
	s18 =	sand.u32 $0x1FFFFF80, s18  }
0x63: {  	[tilespmem:s24], [sflag:$0x1] =	stream.linear.gather [hbm4b:s16+s2], $0x400, $0x38;
	[tilespmem:$0x4900] =	vst v63  }
0x64: {  	s25 =	rddreg [dreg:$0x6];
	s26 =	sadd.s32 s6, s18  }
0x65: {  	[tilespmem:s25], [sflag:$0x1] =	stream.linear.gather [hbm4b:s26+s2], $0x400, $0x38;
	[tilespmem:$0x4900] =	vst v63  }
0x66: {  	_ =	swait.ge [sflag:s5], $0x400  }
0x67: {  	[sflag:s5] =	ssyncset.done $0x0  }
0x68: {  	[sflag:s5] =	ssyncadd.s32 $0xFFFFFC00  }
0x69: {  	_ =	swait.ge [sflag:s5], $0x400  }
0x6a: {  	s17 =	sadd.s32 $0x400, s17;
	[sflag:s5] =	ssyncset.done $0x0  }
0x6b: {  	s28 =	sand.u32 $0x380, s17;
	[sflag:s5] =	ssyncadd.s32 $0xFFFFFC00  }
0x6c: {  	v63 =	vld [tilespmem:s28+$0x80];
	_ =	sdelay $0x4  }
0x6d: {  	[tilespmem:$0x880] =	vst v63  }
0x6e: {  	v0 =	vld [tilespmem:s28+$0x90];
	_ =	sdelay $0x3  }
0x6f: {  	s31 =	sadd.s32 $0x400, s30  }
0x70: {  	s15 =	sand.u32 $0x380, s31;
	[tilespmem:$0x890] =	vst v0  }
0x71: {  	v0 =	vld [tilespmem:s15+$0x480];
	_ =	sdelay $0x4  }
0x72: {  	[tilespmem:$0x8A0] =	vst v0  }
0x73: {  	v0 =	vld [tilespmem:s15+$0x490];
	_ =	sdelay $0x3  }
0x74: {  	s29 =	rddreg [dreg:$0x8]  }
0x75: {  	s30 =	rddreg [dreg:$0x7];
	[tilespmem:$0x8B0] =	vst v0  }
0x76: {  	[tilespmem:s7], [sflag:$0x1] =	stream.indirect.gather [hbm4b:s3+s29], $0x80, s30, s29, $0xb8;
	[tilespmem:$0x4900] =	vst v63  }
0x77: {  	_ =	swait.ge [sflag:s5], $0x2000  }
0x78: {  	[sflag:s5] =	ssyncset.done $0x0  }
0x79: {  	s31 =	rddreg [dreg:$0x9];
	[sflag:s5] =	ssyncadd.s32 $0xFFFFE000  }
0x7a: {  	[hbm4b:s31+s2] =	stream.linear.scatter [tilespmem:s7], [sflag:$0x3], $0x2000, $0x38;
	[tilespmem:$0x4900] =	vst v63  }
0x7b: {  	_ =	swait.ge [sflag:s4], $0x2000  }
0x7c: {  	s14 =	sadd.s32 $0xFFFFFFFF, s14;
	[sflag:s4] =	ssyncset.done $0x0  }
0x7d: {  	p2 =	sne.s32 s14, $0x0;
	[sflag:s4] =	ssyncadd.s32 $0xFFFFE000  }
.Ltmp2:
0x7e: {  	_ =	swait.ge @!p0 [sflag:s13], $0x2000;
	(pc) =	sbr.rel @p2 .LBB2_2-.Ltmp2, $4  }
0x7f: {  	s15 =	rddreg [dreg:$0xa];
	[sflag:s13] =	ssyncset.done @!p0 $0x0  }
0x80: {  	s16 =	rddreg [dreg:$0xb];
	[sflag:s13] =	ssyncadd.s32 @!p0 $0xFFFFE000  }
0x81: {  	[hbm4b:s15+s11] =	stream.linear.scatter @!p0 [tilespmem:s16], [sflag:$0x3], $0x400, $0x38;
	[tilespmem:$0x4900] =	vst v63  }
0x82: {  	_ =	swait.ge @!p0 [sflag:s12], $0x400  }
.LBB2_3:
0x83: {  	p1 =	por p0, !p1  }
0x84: {  	[sflag:s12] =	ssyncset.done @!p1 $0x0  }
0x85: {  	s9 =	rddreg [dreg:$0x4];
	[sflag:s12] =	ssyncadd.s32 @!p1 $0xFFFFFC00  }
0x86: {  	[tilespmem:s2], [sflag:$0x3] =	stream.linear.gather [hbm4b:s9+s2], $0x40, $0x38;
	[tilespmem:$0x4900] =	vst v63  }
0x87: {  	_ =	swait.ge [sflag:s4], $0x40  }
0x88: {  	s10 =	simm.s32 @!p0 $0x2900;
	[sflag:s4] =	ssyncset.done $0x0  }
0x89: {  	s11 =	simm.s32 @!p0 $0x40;
	s9 =	simm.s32 @!p0 $0x0;
	[sflag:s4] =	ssyncadd.s32 $0xFFFFFFC0  }
0x8a: {  	[tilespmem:s10], [sflag:$0x2] =	stream.indirect.gather @!p0 [hbm4b:s3+s11], $0x80, s9, s11, $0xb8;
	[tilespmem:$0x4900] =	vst v63  }
0x8b: {  	v0 =	vld [tilespmem:s8+$0x0]  }
0x8c: {  	v1 =	vld [tilespmem:s8+$0x1];
	_ =	sdelay $0x3  }
0x8d: {  	(v2sf) =	vpush v0, $0x0  }
0x8e: {  	(v2sf) =	vpush v1, $0x0;
	_ =	sdelay $0xd  }
0x8f: {  	s18 =	spop (v2sf)  }
0x90: {  	s19 =	sshra.s32 s18, $0x1F;
	s20 =	spop (v2sf)  }
0x91: {  	s10 =	sshrl.u32 s19, $0x1D;
	s21 =	sshra.s32 s20, $0x1F  }
0x92: {  	s10 =	sadd.s32 s10, s18;
	s12 =	sshrl.u32 s21, $0x1D  }
0x93: {  	s14 =	simm.s32 $0x1;
	s13 =	sand.u32 $0xFFFFFFF8, s10;
	s12 =	sadd.s32 s12, s20  }
0x94: {  	p5 =	slt.s32 s18, $0x1;
	p2 =	sne.s32 s18, s13;
	s22 =	sand.u32 $0xFFFFFFF8, s12  }
0x95: {  	p6 =	slt.s32 s20, $0x1;
	p1 =	por !p5, !p2;
	p3 =	sne.s32 s20, s22  }
0x96: {  	s13 =	simm.s32 $0x1;
	p1 =	por !p1, !p1;
	p2 =	por !p6, !p3  }
0x97: {  	s10 =	sshrl.u32 s10, $0x3;
	s13 =	simm.s32 @!p1 $0x0;
	p1 =	por !p2, !p2  }
0x98: {  	s12 =	sshrl.u32 s12, $0x3;
	s10 =	ssub.s32 s10, s13;
	s14 =	simm.s32 @!p1 $0x0  }
0x99: {  	s10 =	sshll.u32 s10, $0x7;
	s12 =	ssub.s32 s12, s14  }
0x9a: {  	s10 =	sand.u32 $0x1FFFFF80, s10;
	s12 =	sshll.u32 s12, $0x7  }
0x9b: {  	s23 =	rddreg [dreg:$0x5];
	s10 =	sadd.s32 s6, s10;
	s12 =	sand.u32 $0x1FFFFF80, s12  }
0x9c: {  	[tilespmem:s23], [sflag:$0x1] =	stream.linear.gather [hbm4b:s10+s2], $0x400, $0x38;
	[tilespmem:$0x4900] =	vst v63  }
0x9d: {  	s24 =	rddreg [dreg:$0x6];
	s25 =	sadd.s32 s6, s12  }
0x9e: {  	[tilespmem:s24], [sflag:$0x1] =	stream.linear.gather [hbm4b:s25+s2], $0x400, $0x38;
	[tilespmem:$0x4900] =	vst v63  }
0x9f: {  	_ =	swait.ge [sflag:s5], $0x400  }
0xa0: {  	[sflag:s5] =	ssyncset.done $0x0  }
0xa1: {  	[sflag:s5] =	ssyncadd.s32 $0xFFFFFC00  }
0xa2: {  	s26 =	sshll.u32 s18, $0x7;
	_ =	swait.ge [sflag:s5], $0x400  }
0xa3: {  	s6 =	sadd.s32 $0x400, s26;
	[sflag:s5] =	ssyncset.done $0x0  }
0xa4: {  	s6 =	sand.u32 $0x380, s6;
	[sflag:s5] =	ssyncadd.s32 $0xFFFFFC00  }
0xa5: {  	v63 =	vld [tilespmem:s6+$0x80];
	_ =	sdelay $0x4  }
0xa6: {  	[tilespmem:$0x880] =	vst v63  }
0xa7: {  	v0 =	vld [tilespmem:s6+$0x90];
	_ =	sdelay $0x2  }
0xa8: {  	s28 =	sshll.u32 s20, $0x7  }
0xa9: {  	s6 =	sadd.s32 $0x400, s28  }
0xaa: {  	s6 =	sand.u32 $0x380, s6;
	[tilespmem:$0x890] =	vst v0  }
0xab: {  	v0 =	vld [tilespmem:s6+$0x480];
	_ =	sdelay $0x4  }
0xac: {  	[tilespmem:$0x8A0] =	vst v0  }
0xad: {  	v0 =	vld [tilespmem:s6+$0x490];
	_ =	sdelay $0x3  }
0xae: {  	s29 =	rddreg [dreg:$0x8]  }
0xaf: {  	s30 =	rddreg [dreg:$0x7];
	[tilespmem:$0x8B0] =	vst v0  }
0xb0: {  	[tilespmem:s7], [sflag:$0x1] =	stream.indirect.gather [hbm4b:s3+s29], $0x80, s30, s29, $0xb8;
	[tilespmem:$0x4900] =	vst v63  }
0xb1: {  	_ =	swait.ge [sflag:s5], $0x2000  }
0xb2: {  	[sflag:s5] =	ssyncset.done $0x0  }
0xb3: {  	s31 =	rddreg [dreg:$0x9];
	[sflag:s5] =	ssyncadd.s32 $0xFFFFE000  }
0xb4: {  	[hbm4b:s31+s2] =	stream.linear.scatter [tilespmem:s7], [sflag:$0x3], $0x2000, $0x38;
	[tilespmem:$0x4900] =	vst v63  }
0xb5: {  	_ =	swait.ge [sflag:s4], $0x2000  }
0xb6: {  	[sflag:s4] =	ssyncset.done $0x0  }
0xb7: {  	s2 =	simm.s32 @!p0 $0x2;
	[sflag:s4] =	ssyncadd.s32 $0xFFFFE000  }
0xb8: {  	_ =	swait.ge @!p0 [sflag:s2], $0x2000  }
0xb9: {  	s3 =	rddreg [dreg:$0xa];
	[sflag:s2] =	ssyncset.done @!p0 $0x0  }
0xba: {  	s4 =	rddreg [dreg:$0xb];
	[sflag:s2] =	ssyncadd.s32 @!p0 $0xFFFFE000;
	s2 =	simm.s32 @!p0 $0x3  }
0xbb: {  	[hbm4b:s3+s9] =	stream.linear.scatter @!p0 [tilespmem:s4], [sflag:$0x3], $0x400, $0x38;
	[tilespmem:$0x4900] =	vst v63  }
0xbc: {  	_ =	swait.ge @!p0 [sflag:s2], $0x400  }
0xbd: {  	[sflag:s2] =	ssyncset.done @!p0 $0x0  }
0xbe: {  	[sflag:s2] =	ssyncadd.s32 @!p0 $0xFFFFFC00  }
0xbf: {  	_ =	sfence.sel $0x180000  }
0xc0: {  	[bflag:$0x0] =	sbarrier.arrive $0xFFFF  }
0xc1: {  	p0 =	sne.s32 s1, $0x0;
	_ =	strace $0x9000004D  }
0xc2: {  	s0 =	sadd.s32 @!p0 $0x100000, s0;
	[bflag:$0x2] =	sbarrier.arrive $0xFFFF  }
0xc3: {  	[sflag:s0] =	ssyncadd.tile.s32 @!p0 $0x1;
	_ =	shalt  }
.Lfunc_end2:
_tile_overlayer_lowered:
.L_overlay_start_2:
0xc4: {  	(tag) =	ssettag $0x2  }
0xc5: {  	s0 =	rddreg [dreg:$0x0];
	s2 =	stileid.u32  }
0xc6: {  	s1 =	rddreg [dreg:$0x1];
	p0 =	sne.s32 s2, $0x0  }
0xc7: {  	s3 =	rddreg [dreg:$0x2];
	[bflag:$0x3] =	sbarrier.arrive $0xFFFF;
	s2 =	simm.s32 @!p0 $0x1C03  }
0xc8: {  	[timem:s3], [sflag:s2] =	dma.local @!p0 [hbm:s0], s1  }
0xc9: {  	s0 =	simm.s32 @!p0 $0x3  }
0xca: {  	_ =	swait.ge @!p0 [sflag:s0], s1  }
0xcb: {  	s1 =	ssub.s32 @!p0 $0x0, s1;
	[sflag:s0] =	ssyncset.done @!p0 $0x0  }
0xcc: {  	[sflag:s0] =	ssyncadd.s32 @!p0 s1  }
0xcd: {  	[bflag:$0x3] =	sbarrier.arrive $0xFFFF  }
0xce: {  	_ =	shalt  }

// kernel: kernel.8.cloned.1.call-start
scs
__scs_entry_jumppad:
0x0: {  	(pc) =	sbr.rel $0x88, $3  }
0x1: {  	(tag) =	ssettag $0x0;
	lr =	simm.s32 $0x1  }
0x2: {  	[smem:$0x3F93] =	sst lr;
	_ =	strace $0xD0000000  }
0x3: {  	_ = 	snop  }
0x4: {  	_ = 	snop  }
0x5: {  	_ = 	snop  }
0x6: {  	_ = 	snop  }
0x7: {  	_ = 	snop  }
__scs_overlays_trampoline_lowered:
0x8: {  	[smem:$0x3FA2] =	sst s0  }
0x9: {  	[smem:$0x3FA3] =	sst s1  }
0xa: {  	[smem:$0x3FA4] =	sst s2  }
0xb: {  	[smem:$0x3FA5] =	sst s3  }
0xc: {  	[smem:$0x3FA6] =	sst s4  }
0xd: {  	[smem:$0x3FA7] =	sst s5  }
0xe: {  	[smem:$0x3FA8] =	sst s6  }
0xf: {  	[smem:$0x3FA9] =	sst s7  }
0x10: {  	[smem:$0x3FAA] =	sst s8  }
0x11: {  	[smem:$0x3FAB] =	sst s9;
	s0 =	simm.s32 @!p0 $0x0  }
0x12: {  	s1 =	sld [smem:$0x3F91];
	s0 =	simm.s32 @p0 $0x1  }
0x13: {  	[smem:$0x3FAC] =	sst s0;
	s0 =	simm.s32 @!p1 $0x0  }
0x14: {  	s2 =	sld [smem:$0x3F90];
	s0 =	simm.s32 @p1 $0x1  }
0x15: {  	[smem:$0x3FAD] =	sst s0;
	s0 =	simm.s32 @!p2 $0x0  }
0x16: {  	s3 =	sld [smem:$0x3FDB];
	s0 =	simm.s32 @p2 $0x1  }
0x17: {  	s4 =	simm.s32 $0x1BF5;
	[smem:$0x3FAF] =	sst s0  }
0x18: {  	s0 =	sld [smem:$0x3F92];
	_ =	swait.ge [sflag:s4], $0x0  }
0x19: {  	s7 =	sld [smem:$0x3F93]  }
0x1a: {  	s8 =	sadd.s32 $0xFFFFE003, lr  }
0x1b: {  	s9 =	sadd.s32 $0xFFFFFEF7, lr;
	s5 =	simm.s32 $0xFFFFFFFF;
	p2 =	slt.u32 s8, $0xFFFFF086  }
0x1c: {  	p1 =	slt.u32 s9, $0xF7A;
	s5 =	simm.s32 @!p2 $0x0  }
0x1d: {  	s5 =	simm.s32 @p1 $0x1;
	p0 =	seq.s32 s7, s2  }
0x1e: {  	s7 =	smul.u32 @!p0 $0xF7A, s2;
	p2 =	seq.s32 @!p0 s5, $0x0  }
0x1f: {  	s9 =	smul.u32 $0xF7A, s1;
	s8 =	simm.s32 @!p0 $0x1BF5;
	p2 =	por !p2, p0  }
0x20: {  	[sflag:s8] =	ssyncset.s32 @!p0 $0xFFFFF086;
	s6 =	sadd.s32 @!p0 s3, s7;
	s7 =	simm.s32 @!p0 $0x108  }
0x21: {  	s3 =	sadd.s32 s3, s9;
	s6 =	sadd.s32 @!p0 $0x88, s6;
	s7 =	simm.s32 @p2 $0x1082  }
0x22: {  	[simem:s7], [sflag:s8] =	dma.local @!p0 [hbm:s6], $0xF7A  }
0x23: {  	s9 =	sor.u32 $0xD0000000, s2;
	s6 =	simm.s32 $0x108;
	_ =	swait.ge @!p0 [sflag:s8], $0x0  }
0x24: {  	s3 =	sadd.s32 $0x88, s3;
	s6 =	simm.s32 @!p1 $0x1082;
	[sflag:s4] =	ssyncset.s32 $0xFFFFF086  }
0x25: {  	[simem:s6], [sflag:s4] =	dma.local [hbm:s3], $0xF7A  }
0x26: {  	[smem:$0x3F93] =	sst s1;
	(tag) =	ssettag s2;
	_ =	strace s9  }
0x27: {  	s1 =	sld [smem:$0x3FA3]  }
0x28: {  	s2 =	sld [smem:$0x3FA4]  }
0x29: {  	s4 =	sld [smem:$0x3FA6]  }
0x2a: {  	p0 =	seq.s32 s5, $0x0;
	s5 =	sld [smem:$0x3FA7]  }
0x2b: {  	s6 =	sld [smem:$0x3FA8]  }
0x2c: {  	s7 =	sld [smem:$0x3FA9]  }
0x2d: {  	s3 =	simm.s32 $0x108;
	s8 =	sld [smem:$0x3FAA]  }
0x2e: {  	s3 =	simm.s32 @!p0 $0x1082;
	s9 =	sld [smem:$0x3FAB]  }
0x2f: {  	lr =	sadd.s32 s0, s3;
	s0 =	sld [smem:$0x3FA2]  }
0x30: {  	s3 =	sld [smem:$0x3FA5]  }
0x31: {  	[smem:$0x3FAE] =	sst s10  }
0x32: {  	s10 =	sld [smem:$0x3FAC];
	_ =	sdelay $0x3  }
0x33: {  	p0 =	seq.s32 s10, $0x1;
	s10 =	sld [smem:$0x3FAE];
	_ =	sdelay $0x3  }
0x34: {  	[smem:$0x3FAE] =	sst s10  }
0x35: {  	s10 =	sld [smem:$0x3FAD];
	_ =	sdelay $0x3  }
0x36: {  	p1 =	seq.s32 s10, $0x1;
	s10 =	sld [smem:$0x3FAE];
	_ =	sdelay $0x3  }
0x37: {  	[smem:$0x3FAE] =	sst s10  }
0x38: {  	s10 =	sld [smem:$0x3FAF]  }
0x39: {  	_ = 	snop;
	(pc) =	sbr.ind lr, $3  }
0x3a: {  	_ = 	snop  }
0x3b: {  	_ = 	snop  }
0x3c: {  	p2 =	seq.s32 s10, $0x1;
	s10 =	sld [smem:$0x3FAE]  }
0x3d: {  	_ =	shalt  }
0x3e: {  	_ =	shalt  }
0x3f: {  	_ =	shalt  }
0x40: {  	_ =	shalt  }
0x41: {  	_ =	shalt  }
0x42: {  	_ =	shalt  }
0x43: {  	_ =	shalt  }
0x44: {  	_ =	shalt  }
0x45: {  	_ =	shalt  }
0x46: {  	_ =	shalt  }
0x47: {  	_ =	shalt  }
0x48: {  	_ =	shalt  }
0x49: {  	_ =	shalt  }
0x4a: {  	_ =	shalt  }
0x4b: {  	_ =	shalt  }
0x4c: {  	_ =	shalt  }
0x4d: {  	_ =	shalt  }
0x4e: {  	_ =	shalt  }
0x4f: {  	_ =	shalt  }
0x50: {  	_ =	shalt  }
0x51: {  	_ =	shalt  }
0x52: {  	_ =	shalt  }
0x53: {  	_ =	shalt  }
0x54: {  	_ =	shalt  }
0x55: {  	_ =	shalt  }
0x56: {  	_ =	shalt  }
0x57: {  	_ =	shalt  }
0x58: {  	_ =	shalt  }
0x59: {  	_ =	shalt  }
0x5a: {  	_ =	shalt  }
0x5b: {  	_ =	shalt  }
0x5c: {  	_ =	shalt  }
0x5d: {  	_ =	shalt  }
0x5e: {  	_ =	shalt  }
0x5f: {  	_ =	shalt  }
0x60: {  	_ =	shalt  }
0x61: {  	_ =	shalt  }
0x62: {  	_ =	shalt  }
0x63: {  	_ =	shalt  }
0x64: {  	_ =	shalt  }
0x65: {  	_ =	shalt  }
0x66: {  	_ =	shalt  }
0x67: {  	_ =	shalt  }
0x68: {  	_ =	shalt  }
0x69: {  	_ =	shalt  }
0x6a: {  	_ =	shalt  }
0x6b: {  	_ =	shalt  }
0x6c: {  	_ =	shalt  }
0x6d: {  	_ =	shalt  }
0x6e: {  	_ =	shalt  }
0x6f: {  	_ =	shalt  }
0x70: {  	_ =	shalt  }
0x71: {  	_ =	shalt  }
0x72: {  	_ =	shalt  }
0x73: {  	_ =	shalt  }
0x74: {  	_ =	shalt  }
0x75: {  	_ =	shalt  }
0x76: {  	_ =	shalt  }
0x77: {  	_ =	shalt  }
0x78: {  	_ =	shalt  }
0x79: {  	_ =	shalt  }
0x7a: {  	_ =	shalt  }
0x7b: {  	_ =	shalt  }
0x7c: {  	_ =	shalt  }
0x7d: {  	_ =	shalt  }
0x7e: {  	_ =	shalt  }
0x7f: {  	_ =	shalt  }
0x80: {  	_ =	shalt  }
0x81: {  	_ =	shalt  }
0x82: {  	_ =	shalt  }
0x83: {  	_ =	shalt  }
0x84: {  	_ =	shalt  }
0x85: {  	_ =	shalt  }
0x86: {  	_ =	shalt  }
0x87: {  	_ =	shalt  }
.Lfunc_end0:
.L_simem_size_0:
called_computation_lowered:
.L_overlay_start_0:
0x88: {  	s2 =	sld [smem:$0x3FD9]  }
0x89: {  	s3 =	sld [smem:$0x3FFE];
	_ =	sdelay $0x1  }
0x8a: {  	s1 =	srdreg.scid  }
0x8b: {  	s0 =	sand.u32 $0x1, s1  }
0x8c: {  	s17 =	sshll.u32 s0, $0xA;
	s2 =	sadd.s32 s3, s2  }
0x8d: {  	s2 =	sadd.s32 s2, s17  }
0x8e: {  	[smem:$0x3FBA] =	sst s2  }
0x8f: {  	_ = 	snop  }
0x90: {  	s2 =	sld [smem:$0x3FC5]  }
0x91: {  	s18 =	sld [smem:$0x3FC4]  }
0x92: {  	s4 =	sld [smem:$0x3FD0];
	(tm) =	ssettm $0x1  }
0x93: {  	s5 =	sld [smem:$0x3FFB];
	_ =	sdelay $0x3  }
0x94: {  	_ =	strace s5  }
0x95: {  	s5 =	sld [smem:$0x3FFC];
	_ =	sdelay $0x3  }
0x96: {  	_ =	strace s5  }
0x97: {  	s5 =	sld [smem:$0x3FFD];
	_ =	sdelay $0x3  }
0x98: {  	_ =	strace s5  }
0x99: {  	_ =	strace $0x8FFFFFFF  }
0x9a: {  	s19 =	sld [smem:$0x3FDB];
	_ =	sdelay $0x1  }
0x9b: {  	s6 =	simm.s32 $_scs_section_size  }
0x9c: {  	s7 =	simm.s32 $_size__tile_overlayer_lowered;
	s8 =	simm.s32 $_tile_overlayer_lowered  }
0x9d: {  	s22 =	simm.s32 $0x1BFF;
	s21 =	sshll.u32 s8, $0x1;
	s5 =	sadd.s32 s6, s19  }
0x9e: {  	s9 =	simm.s32 $0x0;
	s20 =	sshll.u32 s7, $0x1;
	s7 =	sadd.s32 s21, s5  }
0x9f: {  	[timem:s9], [sflag:s22] =	dma.local [hbm:s7], s20  }
0xa0: {  	_ =	swait.ge [sflag:s22], s20  }
0xa1: {  	s6 =	ssub.s32 $0x0, s20;
	[sflag:s22] =	ssyncset.done $0x0  }
0xa2: {  	[sflag:s22] =	ssyncadd.s32 s6;
	_ =	sdelay $0x1  }
0xa3: {  	s23 =	simm.s32 $0x1B8B  }
0xa4: {  	_ =	swait.ge [sflag:s23], $0x1  }
0xa5: {  	[sflag:s23] =	ssyncset.done $0x0  }
0xa6: {  	s25 =	simm.s32 $0x1B8E;
	s24 =	sld [smem:$0x3FFE];
	[sflag:s23] =	ssyncadd.s32 $0xFFFFFFFF  }
0xa7: {  	s26 =	simm.s32 $execute0_lowered;
	[smem:$0x3FD2] =	sst s25  }
0xa8: {  	s7 =	sshll.u32 s26, $0x1;
	_ =	strace $0x80000046;
	[dreg:$0x1] =	wrdreg $0xFFFFFFFF  }
0xa9: {  	s28 =	simm.s32 $_size_execute0_lowered;
	s5 =	sadd.s32 s5, s7;
	[dreg:$0x0] =	wrdreg $0x0  }
0xaa: {  	s7 =	sshll.u32 s28, $0x1;
	[dreg:$0x2] =	wrdreg s5  }
0xab: {  	[dreg:$0x3] =	wrdreg s7  }
0xac: {  	[dreg:$0x4] =	wrdreg $0xC0  }
0xad: {  	_ =	task [dreg:s9], $0x5FFFF  }
0xae: {  	[dreg:$0x1] =	wrdreg $0xFFFFFFFF  }
0xaf: {  	[dreg:$0x0] =	wrdreg $0x60  }
0xb0: {  	[dreg:$0x2] =	wrdreg s18  }
0xb1: {  	[dreg:$0x3] =	wrdreg s24  }
0xb2: {  	[dreg:$0x4] =	wrdreg s2  }
0xb3: {  	[dreg:$0x5] =	wrdreg s4  }
0xb4: {  	[dreg:$0x6] =	wrdreg $0x9  }
0xb5: {  	_ =	task.clear_ibuf [dreg:s9], $0x7FFFF;
	_ =	strace $0x90000046  }
0xb6: {  	s29 =	simm.s32 $0x9;
	_ =	strace $0x80000048  }
0xb7: {  	_ =	swait.ge [sflag:s29], $0x1  }
0xb8: {  	[sflag:s29] =	ssyncadd.s32 $0xFFFFFFFF  }
0xb9: {  	_ =	strace $0x90000048  }
0xba: {  	_ =	sfence  }
0xbb: {  	s30 =	sld [smem:$0x0];
	_ =	sdelay $0x2  }
0xbc: {  	s31 =	sshll.u32 s1, $0xD;
	s1 =	sshrl.u32 s1, $0x2  }
0xbd: {  	s3 =	sand.u32 $0x4000, s31;
	s1 =	sadd.s32 s1, s30  }
0xbe: {  	s0 =	sor.u32 s3, s0;
	s1 =	sshll.u32 s1, $0x11  }
0xbf: {  	s0 =	sor.u32 s1, s0  }
0xc0: {  	s0 =	sadd.s32 $0x8F2B, s0  }
0xc1: {  	[sflag:s0] =	ssyncadd.remote.s32 $0x1  }
0xc2: {  	_ =	sfence.sel $0xFFFF  }
0xc3: {  	[dreg:$0x0] =	wrdreg $0xFFFFFFFF;
	(pc) =	sbr.abs _section_cstart, $3  }
0xc4: {  	[dreg:$0x1] =	wrdreg $0xFFFFFFFF  }
0xc5: {  	_ =	task.clear_ibuf [dreg:s9], $0x2FFFF;
	_ =	strace $0x9FFFFFFF  }
0xc6: {  	(tm) =	ssettm $0x7FFFFFFF  }
0xc7: {  	_ =	shalt  }
tec
execute0_lowered:
.L_overlay_start_1:
0x0: {  	(tag) =	ssettag $0x1  }
0x1: {  	s1 =	rddreg [dreg:$0x0]  }
0x2: {  	s16 =	rddreg [dreg:$0x1]  }
0x3: {  	s2 =	srdreg.scid;
	s0 =	stileid.u32  }
0x4: {  	s3 =	rddreg [dreg:$0x2];
	s15 =	sand.u32 $0x1, s2;
	s5 =	sshll.u32 s0, $0x1  }
0x5: {  	s14 =	rddreg [dreg:$0x3];
	s17 =	sor.u32 s15, s5  }
0x6: {  	s4 =	simm.s32 $0x0;
	s7 =	simm.s32 $0x3480;
	s5 =	sshll.u32 s17, $0x3  }
0x7: {  	s6 =	simm.s32 $0x3;
	[smem:$0x7FF] =	sst s4;
	s5 =	sadd.s32 s5, s16  }
0x8: {  	s2 =	rddreg [dreg:$0x4];
	_ =	strace $0x80000047;
	s5 =	sadd.s32 $0x3600, s5  }
0x9: {  	[tilespmem:s7], [sflag:$0x3] =	stream.linear.gather [hbm4b:s5+s4], $0x40, $0x38;
	[tilespmem:$0x5500] =	vst v63  }
0xa: {  	_ =	swait.ge [sflag:s6], $0x40  }
0xb: {  	s9 =	simm.s32 $0x3500;
	s8 =	sshll.u32 s17, $0x4;
	[sflag:s6] =	ssyncset.done $0x0  }
0xc: {  	s10 =	sadd.s32 s8, s16;
	s8 =	simm.s32 $0x40;
	[sflag:s6] =	ssyncadd.s32 $0xFFFFFFC0  }
0xd: {  	[tilespmem:s9], [sflag:$0x2] =	stream.indirect.gather [hbm4b:s3+s8], $0x80, s7, s8, $0xb8;
	[tilespmem:$0x5500] =	vst v63  }
0xe: {  	s10 =	sadd.s32 $0x3800, s10  }
0xf: {  	[tilespmem:s4], [sflag:$0x3] =	stream.linear.gather [hbm4b:s10+s4], $0x68, $0x38;
	[tilespmem:$0x5500] =	vst v63  }
0x10: {  	_ =	swait.ge [sflag:s6], $0x68  }
0x11: {  	s11 =	simm.s32 $0x68;
	[sflag:s6] =	ssyncset.done $0x0  }
0x12: {  	s12 =	simm.s32 $0x80;
	s13 =	simm.s32 $0x1;
	[sflag:s6] =	ssyncadd.s32 $0xFFFFFF98  }
0x13: {  	[tilespmem:s12], [sflag:$0x1] =	stream.indirect.gather [hbm4b:s1+s11], $0x80, s4, s11, $0xb8;
	[tilespmem:$0x5500] =	vst v63  }
0x14: {  	s18 =	smul.u32 $0x680, s17;
	_ =	swait.ge [sflag:s13], $0x3400  }
0x15: {  	[sflag:s13] =	ssyncset.done $0x0  }
0x16: {  	s30 =	ssub.s32 $0x2, s15;
	s14 =	sadd.s32 s14, s18;
	[sflag:s13] =	ssyncadd.s32 $0xFFFFCC00  }
0x17: {  	[hbm4b:s14+s4] =	stream.linear.scatter [tilespmem:s12], [sflag:$0x3], $0x3400, $0x38;
	[tilespmem:$0x5500] =	vst v63  }
0x18: {  	s15 =	simm.s32 $0x2;
	s19 =	sshrl.u32 s30, $0x1;
	_ =	swait.ge [sflag:s6], $0x3400  }
0x19: {  	s17 =	sshll.u32 s17, $0xA;
	s31 =	ssub.s32 s30, s19;
	[sflag:s6] =	ssyncset.done $0x0  }
0x1a: {  	s16 =	sadd.s32 s17, s16;
	s17 =	smax.u32 s31, $0x1;
	[sflag:s6] =	ssyncadd.s32 $0xFFFFCC00  }
0x1b: {  	p0 =	sne.s32 s17, $0x1;
	_ =	swait.ge [sflag:s15], $0x2000  }
.Ltmp0:
0x1c: {  	[sflag:s15] =	ssyncset.done $0x0;
	(pc) =	sbr.rel @!p0 .LBB2_2-.Ltmp0, $4  }
0x1d: {  	s16 =	sadd.s32 $0x3A00, s16;
	[sflag:s15] =	ssyncadd.s32 $0xFFFFE000  }
0x1e: {  	[hbm4b:s16+s4] =	stream.linear.scatter [tilespmem:s9], [sflag:$0x3], $0x2000, $0x38;
	[tilespmem:$0x5500] =	vst v63  }
0x1f: {  	_ =	swait.ge [sflag:s6], $0x2000  }
0x20: {  	s17 =	sadd.s32 $0xFFFFFFFF, s17;
	[sflag:s6] =	ssyncset.done $0x0  }
.LBB2_1:
0x21: {  	p0 =	sne.s32 s17, $0x1;
	s17 =	sadd.s32 $0xFFFFFFFF, s17;
	[sflag:s6] =	ssyncadd.s32 $0xFFFFE000  }
0x22: {  	[tilespmem:s7], [sflag:$0x3] =	stream.linear.gather [hbm4b:s5+s4], $0x40, $0x38;
	[tilespmem:$0x5500] =	vst v63  }
0x23: {  	_ =	swait.ge [sflag:s6], $0x40  }
0x24: {  	[sflag:s6] =	ssyncset.done $0x0  }
0x25: {  	[sflag:s6] =	ssyncadd.s32 $0xFFFFFFC0  }
0x26: {  	[tilespmem:s9], [sflag:$0x2] =	stream.indirect.gather [hbm4b:s3+s8], $0x80, s7, s8, $0xb8;
	[tilespmem:$0x5500] =	vst v63  }
0x27: {  	_ = 	snop  }
0x28: {  	[tilespmem:s4], [sflag:$0x3] =	stream.linear.gather [hbm4b:s10+s4], $0x68, $0x38;
	[tilespmem:$0x5500] =	vst v63  }
0x29: {  	_ =	swait.ge [sflag:s6], $0x68  }
0x2a: {  	[sflag:s6] =	ssyncset.done $0x0  }
0x2b: {  	[sflag:s6] =	ssyncadd.s32 $0xFFFFFF98  }
0x2c: {  	[tilespmem:s12], [sflag:$0x1] =	stream.indirect.gather [hbm4b:s1+s11], $0x80, s4, s11, $0xb8;
	[tilespmem:$0x5500] =	vst v63  }
0x2d: {  	_ =	swait.ge [sflag:s13], $0x3400  }
0x2e: {  	[sflag:s13] =	ssyncset.done $0x0  }
0x2f: {  	[sflag:s13] =	ssyncadd.s32 $0xFFFFCC00  }
0x30: {  	[hbm4b:s14+s4] =	stream.linear.scatter [tilespmem:s12], [sflag:$0x3], $0x3400, $0x38;
	[tilespmem:$0x5500] =	vst v63  }
0x31: {  	_ =	swait.ge [sflag:s6], $0x3400  }
0x32: {  	[sflag:s6] =	ssyncset.done $0x0  }
0x33: {  	[sflag:s6] =	ssyncadd.s32 $0xFFFFCC00  }
0x34: {  	_ =	swait.ge [sflag:s15], $0x2000  }
.Ltmp1:
0x35: {  	[sflag:s15] =	ssyncset.done $0x0;
	(pc) =	sbr.rel @p0 .LBB2_1-.Ltmp1, $4  }
0x36: {  	[sflag:s15] =	ssyncadd.s32 $0xFFFFE000  }
0x37: {  	[hbm4b:s16+s4] =	stream.linear.scatter [tilespmem:s9], [sflag:$0x3], $0x2000, $0x38;
	[tilespmem:$0x5500] =	vst v63  }
0x38: {  	_ =	swait.ge [sflag:s6], $0x2000  }
0x39: {  	[sflag:s6] =	ssyncset.done $0x0  }
.LBB2_2:
0x3a: {  	[sflag:s6] =	ssyncadd.s32 $0xFFFFE000  }
0x3b: {  	_ =	sfence.sel $0x180000  }
0x3c: {  	[bflag:$0x0] =	sbarrier.arrive $0xFFFF  }
0x3d: {  	p0 =	sne.s32 s0, $0x0;
	_ =	strace $0x90000047  }
0x3e: {  	s0 =	sadd.s32 @!p0 $0x100000, s2;
	[bflag:$0x2] =	sbarrier.arrive $0xFFFF  }
0x3f: {  	[sflag:s0] =	ssyncadd.tile.s32 @!p0 $0x1;
	_ =	shalt  }
.Lfunc_end2:
_tile_overlayer_lowered:
.L_overlay_start_2:
0x40: {  	(tag) =	ssettag $0x2  }
0x41: {  	s0 =	rddreg [dreg:$0x0];
	s2 =	stileid.u32  }
0x42: {  	s1 =	rddreg [dreg:$0x1];
	p0 =	sne.s32 s2, $0x0  }
0x43: {  	s3 =	rddreg [dreg:$0x2];
	[bflag:$0x3] =	sbarrier.arrive $0xFFFF;
	s2 =	simm.s32 @!p0 $0x1C03  }
0x44: {  	[timem:s3], [sflag:s2] =	dma.local @!p0 [hbm:s0], s1  }
0x45: {  	s0 =	simm.s32 @!p0 $0x3  }
0x46: {  	_ =	swait.ge @!p0 [sflag:s0], s1  }
0x47: {  	s1 =	ssub.s32 @!p0 $0x0, s1;
	[sflag:s0] =	ssyncset.done @!p0 $0x0  }
0x48: {  	[sflag:s0] =	ssyncadd.s32 @!p0 s1  }
0x49: {  	[bflag:$0x3] =	sbarrier.arrive $0xFFFF  }
0x4a: {  	_ =	shalt  }

</sc_bundles>
